<compile_context>
chip_gen: v7x
topology: tpu7x:2x2x1
jax: 0.10.2.dev20260603
libtpu: 0.0.44.dev20260713+nightly
codegen_flags: <defaults>
</compile_context>

<pallas_src>
import jax
import jax.numpy as jnp
from jax import lax
from jax.experimental import pallas as pl
from jax.experimental.pallas import tpu as pltpu
from jax.experimental.pallas import tpu_sc as plsc

N = 10000
H = 128
E = 320000
NC = 2
NS = 16
NW = NC * NS
CH = 128
EPW = 10240
PE = EPW * NW
CPW = EPW // CH
ROWS = 10240
RPT = ROWS // NS
CHD = 1024
CPWD = EPW // CHD
BR = 2000

_mesh = plsc.VectorSubcoreMesh(core_axis_name="c", subcore_axis_name="s")


def _deg_body(d2_hbm, out_hbm, deg_sh, idxb, ones_v, zb_v, isem):
    cid = lax.axis_index("c")
    sid = lax.axis_index("s")
    wid = sid * NC + cid

    @pl.loop(0, RPT // 16)
    def _(i):
        zb_v[pl.ds(i * 16, 16)] = jnp.zeros((16,), jnp.float32)

    pltpu.sync_copy(zb_v, deg_sh.at[pl.ds(sid * RPT, RPT)])

    @pl.loop(0, CH // 16)
    def _(i):
        ones_v[pl.ds(i * 16, 16)] = jnp.full((16,), 1.0, jnp.float32)

    plsc.subcore_barrier()
    base = wid * (EPW // CH)
    rpc = CHD // CH
    pltpu.async_copy(d2_hbm.at[pl.ds(base, rpc)], idxb[0], isem[0])

    @pl.loop(0, CPWD, step=2)
    def _(c):
        for b in (0, 1):
            cc = c + b

            @pl.when(cc + 1 < CPWD)
            def _():
                pltpu.async_copy(
                    d2_hbm.at[pl.ds(base + (cc + 1) * rpc, rpc)],
                    idxb[b ^ 1], isem[b ^ 1])

            pltpu.make_async_copy(d2_hbm.at[pl.ds(0, rpc)], idxb[b],
                                  isem[b]).wait()
            for j in range(rpc):
                pltpu.sync_copy(ones_v, deg_sh.at[idxb[b].at[j]], add=True)

    plsc.subcore_barrier()
    pltpu.sync_copy(deg_sh.at[pl.ds(sid * RPT, RPT)],
                    out_hbm.at[cid].at[pl.ds(sid * RPT, RPT)])


_deg_kernel = pl.kernel(
    _deg_body,
    out_type=jax.ShapeDtypeStruct((NC, ROWS), jnp.float32),
    mesh=_mesh,
    scratch_types=[
        pltpu.VMEM_SHARED((ROWS,), jnp.float32),
        [pltpu.VMEM((CHD // CH, CH), jnp.int32)] * 2,
        pltpu.VMEM((CH,), jnp.float32),
        pltpu.VMEM((RPT,), jnp.float32),
        [pltpu.SemaphoreType.DMA] * 2,
    ],
)


def _agg_body(h_hbm, pk_hbm, out_hbm, acc_sh, idxb, rows_v, gsem, isem):
    cid = lax.axis_index("c")
    sid = lax.axis_index("s")
    wid = sid * NC + cid

    @pl.loop(0, CH)
    def _(r):
        @pl.loop(0, H // 16)
        def _(j):
            rows_v[0].at[r][pl.ds(j * 16, 16)] = jnp.zeros((16,), jnp.float32)

    @pl.loop(0, RPT // CH)
    def _(i):
        pltpu.sync_copy(rows_v[0], acc_sh.at[pl.ds(sid * RPT + i * CH, CH)])

    plsc.subcore_barrier()
    base = wid * CPW

    for k in range(3):
        pltpu.async_copy(pk_hbm.at[base + k], idxb[k], isem[k])
    pltpu.make_async_copy(pk_hbm.at[0], idxb[0], isem[0]).wait()
    pltpu.async_copy(h_hbm.at[idxb[0].at[0]], rows_v[0], gsem[0])

    @pl.loop(0, CPW, step=4)
    def _(c):
        for u in range(4):
            cc = c + u
            ib = u
            b = u & 1
            nib = (u + 1) % 4

            @pl.when(cc + 1 < CPW)
            def _():
                pltpu.make_async_copy(pk_hbm.at[0], idxb[nib],
                                      isem[nib]).wait()
                pltpu.async_copy(h_hbm.at[idxb[nib].at[0]], rows_v[b ^ 1],
                                 gsem[b ^ 1])

            @pl.when(cc + 3 < CPW)
            def _():
                pltpu.async_copy(pk_hbm.at[base + cc + 3], idxb[(u + 3) % 4],
                                 isem[(u + 3) % 4])

            pltpu.make_async_copy(h_hbm.at[idxb[ib].at[0]], rows_v[b],
                                  gsem[b]).wait()
            pltpu.sync_copy(rows_v[b], acc_sh.at[idxb[ib].at[1]], add=True)

    plsc.subcore_barrier()
    pltpu.sync_copy(acc_sh.at[pl.ds(sid * RPT, RPT)],
                    out_hbm.at[cid].at[pl.ds(sid * RPT, RPT)])


_agg_kernel = pl.kernel(
    _agg_body,
    out_type=jax.ShapeDtypeStruct((NC, ROWS, H), jnp.float32),
    mesh=_mesh,
    scratch_types=[
        pltpu.VMEM_SHARED((ROWS, H), jnp.float32),
        [pltpu.VMEM((2, CH), jnp.int32)] * 4,
        [pltpu.VMEM((CH, H), jnp.float32)] * 2,
        [pltpu.SemaphoreType.DMA] * 2,
        [pltpu.SemaphoreType.DMA] * 4,
    ],
)


def _dvec(degp):
    return lax.rsqrt(degp[:, 0:1] + degp[:, 1:2] + 1.0)


def _m1_body(x_ref, w_ref, dp_ref, o_ref):
    d = _dvec(dp_ref[...])
    h = lax.dot_general(x_ref[...], w_ref[...], (((1,), (1,)), ((), ())),
                        precision=lax.Precision.HIGHEST)
    o_ref[...] = h * d


def _e1m2_body(p_ref, hs_ref, dp_ref, b_ref, w_ref, o_ref):
    d = _dvec(dp_ref[...])
    z = (p_ref[0] + p_ref[1] + hs_ref[...]) * d + b_ref[...]
    z = jnp.maximum(z, 0.0)
    h2 = lax.dot_general(z, w_ref[...], (((1,), (1,)), ((), ())),
                         precision=lax.Precision.HIGHEST)
    o_ref[...] = h2 * d


def _e2_body(p_ref, hs_ref, dp_ref, b_ref, o_ref):
    d = _dvec(dp_ref[...])
    z = (p_ref[0] + p_ref[1] + hs_ref[...]) * d + b_ref[...]
    o_ref[...] = jnp.maximum(z, 0.0)


_row_spec = pl.BlockSpec((BR, H), lambda i: (i, 0))
_w_spec = pl.BlockSpec((H, H), lambda i: (0, 0))
_dp_spec = pl.BlockSpec((BR, 2), lambda i: (i, 0))
_b_spec = pl.BlockSpec((1, H), lambda i: (0, 0))
_p_spec = pl.BlockSpec((NC, BR, H), lambda i: (0, i, 0))
_out_shape = jax.ShapeDtypeStruct((N, H), jnp.float32)
_grid = (N // BR,)

_m1_kernel = pl.pallas_call(
    _m1_body, grid=_grid,
    in_specs=[_row_spec, _w_spec, _dp_spec],
    out_specs=_row_spec, out_shape=_out_shape)

_e1m2_kernel = pl.pallas_call(
    _e1m2_body, grid=_grid,
    in_specs=[_p_spec, _row_spec, _dp_spec, _b_spec, _w_spec],
    out_specs=_row_spec, out_shape=_out_shape)

_e2_kernel = pl.pallas_call(
    _e2_body, grid=_grid,
    in_specs=[_p_spec, _row_spec, _dp_spec, _b_spec],
    out_specs=_row_spec, out_shape=_out_shape)


def kernel(x, edge_index, W1, b1, W2, b2):
    src = edge_index[0].astype(jnp.int32)
    dst = edge_index[1].astype(jnp.int32)
    npad = PE - E
    pidx = jnp.arange(npad, dtype=jnp.int32)
    src_p = jnp.concatenate([src, pidx % N]).reshape(-1, CH)
    dst_p = jnp.concatenate([dst, N + pidx % (ROWS - N)]).reshape(-1, CH)
    packed = jnp.stack([src_p, dst_p], axis=1)
    b1r = b1.reshape(1, H)
    b2r = b2.reshape(1, H)

    degp = _deg_kernel(dst_p)
    degpT = degp.T

    h1s = _m1_kernel(x, W1, degpT)
    p1 = _agg_kernel(h1s, packed)
    h2s = _e1m2_kernel(p1, h1s, degpT, b1r, W2)
    p2 = _agg_kernel(h2s, packed)
    return _e2_kernel(p2, h2s, degpT, b2r)

# --- scband reference (transcript-rebuilt; emitter-appended) ---
"""Pipeline reference for scband-gcnn-90022514524343 (READ-ONLY COPY).

The authoritative reference and input builder live on the scoring server;
editing this copy changes nothing except your own understanding.
"""

import jax, jax.numpy as jnp
import numpy as np

H_DIM = 128
N_NODES = 10000
N_EDGES = 320000


def setup_inputs(seed: int = 0) -> dict:
    key = jax.random.key(seed)
    k_x, k_e, k_w1, k_b1, k_w2, k_b2 = jax.random.split(key, 6)
    x = jax.random.normal(k_x, (N_NODES, H_DIM), dtype=jnp.float32)
    edge_index = jax.random.randint(k_e, (2, N_EDGES), 0, N_NODES, dtype=jnp.int64)
    # GCNConv linear weights (glorot-style) and biases for 2 layers
    s = 1.0 / np.sqrt(H_DIM)
    W1 = jax.random.uniform(k_w1, (H_DIM, H_DIM), minval=-s, maxval=s, dtype=jnp.float32)
    b1 = jnp.zeros((H_DIM,), dtype=jnp.float32)
    W2 = jax.random.uniform(k_w2, (H_DIM, H_DIM), minval=-s, maxval=s, dtype=jnp.float32)
    b2 = jnp.zeros((H_DIM,), dtype=jnp.float32)
    return {"x": x, "edge_index": edge_index, "W1": W1, "b1": b1, "W2": W2, "b2": b2}


def _gcn_conv(x, src, dst, W, b):
    # x' = D^{-1/2} (A + I) D^{-1/2} (x @ W^T) + b   (PyG GCNConv defaults)
    n = x.shape[0]
    deg = jnp.zeros((n,), dtype=x.dtype).at[dst].add(1.0)
    deg_inv_sqrt = jnp.where(deg > 0, jax.lax.rsqrt(jnp.maximum(deg, 1.0)), 0.0)
    norm = deg_inv_sqrt[src] * deg_inv_sqrt[dst]
    h = x @ W.T
    msg = h[src] * norm[:, None]
    out = jnp.zeros_like(h).at[dst].add(msg)
    return out + b


def reference(x, edge_index, W1, b1, W2, b2):
    n = x.shape[0]
    loop = jnp.arange(n, dtype=edge_index.dtype)
    src = jnp.concatenate([edge_index[0], loop])
    dst = jnp.concatenate([edge_index[1], loop])
    h = _gcn_conv(x, src, dst, W1, b1)
    h = jax.nn.relu(h)
    h = _gcn_conv(h, src, dst, W2, b2)
    h = jax.nn.relu(h)
    return h

if __name__ == "__main__":
    import jax
    _d = setup_inputs()
    print(jax.jit(kernel)(*tuple(_d.values())))

</pallas_src>

<mosaic_0001>
#map = affine_map<(d0, d1) -> (0, 0)>
#map1 = affine_map<(d0, d1) -> (0, 0, 0)>
module attributes {stable_mosaic.version = 14 : i64} {
  func.func @_agg_body(%arg0: i32, %arg1: i32, %arg2: memref<10000x128xf32, #tpu.memory_space<hbm>>, %arg3: memref<2560x2x128xi32, #tpu.memory_space<hbm>>, %arg4: memref<2x10240x128xf32, #tpu.memory_space<hbm>>, %arg5: memref<10240x128xf32, #tpu.memory_space<vmem_shared>>, %arg6: memref<2x128xi32, #tpu.memory_space<vmem>>, %arg7: memref<2x128xi32, #tpu.memory_space<vmem>>, %arg8: memref<2x128xi32, #tpu.memory_space<vmem>>, %arg9: memref<2x128xi32, #tpu.memory_space<vmem>>, %arg10: memref<128x128xf32, #tpu.memory_space<vmem>>, %arg11: memref<128x128xf32, #tpu.memory_space<vmem>>, %arg12: memref<!tpu.dma_semaphore, #tpu.memory_space<semaphore_mem>>, %arg13: memref<!tpu.dma_semaphore, #tpu.memory_space<semaphore_mem>>, %arg14: memref<!tpu.dma_semaphore, #tpu.memory_space<semaphore_mem>>, %arg15: memref<!tpu.dma_semaphore, #tpu.memory_space<semaphore_mem>>, %arg16: memref<!tpu.dma_semaphore, #tpu.memory_space<semaphore_mem>>, %arg17: memref<!tpu.dma_semaphore, #tpu.memory_space<semaphore_mem>>) attributes {dimension_semantics = [#tpu.dimension_semantics<core_parallel>, #tpu.dimension_semantics<subcore_parallel>], iteration_bounds = array<i64: 2, 16>, scalar_prefetch = 0 : i64, scratch_operands = 13 : i64, tpu.core_type = #tpu.core_type<sc_vector_subcore>, window_params = [{transform_indices = #map}, {transform_indices = #map1}, {transform_indices = #map1}]} {
    %mul3A = arith.constant 2 : i32
    %mul3A_0 = arith.muli %arg1, %mul3A : i32
    %add3A = arith.addi %mul3A_0, %arg0 : i32
    %scan3A = arith.constant 0 : i32
    %scan3A_1 = arith.constant 128 : i32
    %scan3A_2 = arith.addi %scan3A, %scan3A_1 : i32
    %scan3A_3 = arith.constant 1 : i32
    scf.for %scan3A_66 = %scan3A to %scan3A_2 step %scan3A_3  : i32 {
      %mul3A_67 = arith.constant 1 : i32
      %mul3A_68 = arith.muli %scan3A_66, %mul3A_67 : i32
      %add3A_69 = arith.constant 0 : i32
      %add3A_70 = arith.addi %add3A_69, %mul3A_68 : i32
      %scan3A_71 = arith.constant 0 : i32
      %scan3A_72 = arith.constant 8 : i32
      %scan3A_73 = arith.addi %scan3A_71, %scan3A_72 : i32
      %scan3A_74 = arith.constant 1 : i32
      scf.for %scan3A_76 = %scan3A_71 to %scan3A_73 step %scan3A_74  : i32 {
        %mul3A_77 = arith.constant 1 : i32
        %mul3A_78 = arith.muli %scan3A_76, %mul3A_77 : i32
        %add3A_79 = arith.constant 0 : i32
        %add3A_80 = arith.addi %add3A_79, %mul3A_78 : i32
        %broadcast_in_dim3A = arith.constant 0.000000e+00 : f32
        %broadcast_in_dim3A_81 = vector.broadcast %broadcast_in_dim3A : f32 to vector<16xf32>
        %mul3A_82 = arith.constant 16 : i32
        %mul3A_83 = arith.muli %add3A_80, %mul3A_82 : i32
        %swap3A = arith.constant 0 : i32
        %swap3A_84 = tpu.memref_slice %arg10[%add3A_70, %swap3A] : memref<128x128xf32, #tpu.memory_space<vmem>> -> memref<1x128xf32, #tpu.memory_space<vmem>>
        %swap3A_85 = tpu.memref_squeeze %swap3A_84 : memref<1x128xf32, #tpu.memory_space<vmem>> -> memref<128xf32, #tpu.memory_space<vmem>>
        %swap3A_86 = arith.index_cast %mul3A_83 : i32 to index
        %swap3A_87 = tpu.vector_load %swap3A_85[%swap3A_86] {strides = array<i32>} : memref<128xf32, #tpu.memory_space<vmem>>, vector<16xf32>,
        %swap3A_88 = vector.shape_cast %swap3A_87 : vector<16xf32> to vector<16xf32>
        %swap3A_89 = vector.shape_cast %broadcast_in_dim3A_81 : vector<16xf32> to vector<16xf32>
        tpu.vector_store %swap3A_85[%swap3A_86], %swap3A_89 {strides = array<i32>} : memref<128xf32, #tpu.memory_space<vmem>>, vector<16xf32>,
      }
      %scan3A_75 = arith.constant 8 : i32
    }
    %scan3A_4 = arith.constant 128 : i32
    %scan3A_5 = arith.constant 0 : i32
    %scan3A_6 = arith.constant 5 : i32
    %scan3A_7 = arith.addi %scan3A_5, %scan3A_6 : i32
    %scan3A_8 = arith.constant 1 : i32
    scf.for %scan3A_66 = %scan3A_5 to %scan3A_7 step %scan3A_8  : i32 {
      %mul3A_67 = arith.constant 1 : i32
      %mul3A_68 = arith.muli %scan3A_66, %mul3A_67 : i32
      %add3A_69 = arith.constant 0 : i32
      %add3A_70 = arith.addi %add3A_69, %mul3A_68 : i32
      %mul3A_71 = arith.constant 640 : i32
      %mul3A_72 = arith.muli %arg1, %mul3A_71 : i32
      %mul3A_73 = arith.constant 128 : i32
      %mul3A_74 = arith.muli %add3A_70, %mul3A_73 : i32
      %add3A_75 = arith.addi %mul3A_72, %mul3A_74 : i32
      "tpu.region"() ({
        %run_scoped3A = tpu.sem_alloc : memref<!tpu.dma_semaphore, #tpu.memory_space<semaphore_mem>>
        %dma_start3A_76 = arith.constant 0 : i32
        %dma_start3A_77 = tpu.memref_slice %arg5[%add3A_75, %dma_start3A_76] : memref<10240x128xf32, #tpu.memory_space<vmem_shared>> -> memref<128x128xf32, #tpu.memory_space<vmem_shared>>
        %dma_start3A_78 = arith.constant 0 : i32
        %dma_start3A_79 = tpu.memref_slice %arg5[%add3A_75, %dma_start3A_78] : memref<10240x128xf32, #tpu.memory_space<vmem_shared>> -> memref<128x128xf32, #tpu.memory_space<vmem_shared>>
        tpu.enqueue_dma source(%arg10 : memref<128x128xf32, #tpu.memory_space<vmem>>) target(%dma_start3A_79 : memref<128x128xf32, #tpu.memory_space<vmem_shared>>) target_semaphore(%run_scoped3A : memref<!tpu.dma_semaphore, #tpu.memory_space<semaphore_mem>>)
        %dma_wait3A_80 = arith.constant 0 : i32
        %dma_wait3A_81 = tpu.memref_slice %arg5[%add3A_75, %dma_wait3A_80] : memref<10240x128xf32, #tpu.memory_space<vmem_shared>> -> memref<128x128xf32, #tpu.memory_space<vmem_shared>>
        %dma_wait3A_82 = arith.constant 0 : i32
        %dma_wait3A_83 = tpu.memref_slice %arg5[%add3A_75, %dma_wait3A_82] : memref<10240x128xf32, #tpu.memory_space<vmem_shared>> -> memref<128x128xf32, #tpu.memory_space<vmem_shared>>
        tpu.wait_dma2 semaphore(%run_scoped3A : memref<!tpu.dma_semaphore, #tpu.memory_space<semaphore_mem>>) src(%arg10 : memref<128x128xf32, #tpu.memory_space<vmem>>) dst(%dma_wait3A_83 : memref<128x128xf32, #tpu.memory_space<vmem_shared>>)
        tpu.yield
      }) : () -> ()
    }
    %scan3A_9 = arith.constant 5 : i32
    %barrier3A = arith.constant 0 : index
    tpu.barrier barrier_id(%barrier3A)
    %mul3A_10 = arith.constant 80 : i32
    %mul3A_11 = arith.muli %add3A, %mul3A_10 : i32
    %add3A_12 = arith.constant 0 : i32
    %add3A_13 = arith.addi %mul3A_11, %add3A_12 : i32
    %dma_start3A = arith.constant 0 : i32
    %dma_start3A_14 = arith.constant 0 : i32
    %dma_start3A_15 = tpu.memref_slice %arg3[%add3A_13, %dma_start3A, %dma_start3A_14] : memref<2560x2x128xi32, #tpu.memory_space<hbm>> -> memref<1x2x128xi32, #tpu.memory_space<hbm>>
    %dma_start3A_16 = tpu.memref_squeeze %dma_start3A_15 : memref<1x2x128xi32, #tpu.memory_space<hbm>> -> memref<2x128xi32, #tpu.memory_space<hbm>>
    %dma_start3A_17 = arith.constant 0 : i32
    %dma_start3A_18 = arith.constant 0 : i32
    %dma_start3A_19 = tpu.memref_slice %arg3[%add3A_13, %dma_start3A_17, %dma_start3A_18] : memref<2560x2x128xi32, #tpu.memory_space<hbm>> -> memref<1x2x128xi32, #tpu.memory_space<hbm>>
    %dma_start3A_20 = tpu.memref_squeeze %dma_start3A_19 : memref<1x2x128xi32, #tpu.memory_space<hbm>> -> memref<2x128xi32, #tpu.memory_space<hbm>>
    tpu.enqueue_dma source(%dma_start3A_20 : memref<2x128xi32, #tpu.memory_space<hbm>>) target(%arg6 : memref<2x128xi32, #tpu.memory_space<vmem>>) target_semaphore(%arg14 : memref<!tpu.dma_semaphore, #tpu.memory_space<semaphore_mem>>)
    %add3A_21 = arith.constant 1 : i32
    %add3A_22 = arith.addi %mul3A_11, %add3A_21 : i32
    %dma_start3A_23 = arith.constant 0 : i32
    %dma_start3A_24 = arith.constant 0 : i32
    %dma_start3A_25 = tpu.memref_slice %arg3[%add3A_22, %dma_start3A_23, %dma_start3A_24] : memref<2560x2x128xi32, #tpu.memory_space<hbm>> -> memref<1x2x128xi32, #tpu.memory_space<hbm>>
    %dma_start3A_26 = tpu.memref_squeeze %dma_start3A_25 : memref<1x2x128xi32, #tpu.memory_space<hbm>> -> memref<2x128xi32, #tpu.memory_space<hbm>>
    %dma_start3A_27 = arith.constant 0 : i32
    %dma_start3A_28 = arith.constant 0 : i32
    %dma_start3A_29 = tpu.memref_slice %arg3[%add3A_22, %dma_start3A_27, %dma_start3A_28] : memref<2560x2x128xi32, #tpu.memory_space<hbm>> -> memref<1x2x128xi32, #tpu.memory_space<hbm>>
    %dma_start3A_30 = tpu.memref_squeeze %dma_start3A_29 : memref<1x2x128xi32, #tpu.memory_space<hbm>> -> memref<2x128xi32, #tpu.memory_space<hbm>>
    tpu.enqueue_dma source(%dma_start3A_30 : memref<2x128xi32, #tpu.memory_space<hbm>>) target(%arg7 : memref<2x128xi32, #tpu.memory_space<vmem>>) target_semaphore(%arg15 : memref<!tpu.dma_semaphore, #tpu.memory_space<semaphore_mem>>)
    %add3A_31 = arith.constant 2 : i32
    %add3A_32 = arith.addi %mul3A_11, %add3A_31 : i32
    %dma_start3A_33 = arith.constant 0 : i32
    %dma_start3A_34 = arith.constant 0 : i32
    %dma_start3A_35 = tpu.memref_slice %arg3[%add3A_32, %dma_start3A_33, %dma_start3A_34] : memref<2560x2x128xi32, #tpu.memory_space<hbm>> -> memref<1x2x128xi32, #tpu.memory_space<hbm>>
    %dma_start3A_36 = tpu.memref_squeeze %dma_start3A_35 : memref<1x2x128xi32, #tpu.memory_space<hbm>> -> memref<2x128xi32, #tpu.memory_space<hbm>>
    %dma_start3A_37 = arith.constant 0 : i32
    %dma_start3A_38 = arith.constant 0 : i32
    %dma_start3A_39 = tpu.memref_slice %arg3[%add3A_32, %dma_start3A_37, %dma_start3A_38] : memref<2560x2x128xi32, #tpu.memory_space<hbm>> -> memref<1x2x128xi32, #tpu.memory_space<hbm>>
    %dma_start3A_40 = tpu.memref_squeeze %dma_start3A_39 : memref<1x2x128xi32, #tpu.memory_space<hbm>> -> memref<2x128xi32, #tpu.memory_space<hbm>>
    tpu.enqueue_dma source(%dma_start3A_40 : memref<2x128xi32, #tpu.memory_space<hbm>>) target(%arg8 : memref<2x128xi32, #tpu.memory_space<vmem>>) target_semaphore(%arg16 : memref<!tpu.dma_semaphore, #tpu.memory_space<semaphore_mem>>)
    %dma_wait3A = arith.constant 0 : i32
    %dma_wait3A_41 = arith.constant 0 : i32
    %dma_wait3A_42 = arith.constant 0 : i32
    %dma_wait3A_43 = tpu.memref_slice %arg3[%dma_wait3A, %dma_wait3A_41, %dma_wait3A_42] : memref<2560x2x128xi32, #tpu.memory_space<hbm>> -> memref<1x2x128xi32, #tpu.memory_space<hbm>>
    %dma_wait3A_44 = tpu.memref_squeeze %dma_wait3A_43 : memref<1x2x128xi32, #tpu.memory_space<hbm>> -> memref<2x128xi32, #tpu.memory_space<hbm>>
    %dma_wait3A_45 = arith.constant 0 : i32
    %dma_wait3A_46 = arith.constant 0 : i32
    %dma_wait3A_47 = tpu.memref_slice %arg3[%dma_wait3A, %dma_wait3A_45, %dma_wait3A_46] : memref<2560x2x128xi32, #tpu.memory_space<hbm>> -> memref<1x2x128xi32, #tpu.memory_space<hbm>>
    %dma_wait3A_48 = tpu.memref_squeeze %dma_wait3A_47 : memref<1x2x128xi32, #tpu.memory_space<hbm>> -> memref<2x128xi32, #tpu.memory_space<hbm>>
    tpu.wait_dma2 semaphore(%arg14 : memref<!tpu.dma_semaphore, #tpu.memory_space<semaphore_mem>>) src(%dma_wait3A_48 : memref<2x128xi32, #tpu.memory_space<hbm>>) dst(%arg6 : memref<2x128xi32, #tpu.memory_space<vmem>>)
    %dma_start3A_49 = arith.constant 0 : i32
    %dma_start3A_50 = arith.constant 0 : i32
    %dma_start3A_51 = tpu.memref_slice %arg6[%dma_start3A_49, %dma_start3A_50] : memref<2x128xi32, #tpu.memory_space<vmem>> -> memref<1x128xi32, #tpu.memory_space<vmem>>
    %dma_start3A_52 = tpu.memref_squeeze %dma_start3A_51 : memref<1x128xi32, #tpu.memory_space<vmem>> -> memref<128xi32, #tpu.memory_space<vmem>>
    %dma_start3A_53 = arith.constant 0 : i32
    %dma_start3A_54 = arith.constant 0 : i32
    %dma_start3A_55 = tpu.memref_slice %arg2[%dma_start3A_53, %dma_start3A_54] : memref<10000x128xf32, #tpu.memory_space<hbm>> -> memref<10000x128xf32, #tpu.memory_space<hbm>>
    tpu.enqueue_indirect_dma source(%dma_start3A_55 : memref<10000x128xf32, #tpu.memory_space<hbm>>) target(%arg10 : memref<128x128xf32, #tpu.memory_space<vmem>>) offsets(%dma_start3A_52 : memref<128xi32, #tpu.memory_space<vmem>>) semaphore(%arg12 : memref<!tpu.dma_semaphore, #tpu.memory_space<semaphore_mem>>)
    %scan3A_56 = arith.constant 0 : i32
    %scan3A_57 = arith.constant 20 : i32
    %scan3A_58 = arith.addi %scan3A_56, %scan3A_57 : i32
    %scan3A_59 = arith.constant 1 : i32
    scf.for %scan3A_66 = %scan3A_56 to %scan3A_58 step %scan3A_59  : i32 {
      %mul3A_67 = arith.constant 4 : i32
      %mul3A_68 = arith.muli %scan3A_66, %mul3A_67 : i32
      %add3A_69 = arith.constant 0 : i32
      %add3A_70 = arith.addi %add3A_69, %mul3A_68 : i32
      %add3A_71 = arith.constant 0 : i32
      %add3A_72 = arith.addi %add3A_70, %add3A_71 : i32
      %add3A_73 = arith.constant 1 : i32
      %add3A_74 = arith.addi %add3A_72, %add3A_73 : i32
      %lt3A = arith.constant 80 : i32
      %lt3A_75 = arith.cmpi slt, %add3A_74, %lt3A : i32
      %convert_element_type3A = arith.extui %lt3A_75 : i1 to i32
      %cond3A = arith.constant 0 : i32
      %cond3A_76 = arith.cmpi ne, %convert_element_type3A, %cond3A : i32
      scf.if %cond3A_76 {
        %dma_wait3A_163 = arith.constant 0 : i32
        %dma_wait3A_164 = arith.constant 0 : i32
        %dma_wait3A_165 = arith.constant 0 : i32
        %dma_wait3A_166 = tpu.memref_slice %arg3[%dma_wait3A_163, %dma_wait3A_164, %dma_wait3A_165] : memref<2560x2x128xi32, #tpu.memory_space<hbm>> -> memref<1x2x128xi32, #tpu.memory_space<hbm>>
        %dma_wait3A_167 = tpu.memref_squeeze %dma_wait3A_166 : memref<1x2x128xi32, #tpu.memory_space<hbm>> -> memref<2x128xi32, #tpu.memory_space<hbm>>
        %dma_wait3A_168 = arith.constant 0 : i32
        %dma_wait3A_169 = arith.constant 0 : i32
        %dma_wait3A_170 = tpu.memref_slice %arg3[%dma_wait3A_163, %dma_wait3A_168, %dma_wait3A_169] : memref<2560x2x128xi32, #tpu.memory_space<hbm>> -> memref<1x2x128xi32, #tpu.memory_space<hbm>>
        %dma_wait3A_171 = tpu.memref_squeeze %dma_wait3A_170 : memref<1x2x128xi32, #tpu.memory_space<hbm>> -> memref<2x128xi32, #tpu.memory_space<hbm>>
        tpu.wait_dma2 semaphore(%arg15 : memref<!tpu.dma_semaphore, #tpu.memory_space<semaphore_mem>>) src(%dma_wait3A_171 : memref<2x128xi32, #tpu.memory_space<hbm>>) dst(%arg7 : memref<2x128xi32, #tpu.memory_space<vmem>>)
        %dma_start3A_172 = arith.constant 0 : i32
        %dma_start3A_173 = arith.constant 0 : i32
        %dma_start3A_174 = tpu.memref_slice %arg7[%dma_start3A_172, %dma_start3A_173] : memref<2x128xi32, #tpu.memory_space<vmem>> -> memref<1x128xi32, #tpu.memory_space<vmem>>
        %dma_start3A_175 = tpu.memref_squeeze %dma_start3A_174 : memref<1x128xi32, #tpu.memory_space<vmem>> -> memref<128xi32, #tpu.memory_space<vmem>>
        %dma_start3A_176 = arith.constant 0 : i32
        %dma_start3A_177 = arith.constant 0 : i32
        %dma_start3A_178 = tpu.memref_slice %arg2[%dma_start3A_176, %dma_start3A_177] : memref<10000x128xf32, #tpu.memory_space<hbm>> -> memref<10000x128xf32, #tpu.memory_space<hbm>>
        tpu.enqueue_indirect_dma source(%dma_start3A_178 : memref<10000x128xf32, #tpu.memory_space<hbm>>) target(%arg11 : memref<128x128xf32, #tpu.memory_space<vmem>>) offsets(%dma_start3A_175 : memref<128xi32, #tpu.memory_space<vmem>>) semaphore(%arg13 : memref<!tpu.dma_semaphore, #tpu.memory_space<semaphore_mem>>)
      } else {
      }
      %add3A_77 = arith.constant 3 : i32
      %add3A_78 = arith.addi %add3A_72, %add3A_77 : i32
      %lt3A_79 = arith.constant 80 : i32
      %lt3A_80 = arith.cmpi slt, %add3A_78, %lt3A_79 : i32
      %convert_element_type3A_81 = arith.extui %lt3A_80 : i1 to i32
      %cond3A_82 = arith.constant 0 : i32
      %cond3A_83 = arith.cmpi ne, %convert_element_type3A_81, %cond3A_82 : i32
      scf.if %cond3A_83 {
        %add3A_163 = arith.addi %mul3A_11, %add3A_72 : i32
        %add3A_164 = arith.constant 3 : i32
        %add3A_165 = arith.addi %add3A_163, %add3A_164 : i32
        %dma_start3A_166 = arith.constant 0 : i32
        %dma_start3A_167 = arith.constant 0 : i32
        %dma_start3A_168 = tpu.memref_slice %arg3[%add3A_165, %dma_start3A_166, %dma_start3A_167] : memref<2560x2x128xi32, #tpu.memory_space<hbm>> -> memref<1x2x128xi32, #tpu.memory_space<hbm>>
        %dma_start3A_169 = tpu.memref_squeeze %dma_start3A_168 : memref<1x2x128xi32, #tpu.memory_space<hbm>> -> memref<2x128xi32, #tpu.memory_space<hbm>>
        %dma_start3A_170 = arith.constant 0 : i32
        %dma_start3A_171 = arith.constant 0 : i32
        %dma_start3A_172 = tpu.memref_slice %arg3[%add3A_165, %dma_start3A_170, %dma_start3A_171] : memref<2560x2x128xi32, #tpu.memory_space<hbm>> -> memref<1x2x128xi32, #tpu.memory_space<hbm>>
        %dma_start3A_173 = tpu.memref_squeeze %dma_start3A_172 : memref<1x2x128xi32, #tpu.memory_space<hbm>> -> memref<2x128xi32, #tpu.memory_space<hbm>>
        tpu.enqueue_dma source(%dma_start3A_173 : memref<2x128xi32, #tpu.memory_space<hbm>>) target(%arg9 : memref<2x128xi32, #tpu.memory_space<vmem>>) target_semaphore(%arg17 : memref<!tpu.dma_semaphore, #tpu.memory_space<semaphore_mem>>)
      } else {
      }
      %dma_wait3A_84 = arith.constant 0 : i32
      %dma_wait3A_85 = arith.constant 0 : i32
      %dma_wait3A_86 = tpu.memref_slice %arg6[%dma_wait3A_84, %dma_wait3A_85] : memref<2x128xi32, #tpu.memory_space<vmem>> -> memref<1x128xi32, #tpu.memory_space<vmem>>
      %dma_wait3A_87 = tpu.memref_squeeze %dma_wait3A_86 : memref<1x128xi32, #tpu.memory_space<vmem>> -> memref<128xi32, #tpu.memory_space<vmem>>
      %dma_wait3A_88 = arith.constant 0 : i32
      %dma_wait3A_89 = arith.constant 0 : i32
      %dma_wait3A_90 = tpu.memref_slice %arg2[%dma_wait3A_88, %dma_wait3A_89] : memref<10000x128xf32, #tpu.memory_space<hbm>> -> memref<10000x128xf32, #tpu.memory_space<hbm>>
      tpu.wait_indirect_dma semaphore(%arg12 : memref<!tpu.dma_semaphore, #tpu.memory_space<semaphore_mem>>) src(%dma_wait3A_90 : memref<10000x128xf32, #tpu.memory_space<hbm>>) dst(%arg10 : memref<128x128xf32, #tpu.memory_space<vmem>>)
      %run_scoped3A = arith.constant 1 : i32
      "tpu.region"() ({
        %run_scoped3A_163 = tpu.sem_alloc : memref<!tpu.dma_semaphore, #tpu.memory_space<semaphore_mem>>
        %dma_start3A_164 = arith.constant 0 : i32
        %dma_start3A_165 = tpu.memref_slice %arg6[%run_scoped3A, %dma_start3A_164] : memref<2x128xi32, #tpu.memory_space<vmem>> -> memref<1x128xi32, #tpu.memory_space<vmem>>
        %dma_start3A_166 = tpu.memref_squeeze %dma_start3A_165 : memref<1x128xi32, #tpu.memory_space<vmem>> -> memref<128xi32, #tpu.memory_space<vmem>>
        %dma_start3A_167 = arith.constant 0 : i32
        %dma_start3A_168 = arith.constant 0 : i32
        %dma_start3A_169 = tpu.memref_slice %arg5[%dma_start3A_167, %dma_start3A_168] : memref<10240x128xf32, #tpu.memory_space<vmem_shared>> -> memref<10240x128xf32, #tpu.memory_space<vmem_shared>>
        tpu.enqueue_indirect_dma source(%arg10 : memref<128x128xf32, #tpu.memory_space<vmem>>) target(%dma_start3A_169 : memref<10240x128xf32, #tpu.memory_space<vmem_shared>>) offsets(%dma_start3A_166 : memref<128xi32, #tpu.memory_space<vmem>>) semaphore(%run_scoped3A_163 : memref<!tpu.dma_semaphore, #tpu.memory_space<semaphore_mem>>) {add = true}
        %dma_wait3A_170 = arith.constant 0 : i32
        %dma_wait3A_171 = tpu.memref_slice %arg6[%run_scoped3A, %dma_wait3A_170] : memref<2x128xi32, #tpu.memory_space<vmem>> -> memref<1x128xi32, #tpu.memory_space<vmem>>
        %dma_wait3A_172 = tpu.memref_squeeze %dma_wait3A_171 : memref<1x128xi32, #tpu.memory_space<vmem>> -> memref<128xi32, #tpu.memory_space<vmem>>
        %dma_wait3A_173 = arith.constant 0 : i32
        %dma_wait3A_174 = arith.constant 0 : i32
        %dma_wait3A_175 = tpu.memref_slice %arg5[%dma_wait3A_173, %dma_wait3A_174] : memref<10240x128xf32, #tpu.memory_space<vmem_shared>> -> memref<10240x128xf32, #tpu.memory_space<vmem_shared>>
        tpu.wait_indirect_dma semaphore(%run_scoped3A_163 : memref<!tpu.dma_semaphore, #tpu.memory_space<semaphore_mem>>) src(%arg10 : memref<128x128xf32, #tpu.memory_space<vmem>>) dst(%dma_wait3A_175 : memref<10240x128xf32, #tpu.memory_space<vmem_shared>>)
        tpu.yield
      }) : () -> ()
      %add3A_91 = arith.constant 1 : i32
      %add3A_92 = arith.addi %add3A_70, %add3A_91 : i32
      %add3A_93 = arith.constant 1 : i32
      %add3A_94 = arith.addi %add3A_92, %add3A_93 : i32
      %lt3A_95 = arith.constant 80 : i32
      %lt3A_96 = arith.cmpi slt, %add3A_94, %lt3A_95 : i32
      %convert_element_type3A_97 = arith.extui %lt3A_96 : i1 to i32
      %cond3A_98 = arith.constant 0 : i32
      %cond3A_99 = arith.cmpi ne, %convert_element_type3A_97, %cond3A_98 : i32
      scf.if %cond3A_99 {
        %dma_wait3A_163 = arith.constant 0 : i32
        %dma_wait3A_164 = arith.constant 0 : i32
        %dma_wait3A_165 = arith.constant 0 : i32
        %dma_wait3A_166 = tpu.memref_slice %arg3[%dma_wait3A_163, %dma_wait3A_164, %dma_wait3A_165] : memref<2560x2x128xi32, #tpu.memory_space<hbm>> -> memref<1x2x128xi32, #tpu.memory_space<hbm>>
        %dma_wait3A_167 = tpu.memref_squeeze %dma_wait3A_166 : memref<1x2x128xi32, #tpu.memory_space<hbm>> -> memref<2x128xi32, #tpu.memory_space<hbm>>
        %dma_wait3A_168 = arith.constant 0 : i32
        %dma_wait3A_169 = arith.constant 0 : i32
        %dma_wait3A_170 = tpu.memref_slice %arg3[%dma_wait3A_163, %dma_wait3A_168, %dma_wait3A_169] : memref<2560x2x128xi32, #tpu.memory_space<hbm>> -> memref<1x2x128xi32, #tpu.memory_space<hbm>>
        %dma_wait3A_171 = tpu.memref_squeeze %dma_wait3A_170 : memref<1x2x128xi32, #tpu.memory_space<hbm>> -> memref<2x128xi32, #tpu.memory_space<hbm>>
        tpu.wait_dma2 semaphore(%arg16 : memref<!tpu.dma_semaphore, #tpu.memory_space<semaphore_mem>>) src(%dma_wait3A_171 : memref<2x128xi32, #tpu.memory_space<hbm>>) dst(%arg8 : memref<2x128xi32, #tpu.memory_space<vmem>>)
        %dma_start3A_172 = arith.constant 0 : i32
        %dma_start3A_173 = arith.constant 0 : i32
        %dma_start3A_174 = tpu.memref_slice %arg8[%dma_start3A_172, %dma_start3A_173] : memref<2x128xi32, #tpu.memory_space<vmem>> -> memref<1x128xi32, #tpu.memory_space<vmem>>
        %dma_start3A_175 = tpu.memref_squeeze %dma_start3A_174 : memref<1x128xi32, #tpu.memory_space<vmem>> -> memref<128xi32, #tpu.memory_space<vmem>>
        %dma_start3A_176 = arith.constant 0 : i32
        %dma_start3A_177 = arith.constant 0 : i32
        %dma_start3A_178 = tpu.memref_slice %arg2[%dma_start3A_176, %dma_start3A_177] : memref<10000x128xf32, #tpu.memory_space<hbm>> -> memref<10000x128xf32, #tpu.memory_space<hbm>>
        tpu.enqueue_indirect_dma source(%dma_start3A_178 : memref<10000x128xf32, #tpu.memory_space<hbm>>) target(%arg10 : memref<128x128xf32, #tpu.memory_space<vmem>>) offsets(%dma_start3A_175 : memref<128xi32, #tpu.memory_space<vmem>>) semaphore(%arg12 : memref<!tpu.dma_semaphore, #tpu.memory_space<semaphore_mem>>)
      } else {
      }
      %add3A_100 = arith.constant 3 : i32
      %add3A_101 = arith.addi %add3A_92, %add3A_100 : i32
      %lt3A_102 = arith.constant 80 : i32
      %lt3A_103 = arith.cmpi slt, %add3A_101, %lt3A_102 : i32
      %convert_element_type3A_104 = arith.extui %lt3A_103 : i1 to i32
      %cond3A_105 = arith.constant 0 : i32
      %cond3A_106 = arith.cmpi ne, %convert_element_type3A_104, %cond3A_105 : i32
      scf.if %cond3A_106 {
        %add3A_163 = arith.addi %mul3A_11, %add3A_92 : i32
        %add3A_164 = arith.constant 3 : i32
        %add3A_165 = arith.addi %add3A_163, %add3A_164 : i32
        %dma_start3A_166 = arith.constant 0 : i32
        %dma_start3A_167 = arith.constant 0 : i32
        %dma_start3A_168 = tpu.memref_slice %arg3[%add3A_165, %dma_start3A_166, %dma_start3A_167] : memref<2560x2x128xi32, #tpu.memory_space<hbm>> -> memref<1x2x128xi32, #tpu.memory_space<hbm>>
        %dma_start3A_169 = tpu.memref_squeeze %dma_start3A_168 : memref<1x2x128xi32, #tpu.memory_space<hbm>> -> memref<2x128xi32, #tpu.memory_space<hbm>>
        %dma_start3A_170 = arith.constant 0 : i32
        %dma_start3A_171 = arith.constant 0 : i32
        %dma_start3A_172 = tpu.memref_slice %arg3[%add3A_165, %dma_start3A_170, %dma_start3A_171] : memref<2560x2x128xi32, #tpu.memory_space<hbm>> -> memref<1x2x128xi32, #tpu.memory_space<hbm>>
        %dma_start3A_173 = tpu.memref_squeeze %dma_start3A_172 : memref<1x2x128xi32, #tpu.memory_space<hbm>> -> memref<2x128xi32, #tpu.memory_space<hbm>>
        tpu.enqueue_dma source(%dma_start3A_173 : memref<2x128xi32, #tpu.memory_space<hbm>>) target(%arg6 : memref<2x128xi32, #tpu.memory_space<vmem>>) target_semaphore(%arg14 : memref<!tpu.dma_semaphore, #tpu.memory_space<semaphore_mem>>)
      } else {
      }
      %dma_wait3A_107 = arith.constant 0 : i32
      %dma_wait3A_108 = arith.constant 0 : i32
      %dma_wait3A_109 = tpu.memref_slice %arg7[%dma_wait3A_107, %dma_wait3A_108] : memref<2x128xi32, #tpu.memory_space<vmem>> -> memref<1x128xi32, #tpu.memory_space<vmem>>
      %dma_wait3A_110 = tpu.memref_squeeze %dma_wait3A_109 : memref<1x128xi32, #tpu.memory_space<vmem>> -> memref<128xi32, #tpu.memory_space<vmem>>
      %dma_wait3A_111 = arith.constant 0 : i32
      %dma_wait3A_112 = arith.constant 0 : i32
      %dma_wait3A_113 = tpu.memref_slice %arg2[%dma_wait3A_111, %dma_wait3A_112] : memref<10000x128xf32, #tpu.memory_space<hbm>> -> memref<10000x128xf32, #tpu.memory_space<hbm>>
      tpu.wait_indirect_dma semaphore(%arg13 : memref<!tpu.dma_semaphore, #tpu.memory_space<semaphore_mem>>) src(%dma_wait3A_113 : memref<10000x128xf32, #tpu.memory_space<hbm>>) dst(%arg11 : memref<128x128xf32, #tpu.memory_space<vmem>>)
      %run_scoped3A_114 = arith.constant 1 : i32
      "tpu.region"() ({
        %run_scoped3A_163 = tpu.sem_alloc : memref<!tpu.dma_semaphore, #tpu.memory_space<semaphore_mem>>
        %dma_start3A_164 = arith.constant 0 : i32
        %dma_start3A_165 = tpu.memref_slice %arg7[%run_scoped3A_114, %dma_start3A_164] : memref<2x128xi32, #tpu.memory_space<vmem>> -> memref<1x128xi32, #tpu.memory_space<vmem>>
        %dma_start3A_166 = tpu.memref_squeeze %dma_start3A_165 : memref<1x128xi32, #tpu.memory_space<vmem>> -> memref<128xi32, #tpu.memory_space<vmem>>
        %dma_start3A_167 = arith.constant 0 : i32
        %dma_start3A_168 = arith.constant 0 : i32
        %dma_start3A_169 = tpu.memref_slice %arg5[%dma_start3A_167, %dma_start3A_168] : memref<10240x128xf32, #tpu.memory_space<vmem_shared>> -> memref<10240x128xf32, #tpu.memory_space<vmem_shared>>
        tpu.enqueue_indirect_dma source(%arg11 : memref<128x128xf32, #tpu.memory_space<vmem>>) target(%dma_start3A_169 : memref<10240x128xf32, #tpu.memory_space<vmem_shared>>) offsets(%dma_start3A_166 : memref<128xi32, #tpu.memory_space<vmem>>) semaphore(%run_scoped3A_163 : memref<!tpu.dma_semaphore, #tpu.memory_space<semaphore_mem>>) {add = true}
        %dma_wait3A_170 = arith.constant 0 : i32
        %dma_wait3A_171 = tpu.memref_slice %arg7[%run_scoped3A_114, %dma_wait3A_170] : memref<2x128xi32, #tpu.memory_space<vmem>> -> memref<1x128xi32, #tpu.memory_space<vmem>>
        %dma_wait3A_172 = tpu.memref_squeeze %dma_wait3A_171 : memref<1x128xi32, #tpu.memory_space<vmem>> -> memref<128xi32, #tpu.memory_space<vmem>>
        %dma_wait3A_173 = arith.constant 0 : i32
        %dma_wait3A_174 = arith.constant 0 : i32
        %dma_wait3A_175 = tpu.memref_slice %arg5[%dma_wait3A_173, %dma_wait3A_174] : memref<10240x128xf32, #tpu.memory_space<vmem_shared>> -> memref<10240x128xf32, #tpu.memory_space<vmem_shared>>
        tpu.wait_indirect_dma semaphore(%run_scoped3A_163 : memref<!tpu.dma_semaphore, #tpu.memory_space<semaphore_mem>>) src(%arg11 : memref<128x128xf32, #tpu.memory_space<vmem>>) dst(%dma_wait3A_175 : memref<10240x128xf32, #tpu.memory_space<vmem_shared>>)
        tpu.yield
      }) : () -> ()
      %add3A_115 = arith.constant 2 : i32
      %add3A_116 = arith.addi %add3A_70, %add3A_115 : i32
      %add3A_117 = arith.constant 1 : i32
      %add3A_118 = arith.addi %add3A_116, %add3A_117 : i32
      %lt3A_119 = arith.constant 80 : i32
      %lt3A_120 = arith.cmpi slt, %add3A_118, %lt3A_119 : i32
      %convert_element_type3A_121 = arith.extui %lt3A_120 : i1 to i32
      %cond3A_122 = arith.constant 0 : i32
      %cond3A_123 = arith.cmpi ne, %convert_element_type3A_121, %cond3A_122 : i32
      scf.if %cond3A_123 {
        %dma_wait3A_163 = arith.constant 0 : i32
        %dma_wait3A_164 = arith.constant 0 : i32
        %dma_wait3A_165 = arith.constant 0 : i32
        %dma_wait3A_166 = tpu.memref_slice %arg3[%dma_wait3A_163, %dma_wait3A_164, %dma_wait3A_165] : memref<2560x2x128xi32, #tpu.memory_space<hbm>> -> memref<1x2x128xi32, #tpu.memory_space<hbm>>
        %dma_wait3A_167 = tpu.memref_squeeze %dma_wait3A_166 : memref<1x2x128xi32, #tpu.memory_space<hbm>> -> memref<2x128xi32, #tpu.memory_space<hbm>>
        %dma_wait3A_168 = arith.constant 0 : i32
        %dma_wait3A_169 = arith.constant 0 : i32
        %dma_wait3A_170 = tpu.memref_slice %arg3[%dma_wait3A_163, %dma_wait3A_168, %dma_wait3A_169] : memref<2560x2x128xi32, #tpu.memory_space<hbm>> -> memref<1x2x128xi32, #tpu.memory_space<hbm>>
        %dma_wait3A_171 = tpu.memref_squeeze %dma_wait3A_170 : memref<1x2x128xi32, #tpu.memory_space<hbm>> -> memref<2x128xi32, #tpu.memory_space<hbm>>
        tpu.wait_dma2 semaphore(%arg17 : memref<!tpu.dma_semaphore, #tpu.memory_space<semaphore_mem>>) src(%dma_wait3A_171 : memref<2x128xi32, #tpu.memory_space<hbm>>) dst(%arg9 : memref<2x128xi32, #tpu.memory_space<vmem>>)
        %dma_start3A_172 = arith.constant 0 : i32
        %dma_start3A_173 = arith.constant 0 : i32
        %dma_start3A_174 = tpu.memref_slice %arg9[%dma_start3A_172, %dma_start3A_173] : memref<2x128xi32, #tpu.memory_space<vmem>> -> memref<1x128xi32, #tpu.memory_space<vmem>>
        %dma_start3A_175 = tpu.memref_squeeze %dma_start3A_174 : memref<1x128xi32, #tpu.memory_space<vmem>> -> memref<128xi32, #tpu.memory_space<vmem>>
        %dma_start3A_176 = arith.constant 0 : i32
        %dma_start3A_177 = arith.constant 0 : i32
        %dma_start3A_178 = tpu.memref_slice %arg2[%dma_start3A_176, %dma_start3A_177] : memref<10000x128xf32, #tpu.memory_space<hbm>> -> memref<10000x128xf32, #tpu.memory_space<hbm>>
        tpu.enqueue_indirect_dma source(%dma_start3A_178 : memref<10000x128xf32, #tpu.memory_space<hbm>>) target(%arg11 : memref<128x128xf32, #tpu.memory_space<vmem>>) offsets(%dma_start3A_175 : memref<128xi32, #tpu.memory_space<vmem>>) semaphore(%arg13 : memref<!tpu.dma_semaphore, #tpu.memory_space<semaphore_mem>>)
      } else {
      }
      %add3A_124 = arith.constant 3 : i32
      %add3A_125 = arith.addi %add3A_116, %add3A_124 : i32
      %lt3A_126 = arith.constant 80 : i32
      %lt3A_127 = arith.cmpi slt, %add3A_125, %lt3A_126 : i32
      %convert_element_type3A_128 = arith.extui %lt3A_127 : i1 to i32
      %cond3A_129 = arith.constant 0 : i32
      %cond3A_130 = arith.cmpi ne, %convert_element_type3A_128, %cond3A_129 : i32
      scf.if %cond3A_130 {
        %add3A_163 = arith.addi %mul3A_11, %add3A_116 : i32
        %add3A_164 = arith.constant 3 : i32
        %add3A_165 = arith.addi %add3A_163, %add3A_164 : i32
        %dma_start3A_166 = arith.constant 0 : i32
        %dma_start3A_167 = arith.constant 0 : i32
        %dma_start3A_168 = tpu.memref_slice %arg3[%add3A_165, %dma_start3A_166, %dma_start3A_167] : memref<2560x2x128xi32, #tpu.memory_space<hbm>> -> memref<1x2x128xi32, #tpu.memory_space<hbm>>
        %dma_start3A_169 = tpu.memref_squeeze %dma_start3A_168 : memref<1x2x128xi32, #tpu.memory_space<hbm>> -> memref<2x128xi32, #tpu.memory_space<hbm>>
        %dma_start3A_170 = arith.constant 0 : i32
        %dma_start3A_171 = arith.constant 0 : i32
        %dma_start3A_172 = tpu.memref_slice %arg3[%add3A_165, %dma_start3A_170, %dma_start3A_171] : memref<2560x2x128xi32, #tpu.memory_space<hbm>> -> memref<1x2x128xi32, #tpu.memory_space<hbm>>
        %dma_start3A_173 = tpu.memref_squeeze %dma_start3A_172 : memref<1x2x128xi32, #tpu.memory_space<hbm>> -> memref<2x128xi32, #tpu.memory_space<hbm>>
        tpu.enqueue_dma source(%dma_start3A_173 : memref<2x128xi32, #tpu.memory_space<hbm>>) target(%arg7 : memref<2x128xi32, #tpu.memory_space<vmem>>) target_semaphore(%arg15 : memref<!tpu.dma_semaphore, #tpu.memory_space<semaphore_mem>>)
      } else {
      }
      %dma_wait3A_131 = arith.constant 0 : i32
      %dma_wait3A_132 = arith.constant 0 : i32
      %dma_wait3A_133 = tpu.memref_slice %arg8[%dma_wait3A_131, %dma_wait3A_132] : memref<2x128xi32, #tpu.memory_space<vmem>> -> memref<1x128xi32, #tpu.memory_space<vmem>>
      %dma_wait3A_134 = tpu.memref_squeeze %dma_wait3A_133 : memref<1x128xi32, #tpu.memory_space<vmem>> -> memref<128xi32, #tpu.memory_space<vmem>>
      %dma_wait3A_135 = arith.constant 0 : i32
      %dma_wait3A_136 = arith.constant 0 : i32
      %dma_wait3A_137 = tpu.memref_slice %arg2[%dma_wait3A_135, %dma_wait3A_136] : memref<10000x128xf32, #tpu.memory_space<hbm>> -> memref<10000x128xf32, #tpu.memory_space<hbm>>
      tpu.wait_indirect_dma semaphore(%arg12 : memref<!tpu.dma_semaphore, #tpu.memory_space<semaphore_mem>>) src(%dma_wait3A_137 : memref<10000x128xf32, #tpu.memory_space<hbm>>) dst(%arg10 : memref<128x128xf32, #tpu.memory_space<vmem>>)
      %run_scoped3A_138 = arith.constant 1 : i32
      "tpu.region"() ({
        %run_scoped3A_163 = tpu.sem_alloc : memref<!tpu.dma_semaphore, #tpu.memory_space<semaphore_mem>>
        %dma_start3A_164 = arith.constant 0 : i32
        %dma_start3A_165 = tpu.memref_slice %arg8[%run_scoped3A_138, %dma_start3A_164] : memref<2x128xi32, #tpu.memory_space<vmem>> -> memref<1x128xi32, #tpu.memory_space<vmem>>
        %dma_start3A_166 = tpu.memref_squeeze %dma_start3A_165 : memref<1x128xi32, #tpu.memory_space<vmem>> -> memref<128xi32, #tpu.memory_space<vmem>>
        %dma_start3A_167 = arith.constant 0 : i32
        %dma_start3A_168 = arith.constant 0 : i32
        %dma_start3A_169 = tpu.memref_slice %arg5[%dma_start3A_167, %dma_start3A_168] : memref<10240x128xf32, #tpu.memory_space<vmem_shared>> -> memref<10240x128xf32, #tpu.memory_space<vmem_shared>>
        tpu.enqueue_indirect_dma source(%arg10 : memref<128x128xf32, #tpu.memory_space<vmem>>) target(%dma_start3A_169 : memref<10240x128xf32, #tpu.memory_space<vmem_shared>>) offsets(%dma_start3A_166 : memref<128xi32, #tpu.memory_space<vmem>>) semaphore(%run_scoped3A_163 : memref<!tpu.dma_semaphore, #tpu.memory_space<semaphore_mem>>) {add = true}
        %dma_wait3A_170 = arith.constant 0 : i32
        %dma_wait3A_171 = tpu.memref_slice %arg8[%run_scoped3A_138, %dma_wait3A_170] : memref<2x128xi32, #tpu.memory_space<vmem>> -> memref<1x128xi32, #tpu.memory_space<vmem>>
        %dma_wait3A_172 = tpu.memref_squeeze %dma_wait3A_171 : memref<1x128xi32, #tpu.memory_space<vmem>> -> memref<128xi32, #tpu.memory_space<vmem>>
        %dma_wait3A_173 = arith.constant 0 : i32
        %dma_wait3A_174 = arith.constant 0 : i32
        %dma_wait3A_175 = tpu.memref_slice %arg5[%dma_wait3A_173, %dma_wait3A_174] : memref<10240x128xf32, #tpu.memory_space<vmem_shared>> -> memref<10240x128xf32, #tpu.memory_space<vmem_shared>>
        tpu.wait_indirect_dma semaphore(%run_scoped3A_163 : memref<!tpu.dma_semaphore, #tpu.memory_space<semaphore_mem>>) src(%arg10 : memref<128x128xf32, #tpu.memory_space<vmem>>) dst(%dma_wait3A_175 : memref<10240x128xf32, #tpu.memory_space<vmem_shared>>)
        tpu.yield
      }) : () -> ()
      %add3A_139 = arith.constant 3 : i32
      %add3A_140 = arith.addi %add3A_70, %add3A_139 : i32
      %add3A_141 = arith.constant 1 : i32
      %add3A_142 = arith.addi %add3A_140, %add3A_141 : i32
      %lt3A_143 = arith.constant 80 : i32
      %lt3A_144 = arith.cmpi slt, %add3A_142, %lt3A_143 : i32
      %convert_element_type3A_145 = arith.extui %lt3A_144 : i1 to i32
      %cond3A_146 = arith.constant 0 : i32
      %cond3A_147 = arith.cmpi ne, %convert_element_type3A_145, %cond3A_146 : i32
      scf.if %cond3A_147 {
        %dma_wait3A_163 = arith.constant 0 : i32
        %dma_wait3A_164 = arith.constant 0 : i32
        %dma_wait3A_165 = arith.constant 0 : i32
        %dma_wait3A_166 = tpu.memref_slice %arg3[%dma_wait3A_163, %dma_wait3A_164, %dma_wait3A_165] : memref<2560x2x128xi32, #tpu.memory_space<hbm>> -> memref<1x2x128xi32, #tpu.memory_space<hbm>>
        %dma_wait3A_167 = tpu.memref_squeeze %dma_wait3A_166 : memref<1x2x128xi32, #tpu.memory_space<hbm>> -> memref<2x128xi32, #tpu.memory_space<hbm>>
        %dma_wait3A_168 = arith.constant 0 : i32
        %dma_wait3A_169 = arith.constant 0 : i32
        %dma_wait3A_170 = tpu.memref_slice %arg3[%dma_wait3A_163, %dma_wait3A_168, %dma_wait3A_169] : memref<2560x2x128xi32, #tpu.memory_space<hbm>> -> memref<1x2x128xi32, #tpu.memory_space<hbm>>
        %dma_wait3A_171 = tpu.memref_squeeze %dma_wait3A_170 : memref<1x2x128xi32, #tpu.memory_space<hbm>> -> memref<2x128xi32, #tpu.memory_space<hbm>>
        tpu.wait_dma2 semaphore(%arg14 : memref<!tpu.dma_semaphore, #tpu.memory_space<semaphore_mem>>) src(%dma_wait3A_171 : memref<2x128xi32, #tpu.memory_space<hbm>>) dst(%arg6 : memref<2x128xi32, #tpu.memory_space<vmem>>)
        %dma_start3A_172 = arith.constant 0 : i32
        %dma_start3A_173 = arith.constant 0 : i32
        %dma_start3A_174 = tpu.memref_slice %arg6[%dma_start3A_172, %dma_start3A_173] : memref<2x128xi32, #tpu.memory_space<vmem>> -> memref<1x128xi32, #tpu.memory_space<vmem>>
        %dma_start3A_175 = tpu.memref_squeeze %dma_start3A_174 : memref<1x128xi32, #tpu.memory_space<vmem>> -> memref<128xi32, #tpu.memory_space<vmem>>
        %dma_start3A_176 = arith.constant 0 : i32
        %dma_start3A_177 = arith.constant 0 : i32
        %dma_start3A_178 = tpu.memref_slice %arg2[%dma_start3A_176, %dma_start3A_177] : memref<10000x128xf32, #tpu.memory_space<hbm>> -> memref<10000x128xf32, #tpu.memory_space<hbm>>
        tpu.enqueue_indirect_dma source(%dma_start3A_178 : memref<10000x128xf32, #tpu.memory_space<hbm>>) target(%arg10 : memref<128x128xf32, #tpu.memory_space<vmem>>) offsets(%dma_start3A_175 : memref<128xi32, #tpu.memory_space<vmem>>) semaphore(%arg12 : memref<!tpu.dma_semaphore, #tpu.memory_space<semaphore_mem>>)
      } else {
      }
      %add3A_148 = arith.constant 3 : i32
      %add3A_149 = arith.addi %add3A_140, %add3A_148 : i32
      %lt3A_150 = arith.constant 80 : i32
      %lt3A_151 = arith.cmpi slt, %add3A_149, %lt3A_150 : i32
      %convert_element_type3A_152 = arith.extui %lt3A_151 : i1 to i32
      %cond3A_153 = arith.constant 0 : i32
      %cond3A_154 = arith.cmpi ne, %convert_element_type3A_152, %cond3A_153 : i32
      scf.if %cond3A_154 {
        %add3A_163 = arith.addi %mul3A_11, %add3A_140 : i32
        %add3A_164 = arith.constant 3 : i32
        %add3A_165 = arith.addi %add3A_163, %add3A_164 : i32
        %dma_start3A_166 = arith.constant 0 : i32
        %dma_start3A_167 = arith.constant 0 : i32
        %dma_start3A_168 = tpu.memref_slice %arg3[%add3A_165, %dma_start3A_166, %dma_start3A_167] : memref<2560x2x128xi32, #tpu.memory_space<hbm>> -> memref<1x2x128xi32, #tpu.memory_space<hbm>>
        %dma_start3A_169 = tpu.memref_squeeze %dma_start3A_168 : memref<1x2x128xi32, #tpu.memory_space<hbm>> -> memref<2x128xi32, #tpu.memory_space<hbm>>
        %dma_start3A_170 = arith.constant 0 : i32
        %dma_start3A_171 = arith.constant 0 : i32
        %dma_start3A_172 = tpu.memref_slice %arg3[%add3A_165, %dma_start3A_170, %dma_start3A_171] : memref<2560x2x128xi32, #tpu.memory_space<hbm>> -> memref<1x2x128xi32, #tpu.memory_space<hbm>>
        %dma_start3A_173 = tpu.memref_squeeze %dma_start3A_172 : memref<1x2x128xi32, #tpu.memory_space<hbm>> -> memref<2x128xi32, #tpu.memory_space<hbm>>
        tpu.enqueue_dma source(%dma_start3A_173 : memref<2x128xi32, #tpu.memory_space<hbm>>) target(%arg8 : memref<2x128xi32, #tpu.memory_space<vmem>>) target_semaphore(%arg16 : memref<!tpu.dma_semaphore, #tpu.memory_space<semaphore_mem>>)
      } else {
      }
      %dma_wait3A_155 = arith.constant 0 : i32
      %dma_wait3A_156 = arith.constant 0 : i32
      %dma_wait3A_157 = tpu.memref_slice %arg9[%dma_wait3A_155, %dma_wait3A_156] : memref<2x128xi32, #tpu.memory_space<vmem>> -> memref<1x128xi32, #tpu.memory_space<vmem>>
      %dma_wait3A_158 = tpu.memref_squeeze %dma_wait3A_157 : memref<1x128xi32, #tpu.memory_space<vmem>> -> memref<128xi32, #tpu.memory_space<vmem>>
      %dma_wait3A_159 = arith.constant 0 : i32
      %dma_wait3A_160 = arith.constant 0 : i32
      %dma_wait3A_161 = tpu.memref_slice %arg2[%dma_wait3A_159, %dma_wait3A_160] : memref<10000x128xf32, #tpu.memory_space<hbm>> -> memref<10000x128xf32, #tpu.memory_space<hbm>>
      tpu.wait_indirect_dma semaphore(%arg13 : memref<!tpu.dma_semaphore, #tpu.memory_space<semaphore_mem>>) src(%dma_wait3A_161 : memref<10000x128xf32, #tpu.memory_space<hbm>>) dst(%arg11 : memref<128x128xf32, #tpu.memory_space<vmem>>)
      %run_scoped3A_162 = arith.constant 1 : i32
      "tpu.region"() ({
        %run_scoped3A_163 = tpu.sem_alloc : memref<!tpu.dma_semaphore, #tpu.memory_space<semaphore_mem>>
        %dma_start3A_164 = arith.constant 0 : i32
        %dma_start3A_165 = tpu.memref_slice %arg9[%run_scoped3A_162, %dma_start3A_164] : memref<2x128xi32, #tpu.memory_space<vmem>> -> memref<1x128xi32, #tpu.memory_space<vmem>>
        %dma_start3A_166 = tpu.memref_squeeze %dma_start3A_165 : memref<1x128xi32, #tpu.memory_space<vmem>> -> memref<128xi32, #tpu.memory_space<vmem>>
        %dma_start3A_167 = arith.constant 0 : i32
        %dma_start3A_168 = arith.constant 0 : i32
        %dma_start3A_169 = tpu.memref_slice %arg5[%dma_start3A_167, %dma_start3A_168] : memref<10240x128xf32, #tpu.memory_space<vmem_shared>> -> memref<10240x128xf32, #tpu.memory_space<vmem_shared>>
        tpu.enqueue_indirect_dma source(%arg11 : memref<128x128xf32, #tpu.memory_space<vmem>>) target(%dma_start3A_169 : memref<10240x128xf32, #tpu.memory_space<vmem_shared>>) offsets(%dma_start3A_166 : memref<128xi32, #tpu.memory_space<vmem>>) semaphore(%run_scoped3A_163 : memref<!tpu.dma_semaphore, #tpu.memory_space<semaphore_mem>>) {add = true}
        %dma_wait3A_170 = arith.constant 0 : i32
        %dma_wait3A_171 = tpu.memref_slice %arg9[%run_scoped3A_162, %dma_wait3A_170] : memref<2x128xi32, #tpu.memory_space<vmem>> -> memref<1x128xi32, #tpu.memory_space<vmem>>
        %dma_wait3A_172 = tpu.memref_squeeze %dma_wait3A_171 : memref<1x128xi32, #tpu.memory_space<vmem>> -> memref<128xi32, #tpu.memory_space<vmem>>
        %dma_wait3A_173 = arith.constant 0 : i32
        %dma_wait3A_174 = arith.constant 0 : i32
        %dma_wait3A_175 = tpu.memref_slice %arg5[%dma_wait3A_173, %dma_wait3A_174] : memref<10240x128xf32, #tpu.memory_space<vmem_shared>> -> memref<10240x128xf32, #tpu.memory_space<vmem_shared>>
        tpu.wait_indirect_dma semaphore(%run_scoped3A_163 : memref<!tpu.dma_semaphore, #tpu.memory_space<semaphore_mem>>) src(%arg11 : memref<128x128xf32, #tpu.memory_space<vmem>>) dst(%dma_wait3A_175 : memref<10240x128xf32, #tpu.memory_space<vmem_shared>>)
        tpu.yield
      }) : () -> ()
    }
    %scan3A_60 = arith.constant 20 : i32
    %barrier3A_61 = arith.constant 0 : index
    tpu.barrier barrier_id(%barrier3A_61)
    %mul3A_62 = arith.constant 640 : i32
    %mul3A_63 = arith.muli %arg1, %mul3A_62 : i32
    %mul3A_64 = arith.constant 640 : i32
    %mul3A_65 = arith.muli %arg1, %mul3A_64 : i32
    "tpu.region"() ({
      %run_scoped3A = tpu.sem_alloc : memref<!tpu.dma_semaphore, #tpu.memory_space<semaphore_mem>>
      %dma_start3A_66 = arith.constant 0 : i32
      %dma_start3A_67 = arith.constant 0 : i32
      %dma_start3A_68 = tpu.memref_slice %arg4[%arg0, %dma_start3A_66, %dma_start3A_67] : memref<2x10240x128xf32, #tpu.memory_space<hbm>> -> memref<1x10240x128xf32, #tpu.memory_space<hbm>>
      %dma_start3A_69 = tpu.memref_squeeze %dma_start3A_68 : memref<1x10240x128xf32, #tpu.memory_space<hbm>> -> memref<10240x128xf32, #tpu.memory_space<hbm>>
      %dma_start3A_70 = arith.constant 0 : i32
      %dma_start3A_71 = tpu.memref_slice %dma_start3A_69[%mul3A_65, %dma_start3A_70] : memref<10240x128xf32, #tpu.memory_space<hbm>> -> memref<640x128xf32, #tpu.memory_space<hbm>>
      %dma_start3A_72 = arith.constant 0 : i32
      %dma_start3A_73 = tpu.memref_slice %arg5[%mul3A_63, %dma_start3A_72] : memref<10240x128xf32, #tpu.memory_space<vmem_shared>> -> memref<640x128xf32, #tpu.memory_space<vmem_shared>>
      tpu.enqueue_dma source(%dma_start3A_73 : memref<640x128xf32, #tpu.memory_space<vmem_shared>>) target(%dma_start3A_71 : memref<640x128xf32, #tpu.memory_space<hbm>>) target_semaphore(%run_scoped3A : memref<!tpu.dma_semaphore, #tpu.memory_space<semaphore_mem>>)
      %dma_wait3A_74 = arith.constant 0 : i32
      %dma_wait3A_75 = arith.constant 0 : i32
      %dma_wait3A_76 = tpu.memref_slice %arg4[%arg0, %dma_wait3A_74, %dma_wait3A_75] : memref<2x10240x128xf32, #tpu.memory_space<hbm>> -> memref<1x10240x128xf32, #tpu.memory_space<hbm>>
      %dma_wait3A_77 = tpu.memref_squeeze %dma_wait3A_76 : memref<1x10240x128xf32, #tpu.memory_space<hbm>> -> memref<10240x128xf32, #tpu.memory_space<hbm>>
      %dma_wait3A_78 = arith.constant 0 : i32
      %dma_wait3A_79 = tpu.memref_slice %dma_wait3A_77[%mul3A_65, %dma_wait3A_78] : memref<10240x128xf32, #tpu.memory_space<hbm>> -> memref<640x128xf32, #tpu.memory_space<hbm>>
      %dma_wait3A_80 = arith.constant 0 : i32
      %dma_wait3A_81 = tpu.memref_slice %arg5[%mul3A_63, %dma_wait3A_80] : memref<10240x128xf32, #tpu.memory_space<vmem_shared>> -> memref<640x128xf32, #tpu.memory_space<vmem_shared>>
      tpu.wait_dma2 semaphore(%run_scoped3A : memref<!tpu.dma_semaphore, #tpu.memory_space<semaphore_mem>>) src(%dma_wait3A_81 : memref<640x128xf32, #tpu.memory_space<vmem_shared>>) dst(%dma_wait3A_79 : memref<640x128xf32, #tpu.memory_space<hbm>>)
      tpu.yield
    }) : () -> ()
    return
  }
}

#map = affine_map<(d0, d1) -> (0, 0)>
module attributes {stable_mosaic.version = 14 : i64} {
  func.func @_deg_body(%arg0: i32, %arg1: i32, %arg2: memref<2560x128xi32, #tpu.memory_space<hbm>>, %arg3: memref<2x10240xf32, #tpu.memory_space<hbm>>, %arg4: memref<10240xf32, #tpu.memory_space<vmem_shared>>, %arg5: memref<8x128xi32, #tpu.memory_space<vmem>>, %arg6: memref<8x128xi32, #tpu.memory_space<vmem>>, %arg7: memref<128xf32, #tpu.memory_space<vmem>>, %arg8: memref<640xf32, #tpu.memory_space<vmem>>, %arg9: memref<!tpu.dma_semaphore, #tpu.memory_space<semaphore_mem>>, %arg10: memref<!tpu.dma_semaphore, #tpu.memory_space<semaphore_mem>>) attributes {dimension_semantics = [#tpu.dimension_semantics<core_parallel>, #tpu.dimension_semantics<subcore_parallel>], iteration_bounds = array<i64: 2, 16>, scalar_prefetch = 0 : i64, scratch_operands = 7 : i64, tpu.core_type = #tpu.core_type<sc_vector_subcore>, window_params = [{transform_indices = #map}, {transform_indices = #map}]} {
    %mul3A = arith.constant 2 : i32
    %mul3A_0 = arith.muli %arg1, %mul3A : i32
    %add3A = arith.addi %mul3A_0, %arg0 : i32
    %scan3A = arith.constant 0 : i32
    %scan3A_1 = arith.constant 40 : i32
    %scan3A_2 = arith.addi %scan3A, %scan3A_1 : i32
    %scan3A_3 = arith.constant 1 : i32
    scf.for %scan3A_27 = %scan3A to %scan3A_2 step %scan3A_3  : i32 {
      %mul3A_28 = arith.constant 1 : i32
      %mul3A_29 = arith.muli %scan3A_27, %mul3A_28 : i32
      %add3A_30 = arith.constant 0 : i32
      %add3A_31 = arith.addi %add3A_30, %mul3A_29 : i32
      %broadcast_in_dim3A = arith.constant 0.000000e+00 : f32
      %broadcast_in_dim3A_32 = vector.broadcast %broadcast_in_dim3A : f32 to vector<16xf32>
      %mul3A_33 = arith.constant 16 : i32
      %mul3A_34 = arith.muli %add3A_31, %mul3A_33 : i32
      %swap3A = arith.index_cast %mul3A_34 : i32 to index
      %swap3A_35 = tpu.vector_load %arg8[%swap3A] {strides = array<i32>} : memref<640xf32, #tpu.memory_space<vmem>>, vector<16xf32>,
      %swap3A_36 = vector.shape_cast %swap3A_35 : vector<16xf32> to vector<16xf32>
      %swap3A_37 = vector.shape_cast %broadcast_in_dim3A_32 : vector<16xf32> to vector<16xf32>
      tpu.vector_store %arg8[%swap3A], %swap3A_37 {strides = array<i32>} : memref<640xf32, #tpu.memory_space<vmem>>, vector<16xf32>,
    }
    %scan3A_4 = arith.constant 40 : i32
    %mul3A_5 = arith.constant 640 : i32
    %mul3A_6 = arith.muli %arg1, %mul3A_5 : i32
    "tpu.region"() ({
      %run_scoped3A = tpu.sem_alloc : memref<!tpu.dma_semaphore, #tpu.memory_space<semaphore_mem>>
      %dma_start3A_27 = tpu.memref_slice %arg4[%mul3A_6] : memref<10240xf32, #tpu.memory_space<vmem_shared>> -> memref<640xf32, #tpu.memory_space<vmem_shared>>
      %dma_start3A_28 = tpu.memref_slice %arg4[%mul3A_6] : memref<10240xf32, #tpu.memory_space<vmem_shared>> -> memref<640xf32, #tpu.memory_space<vmem_shared>>
      tpu.enqueue_dma source(%arg8 : memref<640xf32, #tpu.memory_space<vmem>>) target(%dma_start3A_28 : memref<640xf32, #tpu.memory_space<vmem_shared>>) target_semaphore(%run_scoped3A : memref<!tpu.dma_semaphore, #tpu.memory_space<semaphore_mem>>)
      %dma_wait3A = tpu.memref_slice %arg4[%mul3A_6] : memref<10240xf32, #tpu.memory_space<vmem_shared>> -> memref<640xf32, #tpu.memory_space<vmem_shared>>
      %dma_wait3A_29 = tpu.memref_slice %arg4[%mul3A_6] : memref<10240xf32, #tpu.memory_space<vmem_shared>> -> memref<640xf32, #tpu.memory_space<vmem_shared>>
      tpu.wait_dma2 semaphore(%run_scoped3A : memref<!tpu.dma_semaphore, #tpu.memory_space<semaphore_mem>>) src(%arg8 : memref<640xf32, #tpu.memory_space<vmem>>) dst(%dma_wait3A_29 : memref<640xf32, #tpu.memory_space<vmem_shared>>)
      tpu.yield
    }) : () -> ()
    %scan3A_7 = arith.constant 0 : i32
    %scan3A_8 = arith.constant 8 : i32
    %scan3A_9 = arith.addi %scan3A_7, %scan3A_8 : i32
    %scan3A_10 = arith.constant 1 : i32
    scf.for %scan3A_27 = %scan3A_7 to %scan3A_9 step %scan3A_10  : i32 {
      %mul3A_28 = arith.constant 1 : i32
      %mul3A_29 = arith.muli %scan3A_27, %mul3A_28 : i32
      %add3A_30 = arith.constant 0 : i32
      %add3A_31 = arith.addi %add3A_30, %mul3A_29 : i32
      %broadcast_in_dim3A = arith.constant 1.000000e+00 : f32
      %broadcast_in_dim3A_32 = vector.broadcast %broadcast_in_dim3A : f32 to vector<16xf32>
      %mul3A_33 = arith.constant 16 : i32
      %mul3A_34 = arith.muli %add3A_31, %mul3A_33 : i32
      %swap3A = arith.index_cast %mul3A_34 : i32 to index
      %swap3A_35 = tpu.vector_load %arg7[%swap3A] {strides = array<i32>} : memref<128xf32, #tpu.memory_space<vmem>>, vector<16xf32>,
      %swap3A_36 = vector.shape_cast %swap3A_35 : vector<16xf32> to vector<16xf32>
      %swap3A_37 = vector.shape_cast %broadcast_in_dim3A_32 : vector<16xf32> to vector<16xf32>
      tpu.vector_store %arg7[%swap3A], %swap3A_37 {strides = array<i32>} : memref<128xf32, #tpu.memory_space<vmem>>, vector<16xf32>,
    }
    %scan3A_11 = arith.constant 8 : i32
    %barrier3A = arith.constant 0 : index
    tpu.barrier barrier_id(%barrier3A)
    %mul3A_12 = arith.constant 80 : i32
    %mul3A_13 = arith.muli %add3A, %mul3A_12 : i32
    %dma_start3A = arith.constant 0 : i32
    %dma_start3A_14 = tpu.memref_slice %arg2[%mul3A_13, %dma_start3A] : memref<2560x128xi32, #tpu.memory_space<hbm>> -> memref<8x128xi32, #tpu.memory_space<hbm>>
    %dma_start3A_15 = arith.constant 0 : i32
    %dma_start3A_16 = tpu.memref_slice %arg2[%mul3A_13, %dma_start3A_15] : memref<2560x128xi32, #tpu.memory_space<hbm>> -> memref<8x128xi32, #tpu.memory_space<hbm>>
    tpu.enqueue_dma source(%dma_start3A_16 : memref<8x128xi32, #tpu.memory_space<hbm>>) target(%arg5 : memref<8x128xi32, #tpu.memory_space<vmem>>) target_semaphore(%arg9 : memref<!tpu.dma_semaphore, #tpu.memory_space<semaphore_mem>>)
    %scan3A_17 = arith.constant 0 : i32
    %scan3A_18 = arith.constant 5 : i32
    %scan3A_19 = arith.addi %scan3A_17, %scan3A_18 : i32
    %scan3A_20 = arith.constant 1 : i32
    scf.for %scan3A_27 = %scan3A_17 to %scan3A_19 step %scan3A_20  : i32 {
      %mul3A_28 = arith.constant 2 : i32
      %mul3A_29 = arith.muli %scan3A_27, %mul3A_28 : i32
      %add3A_30 = arith.constant 0 : i32
      %add3A_31 = arith.addi %add3A_30, %mul3A_29 : i32
      %add3A_32 = arith.constant 0 : i32
      %add3A_33 = arith.addi %add3A_31, %add3A_32 : i32
      %add3A_34 = arith.constant 1 : i32
      %add3A_35 = arith.addi %add3A_33, %add3A_34 : i32
      %lt3A = arith.constant 10 : i32
      %lt3A_36 = arith.cmpi slt, %add3A_35, %lt3A : i32
      %convert_element_type3A = arith.extui %lt3A_36 : i1 to i32
      %cond3A = arith.constant 0 : i32
      %cond3A_37 = arith.cmpi ne, %convert_element_type3A, %cond3A : i32
      scf.if %cond3A_37 {
        %add3A_73 = arith.constant 1 : i32
        %add3A_74 = arith.addi %add3A_33, %add3A_73 : i32
        %mul3A_75 = arith.constant 8 : i32
        %mul3A_76 = arith.muli %add3A_74, %mul3A_75 : i32
        %add3A_77 = arith.addi %mul3A_13, %mul3A_76 : i32
        %dma_start3A_78 = arith.constant 0 : i32
        %dma_start3A_79 = tpu.memref_slice %arg2[%add3A_77, %dma_start3A_78] : memref<2560x128xi32, #tpu.memory_space<hbm>> -> memref<8x128xi32, #tpu.memory_space<hbm>>
        %dma_start3A_80 = arith.constant 0 : i32
        %dma_start3A_81 = tpu.memref_slice %arg2[%add3A_77, %dma_start3A_80] : memref<2560x128xi32, #tpu.memory_space<hbm>> -> memref<8x128xi32, #tpu.memory_space<hbm>>
        tpu.enqueue_dma source(%dma_start3A_81 : memref<8x128xi32, #tpu.memory_space<hbm>>) target(%arg6 : memref<8x128xi32, #tpu.memory_space<vmem>>) target_semaphore(%arg10 : memref<!tpu.dma_semaphore, #tpu.memory_space<semaphore_mem>>)
      } else {
      }
      %dma_wait3A = arith.constant 0 : i32
      %dma_wait3A_38 = arith.constant 0 : i32
      %dma_wait3A_39 = tpu.memref_slice %arg2[%dma_wait3A, %dma_wait3A_38] : memref<2560x128xi32, #tpu.memory_space<hbm>> -> memref<8x128xi32, #tpu.memory_space<hbm>>
      %dma_wait3A_40 = arith.constant 0 : i32
      %dma_wait3A_41 = arith.constant 0 : i32
      %dma_wait3A_42 = tpu.memref_slice %arg2[%dma_wait3A_40, %dma_wait3A_41] : memref<2560x128xi32, #tpu.memory_space<hbm>> -> memref<8x128xi32, #tpu.memory_space<hbm>>
      tpu.wait_dma2 semaphore(%arg9 : memref<!tpu.dma_semaphore, #tpu.memory_space<semaphore_mem>>) src(%dma_wait3A_42 : memref<8x128xi32, #tpu.memory_space<hbm>>) dst(%arg5 : memref<8x128xi32, #tpu.memory_space<vmem>>)
      %run_scoped3A = arith.constant 0 : i32
      "tpu.region"() ({
        %run_scoped3A_73 = tpu.sem_alloc : memref<!tpu.dma_semaphore, #tpu.memory_space<semaphore_mem>>
        %dma_start3A_74 = arith.constant 0 : i32
        %dma_start3A_75 = tpu.memref_slice %arg5[%run_scoped3A, %dma_start3A_74] : memref<8x128xi32, #tpu.memory_space<vmem>> -> memref<1x128xi32, #tpu.memory_space<vmem>>
        %dma_start3A_76 = tpu.memref_squeeze %dma_start3A_75 : memref<1x128xi32, #tpu.memory_space<vmem>> -> memref<128xi32, #tpu.memory_space<vmem>>
        %dma_start3A_77 = arith.constant 0 : i32
        %dma_start3A_78 = tpu.memref_slice %arg4[%dma_start3A_77] : memref<10240xf32, #tpu.memory_space<vmem_shared>> -> memref<10240xf32, #tpu.memory_space<vmem_shared>>
        tpu.enqueue_indirect_dma source(%arg7 : memref<128xf32, #tpu.memory_space<vmem>>) target(%dma_start3A_78 : memref<10240xf32, #tpu.memory_space<vmem_shared>>) offsets(%dma_start3A_76 : memref<128xi32, #tpu.memory_space<vmem>>) semaphore(%run_scoped3A_73 : memref<!tpu.dma_semaphore, #tpu.memory_space<semaphore_mem>>) {add = true}
        %dma_wait3A_79 = arith.constant 0 : i32
        %dma_wait3A_80 = tpu.memref_slice %arg5[%run_scoped3A, %dma_wait3A_79] : memref<8x128xi32, #tpu.memory_space<vmem>> -> memref<1x128xi32, #tpu.memory_space<vmem>>
        %dma_wait3A_81 = tpu.memref_squeeze %dma_wait3A_80 : memref<1x128xi32, #tpu.memory_space<vmem>> -> memref<128xi32, #tpu.memory_space<vmem>>
        %dma_wait3A_82 = arith.constant 0 : i32
        %dma_wait3A_83 = tpu.memref_slice %arg4[%dma_wait3A_82] : memref<10240xf32, #tpu.memory_space<vmem_shared>> -> memref<10240xf32, #tpu.memory_space<vmem_shared>>
        tpu.wait_indirect_dma semaphore(%run_scoped3A_73 : memref<!tpu.dma_semaphore, #tpu.memory_space<semaphore_mem>>) src(%arg7 : memref<128xf32, #tpu.memory_space<vmem>>) dst(%dma_wait3A_83 : memref<10240xf32, #tpu.memory_space<vmem_shared>>)
        tpu.yield
      }) : () -> ()
      %run_scoped3A_43 = arith.constant 1 : i32
      "tpu.region"() ({
        %run_scoped3A_73 = tpu.sem_alloc : memref<!tpu.dma_semaphore, #tpu.memory_space<semaphore_mem>>
        %dma_start3A_74 = arith.constant 0 : i32
        %dma_start3A_75 = tpu.memref_slice %arg5[%run_scoped3A_43, %dma_start3A_74] : memref<8x128xi32, #tpu.memory_space<vmem>> -> memref<1x128xi32, #tpu.memory_space<vmem>>
        %dma_start3A_76 = tpu.memref_squeeze %dma_start3A_75 : memref<1x128xi32, #tpu.memory_space<vmem>> -> memref<128xi32, #tpu.memory_space<vmem>>
        %dma_start3A_77 = arith.constant 0 : i32
        %dma_start3A_78 = tpu.memref_slice %arg4[%dma_start3A_77] : memref<10240xf32, #tpu.memory_space<vmem_shared>> -> memref<10240xf32, #tpu.memory_space<vmem_shared>>
        tpu.enqueue_indirect_dma source(%arg7 : memref<128xf32, #tpu.memory_space<vmem>>) target(%dma_start3A_78 : memref<10240xf32, #tpu.memory_space<vmem_shared>>) offsets(%dma_start3A_76 : memref<128xi32, #tpu.memory_space<vmem>>) semaphore(%run_scoped3A_73 : memref<!tpu.dma_semaphore, #tpu.memory_space<semaphore_mem>>) {add = true}
        %dma_wait3A_79 = arith.constant 0 : i32
        %dma_wait3A_80 = tpu.memref_slice %arg5[%run_scoped3A_43, %dma_wait3A_79] : memref<8x128xi32, #tpu.memory_space<vmem>> -> memref<1x128xi32, #tpu.memory_space<vmem>>
        %dma_wait3A_81 = tpu.memref_squeeze %dma_wait3A_80 : memref<1x128xi32, #tpu.memory_space<vmem>> -> memref<128xi32, #tpu.memory_space<vmem>>
        %dma_wait3A_82 = arith.constant 0 : i32
        %dma_wait3A_83 = tpu.memref_slice %arg4[%dma_wait3A_82] : memref<10240xf32, #tpu.memory_space<vmem_shared>> -> memref<10240xf32, #tpu.memory_space<vmem_shared>>
        tpu.wait_indirect_dma semaphore(%run_scoped3A_73 : memref<!tpu.dma_semaphore, #tpu.memory_space<semaphore_mem>>) src(%arg7 : memref<128xf32, #tpu.memory_space<vmem>>) dst(%dma_wait3A_83 : memref<10240xf32, #tpu.memory_space<vmem_shared>>)
        tpu.yield
      }) : () -> ()
      %run_scoped3A_44 = arith.constant 2 : i32
      "tpu.region"() ({
        %run_scoped3A_73 = tpu.sem_alloc : memref<!tpu.dma_semaphore, #tpu.memory_space<semaphore_mem>>
        %dma_start3A_74 = arith.constant 0 : i32
        %dma_start3A_75 = tpu.memref_slice %arg5[%run_scoped3A_44, %dma_start3A_74] : memref<8x128xi32, #tpu.memory_space<vmem>> -> memref<1x128xi32, #tpu.memory_space<vmem>>
        %dma_start3A_76 = tpu.memref_squeeze %dma_start3A_75 : memref<1x128xi32, #tpu.memory_space<vmem>> -> memref<128xi32, #tpu.memory_space<vmem>>
        %dma_start3A_77 = arith.constant 0 : i32
        %dma_start3A_78 = tpu.memref_slice %arg4[%dma_start3A_77] : memref<10240xf32, #tpu.memory_space<vmem_shared>> -> memref<10240xf32, #tpu.memory_space<vmem_shared>>
        tpu.enqueue_indirect_dma source(%arg7 : memref<128xf32, #tpu.memory_space<vmem>>) target(%dma_start3A_78 : memref<10240xf32, #tpu.memory_space<vmem_shared>>) offsets(%dma_start3A_76 : memref<128xi32, #tpu.memory_space<vmem>>) semaphore(%run_scoped3A_73 : memref<!tpu.dma_semaphore, #tpu.memory_space<semaphore_mem>>) {add = true}
        %dma_wait3A_79 = arith.constant 0 : i32
        %dma_wait3A_80 = tpu.memref_slice %arg5[%run_scoped3A_44, %dma_wait3A_79] : memref<8x128xi32, #tpu.memory_space<vmem>> -> memref<1x128xi32, #tpu.memory_space<vmem>>
        %dma_wait3A_81 = tpu.memref_squeeze %dma_wait3A_80 : memref<1x128xi32, #tpu.memory_space<vmem>> -> memref<128xi32, #tpu.memory_space<vmem>>
        %dma_wait3A_82 = arith.constant 0 : i32
        %dma_wait3A_83 = tpu.memref_slice %arg4[%dma_wait3A_82] : memref<10240xf32, #tpu.memory_space<vmem_shared>> -> memref<10240xf32, #tpu.memory_space<vmem_shared>>
        tpu.wait_indirect_dma semaphore(%run_scoped3A_73 : memref<!tpu.dma_semaphore, #tpu.memory_space<semaphore_mem>>) src(%arg7 : memref<128xf32, #tpu.memory_space<vmem>>) dst(%dma_wait3A_83 : memref<10240xf32, #tpu.memory_space<vmem_shared>>)
        tpu.yield
      }) : () -> ()
      %run_scoped3A_45 = arith.constant 3 : i32
      "tpu.region"() ({
        %run_scoped3A_73 = tpu.sem_alloc : memref<!tpu.dma_semaphore, #tpu.memory_space<semaphore_mem>>
        %dma_start3A_74 = arith.constant 0 : i32
        %dma_start3A_75 = tpu.memref_slice %arg5[%run_scoped3A_45, %dma_start3A_74] : memref<8x128xi32, #tpu.memory_space<vmem>> -> memref<1x128xi32, #tpu.memory_space<vmem>>
        %dma_start3A_76 = tpu.memref_squeeze %dma_start3A_75 : memref<1x128xi32, #tpu.memory_space<vmem>> -> memref<128xi32, #tpu.memory_space<vmem>>
        %dma_start3A_77 = arith.constant 0 : i32
        %dma_start3A_78 = tpu.memref_slice %arg4[%dma_start3A_77] : memref<10240xf32, #tpu.memory_space<vmem_shared>> -> memref<10240xf32, #tpu.memory_space<vmem_shared>>
        tpu.enqueue_indirect_dma source(%arg7 : memref<128xf32, #tpu.memory_space<vmem>>) target(%dma_start3A_78 : memref<10240xf32, #tpu.memory_space<vmem_shared>>) offsets(%dma_start3A_76 : memref<128xi32, #tpu.memory_space<vmem>>) semaphore(%run_scoped3A_73 : memref<!tpu.dma_semaphore, #tpu.memory_space<semaphore_mem>>) {add = true}
        %dma_wait3A_79 = arith.constant 0 : i32
        %dma_wait3A_80 = tpu.memref_slice %arg5[%run_scoped3A_45, %dma_wait3A_79] : memref<8x128xi32, #tpu.memory_space<vmem>> -> memref<1x128xi32, #tpu.memory_space<vmem>>
        %dma_wait3A_81 = tpu.memref_squeeze %dma_wait3A_80 : memref<1x128xi32, #tpu.memory_space<vmem>> -> memref<128xi32, #tpu.memory_space<vmem>>
        %dma_wait3A_82 = arith.constant 0 : i32
        %dma_wait3A_83 = tpu.memref_slice %arg4[%dma_wait3A_82] : memref<10240xf32, #tpu.memory_space<vmem_shared>> -> memref<10240xf32, #tpu.memory_space<vmem_shared>>
        tpu.wait_indirect_dma semaphore(%run_scoped3A_73 : memref<!tpu.dma_semaphore, #tpu.memory_space<semaphore_mem>>) src(%arg7 : memref<128xf32, #tpu.memory_space<vmem>>) dst(%dma_wait3A_83 : memref<10240xf32, #tpu.memory_space<vmem_shared>>)
        tpu.yield
      }) : () -> ()
      %run_scoped3A_46 = arith.constant 4 : i32
      "tpu.region"() ({
        %run_scoped3A_73 = tpu.sem_alloc : memref<!tpu.dma_semaphore, #tpu.memory_space<semaphore_mem>>
        %dma_start3A_74 = arith.constant 0 : i32
        %dma_start3A_75 = tpu.memref_slice %arg5[%run_scoped3A_46, %dma_start3A_74] : memref<8x128xi32, #tpu.memory_space<vmem>> -> memref<1x128xi32, #tpu.memory_space<vmem>>
        %dma_start3A_76 = tpu.memref_squeeze %dma_start3A_75 : memref<1x128xi32, #tpu.memory_space<vmem>> -> memref<128xi32, #tpu.memory_space<vmem>>
        %dma_start3A_77 = arith.constant 0 : i32
        %dma_start3A_78 = tpu.memref_slice %arg4[%dma_start3A_77] : memref<10240xf32, #tpu.memory_space<vmem_shared>> -> memref<10240xf32, #tpu.memory_space<vmem_shared>>
        tpu.enqueue_indirect_dma source(%arg7 : memref<128xf32, #tpu.memory_space<vmem>>) target(%dma_start3A_78 : memref<10240xf32, #tpu.memory_space<vmem_shared>>) offsets(%dma_start3A_76 : memref<128xi32, #tpu.memory_space<vmem>>) semaphore(%run_scoped3A_73 : memref<!tpu.dma_semaphore, #tpu.memory_space<semaphore_mem>>) {add = true}
        %dma_wait3A_79 = arith.constant 0 : i32
        %dma_wait3A_80 = tpu.memref_slice %arg5[%run_scoped3A_46, %dma_wait3A_79] : memref<8x128xi32, #tpu.memory_space<vmem>> -> memref<1x128xi32, #tpu.memory_space<vmem>>
        %dma_wait3A_81 = tpu.memref_squeeze %dma_wait3A_80 : memref<1x128xi32, #tpu.memory_space<vmem>> -> memref<128xi32, #tpu.memory_space<vmem>>
        %dma_wait3A_82 = arith.constant 0 : i32
        %dma_wait3A_83 = tpu.memref_slice %arg4[%dma_wait3A_82] : memref<10240xf32, #tpu.memory_space<vmem_shared>> -> memref<10240xf32, #tpu.memory_space<vmem_shared>>
        tpu.wait_indirect_dma semaphore(%run_scoped3A_73 : memref<!tpu.dma_semaphore, #tpu.memory_space<semaphore_mem>>) src(%arg7 : memref<128xf32, #tpu.memory_space<vmem>>) dst(%dma_wait3A_83 : memref<10240xf32, #tpu.memory_space<vmem_shared>>)
        tpu.yield
      }) : () -> ()
      %run_scoped3A_47 = arith.constant 5 : i32
      "tpu.region"() ({
        %run_scoped3A_73 = tpu.sem_alloc : memref<!tpu.dma_semaphore, #tpu.memory_space<semaphore_mem>>
        %dma_start3A_74 = arith.constant 0 : i32
        %dma_start3A_75 = tpu.memref_slice %arg5[%run_scoped3A_47, %dma_start3A_74] : memref<8x128xi32, #tpu.memory_space<vmem>> -> memref<1x128xi32, #tpu.memory_space<vmem>>
        %dma_start3A_76 = tpu.memref_squeeze %dma_start3A_75 : memref<1x128xi32, #tpu.memory_space<vmem>> -> memref<128xi32, #tpu.memory_space<vmem>>
        %dma_start3A_77 = arith.constant 0 : i32
        %dma_start3A_78 = tpu.memref_slice %arg4[%dma_start3A_77] : memref<10240xf32, #tpu.memory_space<vmem_shared>> -> memref<10240xf32, #tpu.memory_space<vmem_shared>>
        tpu.enqueue_indirect_dma source(%arg7 : memref<128xf32, #tpu.memory_space<vmem>>) target(%dma_start3A_78 : memref<10240xf32, #tpu.memory_space<vmem_shared>>) offsets(%dma_start3A_76 : memref<128xi32, #tpu.memory_space<vmem>>) semaphore(%run_scoped3A_73 : memref<!tpu.dma_semaphore, #tpu.memory_space<semaphore_mem>>) {add = true}
        %dma_wait3A_79 = arith.constant 0 : i32
        %dma_wait3A_80 = tpu.memref_slice %arg5[%run_scoped3A_47, %dma_wait3A_79] : memref<8x128xi32, #tpu.memory_space<vmem>> -> memref<1x128xi32, #tpu.memory_space<vmem>>
        %dma_wait3A_81 = tpu.memref_squeeze %dma_wait3A_80 : memref<1x128xi32, #tpu.memory_space<vmem>> -> memref<128xi32, #tpu.memory_space<vmem>>
        %dma_wait3A_82 = arith.constant 0 : i32
        %dma_wait3A_83 = tpu.memref_slice %arg4[%dma_wait3A_82] : memref<10240xf32, #tpu.memory_space<vmem_shared>> -> memref<10240xf32, #tpu.memory_space<vmem_shared>>
        tpu.wait_indirect_dma semaphore(%run_scoped3A_73 : memref<!tpu.dma_semaphore, #tpu.memory_space<semaphore_mem>>) src(%arg7 : memref<128xf32, #tpu.memory_space<vmem>>) dst(%dma_wait3A_83 : memref<10240xf32, #tpu.memory_space<vmem_shared>>)
        tpu.yield
      }) : () -> ()
      %run_scoped3A_48 = arith.constant 6 : i32
      "tpu.region"() ({
        %run_scoped3A_73 = tpu.sem_alloc : memref<!tpu.dma_semaphore, #tpu.memory_space<semaphore_mem>>
        %dma_start3A_74 = arith.constant 0 : i32
        %dma_start3A_75 = tpu.memref_slice %arg5[%run_scoped3A_48, %dma_start3A_74] : memref<8x128xi32, #tpu.memory_space<vmem>> -> memref<1x128xi32, #tpu.memory_space<vmem>>
        %dma_start3A_76 = tpu.memref_squeeze %dma_start3A_75 : memref<1x128xi32, #tpu.memory_space<vmem>> -> memref<128xi32, #tpu.memory_space<vmem>>
        %dma_start3A_77 = arith.constant 0 : i32
        %dma_start3A_78 = tpu.memref_slice %arg4[%dma_start3A_77] : memref<10240xf32, #tpu.memory_space<vmem_shared>> -> memref<10240xf32, #tpu.memory_space<vmem_shared>>
        tpu.enqueue_indirect_dma source(%arg7 : memref<128xf32, #tpu.memory_space<vmem>>) target(%dma_start3A_78 : memref<10240xf32, #tpu.memory_space<vmem_shared>>) offsets(%dma_start3A_76 : memref<128xi32, #tpu.memory_space<vmem>>) semaphore(%run_scoped3A_73 : memref<!tpu.dma_semaphore, #tpu.memory_space<semaphore_mem>>) {add = true}
        %dma_wait3A_79 = arith.constant 0 : i32
        %dma_wait3A_80 = tpu.memref_slice %arg5[%run_scoped3A_48, %dma_wait3A_79] : memref<8x128xi32, #tpu.memory_space<vmem>> -> memref<1x128xi32, #tpu.memory_space<vmem>>
        %dma_wait3A_81 = tpu.memref_squeeze %dma_wait3A_80 : memref<1x128xi32, #tpu.memory_space<vmem>> -> memref<128xi32, #tpu.memory_space<vmem>>
        %dma_wait3A_82 = arith.constant 0 : i32
        %dma_wait3A_83 = tpu.memref_slice %arg4[%dma_wait3A_82] : memref<10240xf32, #tpu.memory_space<vmem_shared>> -> memref<10240xf32, #tpu.memory_space<vmem_shared>>
        tpu.wait_indirect_dma semaphore(%run_scoped3A_73 : memref<!tpu.dma_semaphore, #tpu.memory_space<semaphore_mem>>) src(%arg7 : memref<128xf32, #tpu.memory_space<vmem>>) dst(%dma_wait3A_83 : memref<10240xf32, #tpu.memory_space<vmem_shared>>)
        tpu.yield
      }) : () -> ()
      %run_scoped3A_49 = arith.constant 7 : i32
      "tpu.region"() ({
        %run_scoped3A_73 = tpu.sem_alloc : memref<!tpu.dma_semaphore, #tpu.memory_space<semaphore_mem>>
        %dma_start3A_74 = arith.constant 0 : i32
        %dma_start3A_75 = tpu.memref_slice %arg5[%run_scoped3A_49, %dma_start3A_74] : memref<8x128xi32, #tpu.memory_space<vmem>> -> memref<1x128xi32, #tpu.memory_space<vmem>>
        %dma_start3A_76 = tpu.memref_squeeze %dma_start3A_75 : memref<1x128xi32, #tpu.memory_space<vmem>> -> memref<128xi32, #tpu.memory_space<vmem>>
        %dma_start3A_77 = arith.constant 0 : i32
        %dma_start3A_78 = tpu.memref_slice %arg4[%dma_start3A_77] : memref<10240xf32, #tpu.memory_space<vmem_shared>> -> memref<10240xf32, #tpu.memory_space<vmem_shared>>
        tpu.enqueue_indirect_dma source(%arg7 : memref<128xf32, #tpu.memory_space<vmem>>) target(%dma_start3A_78 : memref<10240xf32, #tpu.memory_space<vmem_shared>>) offsets(%dma_start3A_76 : memref<128xi32, #tpu.memory_space<vmem>>) semaphore(%run_scoped3A_73 : memref<!tpu.dma_semaphore, #tpu.memory_space<semaphore_mem>>) {add = true}
        %dma_wait3A_79 = arith.constant 0 : i32
        %dma_wait3A_80 = tpu.memref_slice %arg5[%run_scoped3A_49, %dma_wait3A_79] : memref<8x128xi32, #tpu.memory_space<vmem>> -> memref<1x128xi32, #tpu.memory_space<vmem>>
        %dma_wait3A_81 = tpu.memref_squeeze %dma_wait3A_80 : memref<1x128xi32, #tpu.memory_space<vmem>> -> memref<128xi32, #tpu.memory_space<vmem>>
        %dma_wait3A_82 = arith.constant 0 : i32
        %dma_wait3A_83 = tpu.memref_slice %arg4[%dma_wait3A_82] : memref<10240xf32, #tpu.memory_space<vmem_shared>> -> memref<10240xf32, #tpu.memory_space<vmem_shared>>
        tpu.wait_indirect_dma semaphore(%run_scoped3A_73 : memref<!tpu.dma_semaphore, #tpu.memory_space<semaphore_mem>>) src(%arg7 : memref<128xf32, #tpu.memory_space<vmem>>) dst(%dma_wait3A_83 : memref<10240xf32, #tpu.memory_space<vmem_shared>>)
        tpu.yield
      }) : () -> ()
      %add3A_50 = arith.constant 1 : i32
      %add3A_51 = arith.addi %add3A_31, %add3A_50 : i32
      %add3A_52 = arith.constant 1 : i32
      %add3A_53 = arith.addi %add3A_51, %add3A_52 : i32
      %lt3A_54 = arith.constant 10 : i32
      %lt3A_55 = arith.cmpi slt, %add3A_53, %lt3A_54 : i32
      %convert_element_type3A_56 = arith.extui %lt3A_55 : i1 to i32
      %cond3A_57 = arith.constant 0 : i32
      %cond3A_58 = arith.cmpi ne, %convert_element_type3A_56, %cond3A_57 : i32
      scf.if %cond3A_58 {
        %add3A_73 = arith.constant 1 : i32
        %add3A_74 = arith.addi %add3A_51, %add3A_73 : i32
        %mul3A_75 = arith.constant 8 : i32
        %mul3A_76 = arith.muli %add3A_74, %mul3A_75 : i32
        %add3A_77 = arith.addi %mul3A_13, %mul3A_76 : i32
        %dma_start3A_78 = arith.constant 0 : i32
        %dma_start3A_79 = tpu.memref_slice %arg2[%add3A_77, %dma_start3A_78] : memref<2560x128xi32, #tpu.memory_space<hbm>> -> memref<8x128xi32, #tpu.memory_space<hbm>>
        %dma_start3A_80 = arith.constant 0 : i32
        %dma_start3A_81 = tpu.memref_slice %arg2[%add3A_77, %dma_start3A_80] : memref<2560x128xi32, #tpu.memory_space<hbm>> -> memref<8x128xi32, #tpu.memory_space<hbm>>
        tpu.enqueue_dma source(%dma_start3A_81 : memref<8x128xi32, #tpu.memory_space<hbm>>) target(%arg5 : memref<8x128xi32, #tpu.memory_space<vmem>>) target_semaphore(%arg9 : memref<!tpu.dma_semaphore, #tpu.memory_space<semaphore_mem>>)
      } else {
      }
      %dma_wait3A_59 = arith.constant 0 : i32
      %dma_wait3A_60 = arith.constant 0 : i32
      %dma_wait3A_61 = tpu.memref_slice %arg2[%dma_wait3A_59, %dma_wait3A_60] : memref<2560x128xi32, #tpu.memory_space<hbm>> -> memref<8x128xi32, #tpu.memory_space<hbm>>
      %dma_wait3A_62 = arith.constant 0 : i32
      %dma_wait3A_63 = arith.constant 0 : i32
      %dma_wait3A_64 = tpu.memref_slice %arg2[%dma_wait3A_62, %dma_wait3A_63] : memref<2560x128xi32, #tpu.memory_space<hbm>> -> memref<8x128xi32, #tpu.memory_space<hbm>>
      tpu.wait_dma2 semaphore(%arg10 : memref<!tpu.dma_semaphore, #tpu.memory_space<semaphore_mem>>) src(%dma_wait3A_64 : memref<8x128xi32, #tpu.memory_space<hbm>>) dst(%arg6 : memref<8x128xi32, #tpu.memory_space<vmem>>)
      %run_scoped3A_65 = arith.constant 0 : i32
      "tpu.region"() ({
        %run_scoped3A_73 = tpu.sem_alloc : memref<!tpu.dma_semaphore, #tpu.memory_space<semaphore_mem>>
        %dma_start3A_74 = arith.constant 0 : i32
        %dma_start3A_75 = tpu.memref_slice %arg6[%run_scoped3A_65, %dma_start3A_74] : memref<8x128xi32, #tpu.memory_space<vmem>> -> memref<1x128xi32, #tpu.memory_space<vmem>>
        %dma_start3A_76 = tpu.memref_squeeze %dma_start3A_75 : memref<1x128xi32, #tpu.memory_space<vmem>> -> memref<128xi32, #tpu.memory_space<vmem>>
        %dma_start3A_77 = arith.constant 0 : i32
        %dma_start3A_78 = tpu.memref_slice %arg4[%dma_start3A_77] : memref<10240xf32, #tpu.memory_space<vmem_shared>> -> memref<10240xf32, #tpu.memory_space<vmem_shared>>
        tpu.enqueue_indirect_dma source(%arg7 : memref<128xf32, #tpu.memory_space<vmem>>) target(%dma_start3A_78 : memref<10240xf32, #tpu.memory_space<vmem_shared>>) offsets(%dma_start3A_76 : memref<128xi32, #tpu.memory_space<vmem>>) semaphore(%run_scoped3A_73 : memref<!tpu.dma_semaphore, #tpu.memory_space<semaphore_mem>>) {add = true}
        %dma_wait3A_79 = arith.constant 0 : i32
        %dma_wait3A_80 = tpu.memref_slice %arg6[%run_scoped3A_65, %dma_wait3A_79] : memref<8x128xi32, #tpu.memory_space<vmem>> -> memref<1x128xi32, #tpu.memory_space<vmem>>
        %dma_wait3A_81 = tpu.memref_squeeze %dma_wait3A_80 : memref<1x128xi32, #tpu.memory_space<vmem>> -> memref<128xi32, #tpu.memory_space<vmem>>
        %dma_wait3A_82 = arith.constant 0 : i32
        %dma_wait3A_83 = tpu.memref_slice %arg4[%dma_wait3A_82] : memref<10240xf32, #tpu.memory_space<vmem_shared>> -> memref<10240xf32, #tpu.memory_space<vmem_shared>>
        tpu.wait_indirect_dma semaphore(%run_scoped3A_73 : memref<!tpu.dma_semaphore, #tpu.memory_space<semaphore_mem>>) src(%arg7 : memref<128xf32, #tpu.memory_space<vmem>>) dst(%dma_wait3A_83 : memref<10240xf32, #tpu.memory_space<vmem_shared>>)
        tpu.yield
      }) : () -> ()
      %run_scoped3A_66 = arith.constant 1 : i32
      "tpu.region"() ({
        %run_scoped3A_73 = tpu.sem_alloc : memref<!tpu.dma_semaphore, #tpu.memory_space<semaphore_mem>>
        %dma_start3A_74 = arith.constant 0 : i32
        %dma_start3A_75 = tpu.memref_slice %arg6[%run_scoped3A_66, %dma_start3A_74] : memref<8x128xi32, #tpu.memory_space<vmem>> -> memref<1x128xi32, #tpu.memory_space<vmem>>
        %dma_start3A_76 = tpu.memref_squeeze %dma_start3A_75 : memref<1x128xi32, #tpu.memory_space<vmem>> -> memref<128xi32, #tpu.memory_space<vmem>>
        %dma_start3A_77 = arith.constant 0 : i32
        %dma_start3A_78 = tpu.memref_slice %arg4[%dma_start3A_77] : memref<10240xf32, #tpu.memory_space<vmem_shared>> -> memref<10240xf32, #tpu.memory_space<vmem_shared>>
        tpu.enqueue_indirect_dma source(%arg7 : memref<128xf32, #tpu.memory_space<vmem>>) target(%dma_start3A_78 : memref<10240xf32, #tpu.memory_space<vmem_shared>>) offsets(%dma_start3A_76 : memref<128xi32, #tpu.memory_space<vmem>>) semaphore(%run_scoped3A_73 : memref<!tpu.dma_semaphore, #tpu.memory_space<semaphore_mem>>) {add = true}
        %dma_wait3A_79 = arith.constant 0 : i32
        %dma_wait3A_80 = tpu.memref_slice %arg6[%run_scoped3A_66, %dma_wait3A_79] : memref<8x128xi32, #tpu.memory_space<vmem>> -> memref<1x128xi32, #tpu.memory_space<vmem>>
        %dma_wait3A_81 = tpu.memref_squeeze %dma_wait3A_80 : memref<1x128xi32, #tpu.memory_space<vmem>> -> memref<128xi32, #tpu.memory_space<vmem>>
        %dma_wait3A_82 = arith.constant 0 : i32
        %dma_wait3A_83 = tpu.memref_slice %arg4[%dma_wait3A_82] : memref<10240xf32, #tpu.memory_space<vmem_shared>> -> memref<10240xf32, #tpu.memory_space<vmem_shared>>
        tpu.wait_indirect_dma semaphore(%run_scoped3A_73 : memref<!tpu.dma_semaphore, #tpu.memory_space<semaphore_mem>>) src(%arg7 : memref<128xf32, #tpu.memory_space<vmem>>) dst(%dma_wait3A_83 : memref<10240xf32, #tpu.memory_space<vmem_shared>>)
        tpu.yield
      }) : () -> ()
      %run_scoped3A_67 = arith.constant 2 : i32
      "tpu.region"() ({
        %run_scoped3A_73 = tpu.sem_alloc : memref<!tpu.dma_semaphore, #tpu.memory_space<semaphore_mem>>
        %dma_start3A_74 = arith.constant 0 : i32
        %dma_start3A_75 = tpu.memref_slice %arg6[%run_scoped3A_67, %dma_start3A_74] : memref<8x128xi32, #tpu.memory_space<vmem>> -> memref<1x128xi32, #tpu.memory_space<vmem>>
        %dma_start3A_76 = tpu.memref_squeeze %dma_start3A_75 : memref<1x128xi32, #tpu.memory_space<vmem>> -> memref<128xi32, #tpu.memory_space<vmem>>
        %dma_start3A_77 = arith.constant 0 : i32
        %dma_start3A_78 = tpu.memref_slice %arg4[%dma_start3A_77] : memref<10240xf32, #tpu.memory_space<vmem_shared>> -> memref<10240xf32, #tpu.memory_space<vmem_shared>>
        tpu.enqueue_indirect_dma source(%arg7 : memref<128xf32, #tpu.memory_space<vmem>>) target(%dma_start3A_78 : memref<10240xf32, #tpu.memory_space<vmem_shared>>) offsets(%dma_start3A_76 : memref<128xi32, #tpu.memory_space<vmem>>) semaphore(%run_scoped3A_73 : memref<!tpu.dma_semaphore, #tpu.memory_space<semaphore_mem>>) {add = true}
        %dma_wait3A_79 = arith.constant 0 : i32
        %dma_wait3A_80 = tpu.memref_slice %arg6[%run_scoped3A_67, %dma_wait3A_79] : memref<8x128xi32, #tpu.memory_space<vmem>> -> memref<1x128xi32, #tpu.memory_space<vmem>>
        %dma_wait3A_81 = tpu.memref_squeeze %dma_wait3A_80 : memref<1x128xi32, #tpu.memory_space<vmem>> -> memref<128xi32, #tpu.memory_space<vmem>>
        %dma_wait3A_82 = arith.constant 0 : i32
        %dma_wait3A_83 = tpu.memref_slice %arg4[%dma_wait3A_82] : memref<10240xf32, #tpu.memory_space<vmem_shared>> -> memref<10240xf32, #tpu.memory_space<vmem_shared>>
        tpu.wait_indirect_dma semaphore(%run_scoped3A_73 : memref<!tpu.dma_semaphore, #tpu.memory_space<semaphore_mem>>) src(%arg7 : memref<128xf32, #tpu.memory_space<vmem>>) dst(%dma_wait3A_83 : memref<10240xf32, #tpu.memory_space<vmem_shared>>)
        tpu.yield
      }) : () -> ()
      %run_scoped3A_68 = arith.constant 3 : i32
      "tpu.region"() ({
        %run_scoped3A_73 = tpu.sem_alloc : memref<!tpu.dma_semaphore, #tpu.memory_space<semaphore_mem>>
        %dma_start3A_74 = arith.constant 0 : i32
        %dma_start3A_75 = tpu.memref_slice %arg6[%run_scoped3A_68, %dma_start3A_74] : memref<8x128xi32, #tpu.memory_space<vmem>> -> memref<1x128xi32, #tpu.memory_space<vmem>>
        %dma_start3A_76 = tpu.memref_squeeze %dma_start3A_75 : memref<1x128xi32, #tpu.memory_space<vmem>> -> memref<128xi32, #tpu.memory_space<vmem>>
        %dma_start3A_77 = arith.constant 0 : i32
        %dma_start3A_78 = tpu.memref_slice %arg4[%dma_start3A_77] : memref<10240xf32, #tpu.memory_space<vmem_shared>> -> memref<10240xf32, #tpu.memory_space<vmem_shared>>
        tpu.enqueue_indirect_dma source(%arg7 : memref<128xf32, #tpu.memory_space<vmem>>) target(%dma_start3A_78 : memref<10240xf32, #tpu.memory_space<vmem_shared>>) offsets(%dma_start3A_76 : memref<128xi32, #tpu.memory_space<vmem>>) semaphore(%run_scoped3A_73 : memref<!tpu.dma_semaphore, #tpu.memory_space<semaphore_mem>>) {add = true}
        %dma_wait3A_79 = arith.constant 0 : i32
        %dma_wait3A_80 = tpu.memref_slice %arg6[%run_scoped3A_68, %dma_wait3A_79] : memref<8x128xi32, #tpu.memory_space<vmem>> -> memref<1x128xi32, #tpu.memory_space<vmem>>
        %dma_wait3A_81 = tpu.memref_squeeze %dma_wait3A_80 : memref<1x128xi32, #tpu.memory_space<vmem>> -> memref<128xi32, #tpu.memory_space<vmem>>
        %dma_wait3A_82 = arith.constant 0 : i32
        %dma_wait3A_83 = tpu.memref_slice %arg4[%dma_wait3A_82] : memref<10240xf32, #tpu.memory_space<vmem_shared>> -> memref<10240xf32, #tpu.memory_space<vmem_shared>>
        tpu.wait_indirect_dma semaphore(%run_scoped3A_73 : memref<!tpu.dma_semaphore, #tpu.memory_space<semaphore_mem>>) src(%arg7 : memref<128xf32, #tpu.memory_space<vmem>>) dst(%dma_wait3A_83 : memref<10240xf32, #tpu.memory_space<vmem_shared>>)
        tpu.yield
      }) : () -> ()
      %run_scoped3A_69 = arith.constant 4 : i32
      "tpu.region"() ({
        %run_scoped3A_73 = tpu.sem_alloc : memref<!tpu.dma_semaphore, #tpu.memory_space<semaphore_mem>>
        %dma_start3A_74 = arith.constant 0 : i32
        %dma_start3A_75 = tpu.memref_slice %arg6[%run_scoped3A_69, %dma_start3A_74] : memref<8x128xi32, #tpu.memory_space<vmem>> -> memref<1x128xi32, #tpu.memory_space<vmem>>
        %dma_start3A_76 = tpu.memref_squeeze %dma_start3A_75 : memref<1x128xi32, #tpu.memory_space<vmem>> -> memref<128xi32, #tpu.memory_space<vmem>>
        %dma_start3A_77 = arith.constant 0 : i32
        %dma_start3A_78 = tpu.memref_slice %arg4[%dma_start3A_77] : memref<10240xf32, #tpu.memory_space<vmem_shared>> -> memref<10240xf32, #tpu.memory_space<vmem_shared>>
        tpu.enqueue_indirect_dma source(%arg7 : memref<128xf32, #tpu.memory_space<vmem>>) target(%dma_start3A_78 : memref<10240xf32, #tpu.memory_space<vmem_shared>>) offsets(%dma_start3A_76 : memref<128xi32, #tpu.memory_space<vmem>>) semaphore(%run_scoped3A_73 : memref<!tpu.dma_semaphore, #tpu.memory_space<semaphore_mem>>) {add = true}
        %dma_wait3A_79 = arith.constant 0 : i32
        %dma_wait3A_80 = tpu.memref_slice %arg6[%run_scoped3A_69, %dma_wait3A_79] : memref<8x128xi32, #tpu.memory_space<vmem>> -> memref<1x128xi32, #tpu.memory_space<vmem>>
        %dma_wait3A_81 = tpu.memref_squeeze %dma_wait3A_80 : memref<1x128xi32, #tpu.memory_space<vmem>> -> memref<128xi32, #tpu.memory_space<vmem>>
        %dma_wait3A_82 = arith.constant 0 : i32
        %dma_wait3A_83 = tpu.memref_slice %arg4[%dma_wait3A_82] : memref<10240xf32, #tpu.memory_space<vmem_shared>> -> memref<10240xf32, #tpu.memory_space<vmem_shared>>
        tpu.wait_indirect_dma semaphore(%run_scoped3A_73 : memref<!tpu.dma_semaphore, #tpu.memory_space<semaphore_mem>>) src(%arg7 : memref<128xf32, #tpu.memory_space<vmem>>) dst(%dma_wait3A_83 : memref<10240xf32, #tpu.memory_space<vmem_shared>>)
        tpu.yield
      }) : () -> ()
      %run_scoped3A_70 = arith.constant 5 : i32
      "tpu.region"() ({
        %run_scoped3A_73 = tpu.sem_alloc : memref<!tpu.dma_semaphore, #tpu.memory_space<semaphore_mem>>
        %dma_start3A_74 = arith.constant 0 : i32
        %dma_start3A_75 = tpu.memref_slice %arg6[%run_scoped3A_70, %dma_start3A_74] : memref<8x128xi32, #tpu.memory_space<vmem>> -> memref<1x128xi32, #tpu.memory_space<vmem>>
        %dma_start3A_76 = tpu.memref_squeeze %dma_start3A_75 : memref<1x128xi32, #tpu.memory_space<vmem>> -> memref<128xi32, #tpu.memory_space<vmem>>
        %dma_start3A_77 = arith.constant 0 : i32
        %dma_start3A_78 = tpu.memref_slice %arg4[%dma_start3A_77] : memref<10240xf32, #tpu.memory_space<vmem_shared>> -> memref<10240xf32, #tpu.memory_space<vmem_shared>>
        tpu.enqueue_indirect_dma source(%arg7 : memref<128xf32, #tpu.memory_space<vmem>>) target(%dma_start3A_78 : memref<10240xf32, #tpu.memory_space<vmem_shared>>) offsets(%dma_start3A_76 : memref<128xi32, #tpu.memory_space<vmem>>) semaphore(%run_scoped3A_73 : memref<!tpu.dma_semaphore, #tpu.memory_space<semaphore_mem>>) {add = true}
        %dma_wait3A_79 = arith.constant 0 : i32
        %dma_wait3A_80 = tpu.memref_slice %arg6[%run_scoped3A_70, %dma_wait3A_79] : memref<8x128xi32, #tpu.memory_space<vmem>> -> memref<1x128xi32, #tpu.memory_space<vmem>>
        %dma_wait3A_81 = tpu.memref_squeeze %dma_wait3A_80 : memref<1x128xi32, #tpu.memory_space<vmem>> -> memref<128xi32, #tpu.memory_space<vmem>>
        %dma_wait3A_82 = arith.constant 0 : i32
        %dma_wait3A_83 = tpu.memref_slice %arg4[%dma_wait3A_82] : memref<10240xf32, #tpu.memory_space<vmem_shared>> -> memref<10240xf32, #tpu.memory_space<vmem_shared>>
        tpu.wait_indirect_dma semaphore(%run_scoped3A_73 : memref<!tpu.dma_semaphore, #tpu.memory_space<semaphore_mem>>) src(%arg7 : memref<128xf32, #tpu.memory_space<vmem>>) dst(%dma_wait3A_83 : memref<10240xf32, #tpu.memory_space<vmem_shared>>)
        tpu.yield
      }) : () -> ()
      %run_scoped3A_71 = arith.constant 6 : i32
      "tpu.region"() ({
        %run_scoped3A_73 = tpu.sem_alloc : memref<!tpu.dma_semaphore, #tpu.memory_space<semaphore_mem>>
        %dma_start3A_74 = arith.constant 0 : i32
        %dma_start3A_75 = tpu.memref_slice %arg6[%run_scoped3A_71, %dma_start3A_74] : memref<8x128xi32, #tpu.memory_space<vmem>> -> memref<1x128xi32, #tpu.memory_space<vmem>>
        %dma_start3A_76 = tpu.memref_squeeze %dma_start3A_75 : memref<1x128xi32, #tpu.memory_space<vmem>> -> memref<128xi32, #tpu.memory_space<vmem>>
        %dma_start3A_77 = arith.constant 0 : i32
        %dma_start3A_78 = tpu.memref_slice %arg4[%dma_start3A_77] : memref<10240xf32, #tpu.memory_space<vmem_shared>> -> memref<10240xf32, #tpu.memory_space<vmem_shared>>
        tpu.enqueue_indirect_dma source(%arg7 : memref<128xf32, #tpu.memory_space<vmem>>) target(%dma_start3A_78 : memref<10240xf32, #tpu.memory_space<vmem_shared>>) offsets(%dma_start3A_76 : memref<128xi32, #tpu.memory_space<vmem>>) semaphore(%run_scoped3A_73 : memref<!tpu.dma_semaphore, #tpu.memory_space<semaphore_mem>>) {add = true}
        %dma_wait3A_79 = arith.constant 0 : i32
        %dma_wait3A_80 = tpu.memref_slice %arg6[%run_scoped3A_71, %dma_wait3A_79] : memref<8x128xi32, #tpu.memory_space<vmem>> -> memref<1x128xi32, #tpu.memory_space<vmem>>
        %dma_wait3A_81 = tpu.memref_squeeze %dma_wait3A_80 : memref<1x128xi32, #tpu.memory_space<vmem>> -> memref<128xi32, #tpu.memory_space<vmem>>
        %dma_wait3A_82 = arith.constant 0 : i32
        %dma_wait3A_83 = tpu.memref_slice %arg4[%dma_wait3A_82] : memref<10240xf32, #tpu.memory_space<vmem_shared>> -> memref<10240xf32, #tpu.memory_space<vmem_shared>>
        tpu.wait_indirect_dma semaphore(%run_scoped3A_73 : memref<!tpu.dma_semaphore, #tpu.memory_space<semaphore_mem>>) src(%arg7 : memref<128xf32, #tpu.memory_space<vmem>>) dst(%dma_wait3A_83 : memref<10240xf32, #tpu.memory_space<vmem_shared>>)
        tpu.yield
      }) : () -> ()
      %run_scoped3A_72 = arith.constant 7 : i32
      "tpu.region"() ({
        %run_scoped3A_73 = tpu.sem_alloc : memref<!tpu.dma_semaphore, #tpu.memory_space<semaphore_mem>>
        %dma_start3A_74 = arith.constant 0 : i32
        %dma_start3A_75 = tpu.memref_slice %arg6[%run_scoped3A_72, %dma_start3A_74] : memref<8x128xi32, #tpu.memory_space<vmem>> -> memref<1x128xi32, #tpu.memory_space<vmem>>
        %dma_start3A_76 = tpu.memref_squeeze %dma_start3A_75 : memref<1x128xi32, #tpu.memory_space<vmem>> -> memref<128xi32, #tpu.memory_space<vmem>>
        %dma_start3A_77 = arith.constant 0 : i32
        %dma_start3A_78 = tpu.memref_slice %arg4[%dma_start3A_77] : memref<10240xf32, #tpu.memory_space<vmem_shared>> -> memref<10240xf32, #tpu.memory_space<vmem_shared>>
        tpu.enqueue_indirect_dma source(%arg7 : memref<128xf32, #tpu.memory_space<vmem>>) target(%dma_start3A_78 : memref<10240xf32, #tpu.memory_space<vmem_shared>>) offsets(%dma_start3A_76 : memref<128xi32, #tpu.memory_space<vmem>>) semaphore(%run_scoped3A_73 : memref<!tpu.dma_semaphore, #tpu.memory_space<semaphore_mem>>) {add = true}
        %dma_wait3A_79 = arith.constant 0 : i32
        %dma_wait3A_80 = tpu.memref_slice %arg6[%run_scoped3A_72, %dma_wait3A_79] : memref<8x128xi32, #tpu.memory_space<vmem>> -> memref<1x128xi32, #tpu.memory_space<vmem>>
        %dma_wait3A_81 = tpu.memref_squeeze %dma_wait3A_80 : memref<1x128xi32, #tpu.memory_space<vmem>> -> memref<128xi32, #tpu.memory_space<vmem>>
        %dma_wait3A_82 = arith.constant 0 : i32
        %dma_wait3A_83 = tpu.memref_slice %arg4[%dma_wait3A_82] : memref<10240xf32, #tpu.memory_space<vmem_shared>> -> memref<10240xf32, #tpu.memory_space<vmem_shared>>
        tpu.wait_indirect_dma semaphore(%run_scoped3A_73 : memref<!tpu.dma_semaphore, #tpu.memory_space<semaphore_mem>>) src(%arg7 : memref<128xf32, #tpu.memory_space<vmem>>) dst(%dma_wait3A_83 : memref<10240xf32, #tpu.memory_space<vmem_shared>>)
        tpu.yield
      }) : () -> ()
    }
    %scan3A_21 = arith.constant 5 : i32
    %barrier3A_22 = arith.constant 0 : index
    tpu.barrier barrier_id(%barrier3A_22)
    %mul3A_23 = arith.constant 640 : i32
    %mul3A_24 = arith.muli %arg1, %mul3A_23 : i32
    %mul3A_25 = arith.constant 640 : i32
    %mul3A_26 = arith.muli %arg1, %mul3A_25 : i32
    "tpu.region"() ({
      %run_scoped3A = tpu.sem_alloc : memref<!tpu.dma_semaphore, #tpu.memory_space<semaphore_mem>>
      %dma_start3A_27 = arith.constant 0 : i32
      %dma_start3A_28 = tpu.memref_slice %arg3[%arg0, %dma_start3A_27] : memref<2x10240xf32, #tpu.memory_space<hbm>> -> memref<1x10240xf32, #tpu.memory_space<hbm>>
      %dma_start3A_29 = tpu.memref_squeeze %dma_start3A_28 : memref<1x10240xf32, #tpu.memory_space<hbm>> -> memref<10240xf32, #tpu.memory_space<hbm>>
      %dma_start3A_30 = tpu.memref_slice %dma_start3A_29[%mul3A_26] : memref<10240xf32, #tpu.memory_space<hbm>> -> memref<640xf32, #tpu.memory_space<hbm>>
      %dma_start3A_31 = tpu.memref_slice %arg4[%mul3A_24] : memref<10240xf32, #tpu.memory_space<vmem_shared>> -> memref<640xf32, #tpu.memory_space<vmem_shared>>
      tpu.enqueue_dma source(%dma_start3A_31 : memref<640xf32, #tpu.memory_space<vmem_shared>>) target(%dma_start3A_30 : memref<640xf32, #tpu.memory_space<hbm>>) target_semaphore(%run_scoped3A : memref<!tpu.dma_semaphore, #tpu.memory_space<semaphore_mem>>)
      %dma_wait3A = arith.constant 0 : i32
      %dma_wait3A_32 = tpu.memref_slice %arg3[%arg0, %dma_wait3A] : memref<2x10240xf32, #tpu.memory_space<hbm>> -> memref<1x10240xf32, #tpu.memory_space<hbm>>
      %dma_wait3A_33 = tpu.memref_squeeze %dma_wait3A_32 : memref<1x10240xf32, #tpu.memory_space<hbm>> -> memref<10240xf32, #tpu.memory_space<hbm>>
      %dma_wait3A_34 = tpu.memref_slice %dma_wait3A_33[%mul3A_26] : memref<10240xf32, #tpu.memory_space<hbm>> -> memref<640xf32, #tpu.memory_space<hbm>>
      %dma_wait3A_35 = tpu.memref_slice %arg4[%mul3A_24] : memref<10240xf32, #tpu.memory_space<vmem_shared>> -> memref<640xf32, #tpu.memory_space<vmem_shared>>
      tpu.wait_dma2 semaphore(%run_scoped3A : memref<!tpu.dma_semaphore, #tpu.memory_space<semaphore_mem>>) src(%dma_wait3A_35 : memref<640xf32, #tpu.memory_space<vmem_shared>>) dst(%dma_wait3A_34 : memref<640xf32, #tpu.memory_space<hbm>>)
      tpu.yield
    }) : () -> ()
    return
  }
}

#map = affine_map<(d0, d1) -> (0, 0)>
#map1 = affine_map<(d0, d1) -> (0, 0, 0)>
module attributes {stable_mosaic.version = 14 : i64} {
  func.func @_agg_body(%arg0: i32, %arg1: i32, %arg2: memref<10000x128xf32, #tpu.memory_space<hbm>>, %arg3: memref<2560x2x128xi32, #tpu.memory_space<hbm>>, %arg4: memref<2x10240x128xf32, #tpu.memory_space<hbm>>, %arg5: memref<10240x128xf32, #tpu.memory_space<vmem_shared>>, %arg6: memref<2x128xi32, #tpu.memory_space<vmem>>, %arg7: memref<2x128xi32, #tpu.memory_space<vmem>>, %arg8: memref<2x128xi32, #tpu.memory_space<vmem>>, %arg9: memref<2x128xi32, #tpu.memory_space<vmem>>, %arg10: memref<128x128xf32, #tpu.memory_space<vmem>>, %arg11: memref<128x128xf32, #tpu.memory_space<vmem>>, %arg12: memref<!tpu.dma_semaphore, #tpu.memory_space<semaphore_mem>>, %arg13: memref<!tpu.dma_semaphore, #tpu.memory_space<semaphore_mem>>, %arg14: memref<!tpu.dma_semaphore, #tpu.memory_space<semaphore_mem>>, %arg15: memref<!tpu.dma_semaphore, #tpu.memory_space<semaphore_mem>>, %arg16: memref<!tpu.dma_semaphore, #tpu.memory_space<semaphore_mem>>, %arg17: memref<!tpu.dma_semaphore, #tpu.memory_space<semaphore_mem>>) attributes {dimension_semantics = [#tpu.dimension_semantics<core_parallel>, #tpu.dimension_semantics<subcore_parallel>], iteration_bounds = array<i64: 2, 16>, scalar_prefetch = 0 : i64, scratch_operands = 13 : i64, tpu.core_type = #tpu.core_type<sc_vector_subcore>, window_params = [{transform_indices = #map}, {transform_indices = #map1}, {transform_indices = #map1}]} {
    %mul3A = arith.constant 2 : i32
    %mul3A_0 = arith.muli %arg1, %mul3A : i32
    %add3A = arith.addi %mul3A_0, %arg0 : i32
    %scan3A = arith.constant 0 : i32
    %scan3A_1 = arith.constant 128 : i32
    %scan3A_2 = arith.addi %scan3A, %scan3A_1 : i32
    %scan3A_3 = arith.constant 1 : i32
    scf.for %scan3A_66 = %scan3A to %scan3A_2 step %scan3A_3  : i32 {
      %mul3A_67 = arith.constant 1 : i32
      %mul3A_68 = arith.muli %scan3A_66, %mul3A_67 : i32
      %add3A_69 = arith.constant 0 : i32
      %add3A_70 = arith.addi %add3A_69, %mul3A_68 : i32
      %scan3A_71 = arith.constant 0 : i32
      %scan3A_72 = arith.constant 8 : i32
      %scan3A_73 = arith.addi %scan3A_71, %scan3A_72 : i32
      %scan3A_74 = arith.constant 1 : i32
      scf.for %scan3A_76 = %scan3A_71 to %scan3A_73 step %scan3A_74  : i32 {
        %mul3A_77 = arith.constant 1 : i32
        %mul3A_78 = arith.muli %scan3A_76, %mul3A_77 : i32
        %add3A_79 = arith.constant 0 : i32
        %add3A_80 = arith.addi %add3A_79, %mul3A_78 : i32
        %broadcast_in_dim3A = arith.constant 0.000000e+00 : f32
        %broadcast_in_dim3A_81 = vector.broadcast %broadcast_in_dim3A : f32 to vector<16xf32>
        %mul3A_82 = arith.constant 16 : i32
        %mul3A_83 = arith.muli %add3A_80, %mul3A_82 : i32
        %swap3A = arith.constant 0 : i32
        %swap3A_84 = tpu.memref_slice %arg10[%add3A_70, %swap3A] : memref<128x128xf32, #tpu.memory_space<vmem>> -> memref<1x128xf32, #tpu.memory_space<vmem>>
        %swap3A_85 = tpu.memref_squeeze %swap3A_84 : memref<1x128xf32, #tpu.memory_space<vmem>> -> memref<128xf32, #tpu.memory_space<vmem>>
        %swap3A_86 = arith.index_cast %mul3A_83 : i32 to index
        %swap3A_87 = tpu.vector_load %swap3A_85[%swap3A_86] {strides = array<i32>} : memref<128xf32, #tpu.memory_space<vmem>>, vector<16xf32>,
        %swap3A_88 = vector.shape_cast %swap3A_87 : vector<16xf32> to vector<16xf32>
        %swap3A_89 = vector.shape_cast %broadcast_in_dim3A_81 : vector<16xf32> to vector<16xf32>
        tpu.vector_store %swap3A_85[%swap3A_86], %swap3A_89 {strides = array<i32>} : memref<128xf32, #tpu.memory_space<vmem>>, vector<16xf32>,
      }
      %scan3A_75 = arith.constant 8 : i32
    }
    %scan3A_4 = arith.constant 128 : i32
    %scan3A_5 = arith.constant 0 : i32
    %scan3A_6 = arith.constant 5 : i32
    %scan3A_7 = arith.addi %scan3A_5, %scan3A_6 : i32
    %scan3A_8 = arith.constant 1 : i32
    scf.for %scan3A_66 = %scan3A_5 to %scan3A_7 step %scan3A_8  : i32 {
      %mul3A_67 = arith.constant 1 : i32
      %mul3A_68 = arith.muli %scan3A_66, %mul3A_67 : i32
      %add3A_69 = arith.constant 0 : i32
      %add3A_70 = arith.addi %add3A_69, %mul3A_68 : i32
      %mul3A_71 = arith.constant 640 : i32
      %mul3A_72 = arith.muli %arg1, %mul3A_71 : i32
      %mul3A_73 = arith.constant 128 : i32
      %mul3A_74 = arith.muli %add3A_70, %mul3A_73 : i32
      %add3A_75 = arith.addi %mul3A_72, %mul3A_74 : i32
      "tpu.region"() ({
        %run_scoped3A = tpu.sem_alloc : memref<!tpu.dma_semaphore, #tpu.memory_space<semaphore_mem>>
        %dma_start3A_76 = arith.constant 0 : i32
        %dma_start3A_77 = tpu.memref_slice %arg5[%add3A_75, %dma_start3A_76] : memref<10240x128xf32, #tpu.memory_space<vmem_shared>> -> memref<128x128xf32, #tpu.memory_space<vmem_shared>>
        %dma_start3A_78 = arith.constant 0 : i32
        %dma_start3A_79 = tpu.memref_slice %arg5[%add3A_75, %dma_start3A_78] : memref<10240x128xf32, #tpu.memory_space<vmem_shared>> -> memref<128x128xf32, #tpu.memory_space<vmem_shared>>
        tpu.enqueue_dma source(%arg10 : memref<128x128xf32, #tpu.memory_space<vmem>>) target(%dma_start3A_79 : memref<128x128xf32, #tpu.memory_space<vmem_shared>>) target_semaphore(%run_scoped3A : memref<!tpu.dma_semaphore, #tpu.memory_space<semaphore_mem>>)
        %dma_wait3A_80 = arith.constant 0 : i32
        %dma_wait3A_81 = tpu.memref_slice %arg5[%add3A_75, %dma_wait3A_80] : memref<10240x128xf32, #tpu.memory_space<vmem_shared>> -> memref<128x128xf32, #tpu.memory_space<vmem_shared>>
        %dma_wait3A_82 = arith.constant 0 : i32
        %dma_wait3A_83 = tpu.memref_slice %arg5[%add3A_75, %dma_wait3A_82] : memref<10240x128xf32, #tpu.memory_space<vmem_shared>> -> memref<128x128xf32, #tpu.memory_space<vmem_shared>>
        tpu.wait_dma2 semaphore(%run_scoped3A : memref<!tpu.dma_semaphore, #tpu.memory_space<semaphore_mem>>) src(%arg10 : memref<128x128xf32, #tpu.memory_space<vmem>>) dst(%dma_wait3A_83 : memref<128x128xf32, #tpu.memory_space<vmem_shared>>)
        tpu.yield
      }) : () -> ()
    }
    %scan3A_9 = arith.constant 5 : i32
    %barrier3A = arith.constant 0 : index
    tpu.barrier barrier_id(%barrier3A)
    %mul3A_10 = arith.constant 80 : i32
    %mul3A_11 = arith.muli %add3A, %mul3A_10 : i32
    %add3A_12 = arith.constant 0 : i32
    %add3A_13 = arith.addi %mul3A_11, %add3A_12 : i32
    %dma_start3A = arith.constant 0 : i32
    %dma_start3A_14 = arith.constant 0 : i32
    %dma_start3A_15 = tpu.memref_slice %arg3[%add3A_13, %dma_start3A, %dma_start3A_14] : memref<2560x2x128xi32, #tpu.memory_space<hbm>> -> memref<1x2x128xi32, #tpu.memory_space<hbm>>
    %dma_start3A_16 = tpu.memref_squeeze %dma_start3A_15 : memref<1x2x128xi32, #tpu.memory_space<hbm>> -> memref<2x128xi32, #tpu.memory_space<hbm>>
    %dma_start3A_17 = arith.constant 0 : i32
    %dma_start3A_18 = arith.constant 0 : i32
    %dma_start3A_19 = tpu.memref_slice %arg3[%add3A_13, %dma_start3A_17, %dma_start3A_18] : memref<2560x2x128xi32, #tpu.memory_space<hbm>> -> memref<1x2x128xi32, #tpu.memory_space<hbm>>
    %dma_start3A_20 = tpu.memref_squeeze %dma_start3A_19 : memref<1x2x128xi32, #tpu.memory_space<hbm>> -> memref<2x128xi32, #tpu.memory_space<hbm>>
    tpu.enqueue_dma source(%dma_start3A_20 : memref<2x128xi32, #tpu.memory_space<hbm>>) target(%arg6 : memref<2x128xi32, #tpu.memory_space<vmem>>) target_semaphore(%arg14 : memref<!tpu.dma_semaphore, #tpu.memory_space<semaphore_mem>>)
    %add3A_21 = arith.constant 1 : i32
    %add3A_22 = arith.addi %mul3A_11, %add3A_21 : i32
    %dma_start3A_23 = arith.constant 0 : i32
    %dma_start3A_24 = arith.constant 0 : i32
    %dma_start3A_25 = tpu.memref_slice %arg3[%add3A_22, %dma_start3A_23, %dma_start3A_24] : memref<2560x2x128xi32, #tpu.memory_space<hbm>> -> memref<1x2x128xi32, #tpu.memory_space<hbm>>
    %dma_start3A_26 = tpu.memref_squeeze %dma_start3A_25 : memref<1x2x128xi32, #tpu.memory_space<hbm>> -> memref<2x128xi32, #tpu.memory_space<hbm>>
    %dma_start3A_27 = arith.constant 0 : i32
    %dma_start3A_28 = arith.constant 0 : i32
    %dma_start3A_29 = tpu.memref_slice %arg3[%add3A_22, %dma_start3A_27, %dma_start3A_28] : memref<2560x2x128xi32, #tpu.memory_space<hbm>> -> memref<1x2x128xi32, #tpu.memory_space<hbm>>
    %dma_start3A_30 = tpu.memref_squeeze %dma_start3A_29 : memref<1x2x128xi32, #tpu.memory_space<hbm>> -> memref<2x128xi32, #tpu.memory_space<hbm>>
    tpu.enqueue_dma source(%dma_start3A_30 : memref<2x128xi32, #tpu.memory_space<hbm>>) target(%arg7 : memref<2x128xi32, #tpu.memory_space<vmem>>) target_semaphore(%arg15 : memref<!tpu.dma_semaphore, #tpu.memory_space<semaphore_mem>>)
    %add3A_31 = arith.constant 2 : i32
    %add3A_32 = arith.addi %mul3A_11, %add3A_31 : i32
    %dma_start3A_33 = arith.constant 0 : i32
    %dma_start3A_34 = arith.constant 0 : i32
    %dma_start3A_35 = tpu.memref_slice %arg3[%add3A_32, %dma_start3A_33, %dma_start3A_34] : memref<2560x2x128xi32, #tpu.memory_space<hbm>> -> memref<1x2x128xi32, #tpu.memory_space<hbm>>
    %dma_start3A_36 = tpu.memref_squeeze %dma_start3A_35 : memref<1x2x128xi32, #tpu.memory_space<hbm>> -> memref<2x128xi32, #tpu.memory_space<hbm>>
    %dma_start3A_37 = arith.constant 0 : i32
    %dma_start3A_38 = arith.constant 0 : i32
    %dma_start3A_39 = tpu.memref_slice %arg3[%add3A_32, %dma_start3A_37, %dma_start3A_38] : memref<2560x2x128xi32, #tpu.memory_space<hbm>> -> memref<1x2x128xi32, #tpu.memory_space<hbm>>
    %dma_start3A_40 = tpu.memref_squeeze %dma_start3A_39 : memref<1x2x128xi32, #tpu.memory_space<hbm>> -> memref<2x128xi32, #tpu.memory_space<hbm>>
    tpu.enqueue_dma source(%dma_start3A_40 : memref<2x128xi32, #tpu.memory_space<hbm>>) target(%arg8 : memref<2x128xi32, #tpu.memory_space<vmem>>) target_semaphore(%arg16 : memref<!tpu.dma_semaphore, #tpu.memory_space<semaphore_mem>>)
    %dma_wait3A = arith.constant 0 : i32
    %dma_wait3A_41 = arith.constant 0 : i32
    %dma_wait3A_42 = arith.constant 0 : i32
    %dma_wait3A_43 = tpu.memref_slice %arg3[%dma_wait3A, %dma_wait3A_41, %dma_wait3A_42] : memref<2560x2x128xi32, #tpu.memory_space<hbm>> -> memref<1x2x128xi32, #tpu.memory_space<hbm>>
    %dma_wait3A_44 = tpu.memref_squeeze %dma_wait3A_43 : memref<1x2x128xi32, #tpu.memory_space<hbm>> -> memref<2x128xi32, #tpu.memory_space<hbm>>
    %dma_wait3A_45 = arith.constant 0 : i32
    %dma_wait3A_46 = arith.constant 0 : i32
    %dma_wait3A_47 = tpu.memref_slice %arg3[%dma_wait3A, %dma_wait3A_45, %dma_wait3A_46] : memref<2560x2x128xi32, #tpu.memory_space<hbm>> -> memref<1x2x128xi32, #tpu.memory_space<hbm>>
    %dma_wait3A_48 = tpu.memref_squeeze %dma_wait3A_47 : memref<1x2x128xi32, #tpu.memory_space<hbm>> -> memref<2x128xi32, #tpu.memory_space<hbm>>
    tpu.wait_dma2 semaphore(%arg14 : memref<!tpu.dma_semaphore, #tpu.memory_space<semaphore_mem>>) src(%dma_wait3A_48 : memref<2x128xi32, #tpu.memory_space<hbm>>) dst(%arg6 : memref<2x128xi32, #tpu.memory_space<vmem>>)
    %dma_start3A_49 = arith.constant 0 : i32
    %dma_start3A_50 = arith.constant 0 : i32
    %dma_start3A_51 = tpu.memref_slice %arg6[%dma_start3A_49, %dma_start3A_50] : memref<2x128xi32, #tpu.memory_space<vmem>> -> memref<1x128xi32, #tpu.memory_space<vmem>>
    %dma_start3A_52 = tpu.memref_squeeze %dma_start3A_51 : memref<1x128xi32, #tpu.memory_space<vmem>> -> memref<128xi32, #tpu.memory_space<vmem>>
    %dma_start3A_53 = arith.constant 0 : i32
    %dma_start3A_54 = arith.constant 0 : i32
    %dma_start3A_55 = tpu.memref_slice %arg2[%dma_start3A_53, %dma_start3A_54] : memref<10000x128xf32, #tpu.memory_space<hbm>> -> memref<10000x128xf32, #tpu.memory_space<hbm>>
    tpu.enqueue_indirect_dma source(%dma_start3A_55 : memref<10000x128xf32, #tpu.memory_space<hbm>>) target(%arg10 : memref<128x128xf32, #tpu.memory_space<vmem>>) offsets(%dma_start3A_52 : memref<128xi32, #tpu.memory_space<vmem>>) semaphore(%arg12 : memref<!tpu.dma_semaphore, #tpu.memory_space<semaphore_mem>>)
    %scan3A_56 = arith.constant 0 : i32
    %scan3A_57 = arith.constant 20 : i32
    %scan3A_58 = arith.addi %scan3A_56, %scan3A_57 : i32
    %scan3A_59 = arith.constant 1 : i32
    scf.for %scan3A_66 = %scan3A_56 to %scan3A_58 step %scan3A_59  : i32 {
      %mul3A_67 = arith.constant 4 : i32
      %mul3A_68 = arith.muli %scan3A_66, %mul3A_67 : i32
      %add3A_69 = arith.constant 0 : i32
      %add3A_70 = arith.addi %add3A_69, %mul3A_68 : i32
      %add3A_71 = arith.constant 0 : i32
      %add3A_72 = arith.addi %add3A_70, %add3A_71 : i32
      %add3A_73 = arith.constant 1 : i32
      %add3A_74 = arith.addi %add3A_72, %add3A_73 : i32
      %lt3A = arith.constant 80 : i32
      %lt3A_75 = arith.cmpi slt, %add3A_74, %lt3A : i32
      %convert_element_type3A = arith.extui %lt3A_75 : i1 to i32
      %cond3A = arith.constant 0 : i32
      %cond3A_76 = arith.cmpi ne, %convert_element_type3A, %cond3A : i32
      scf.if %cond3A_76 {
        %dma_wait3A_163 = arith.constant 0 : i32
        %dma_wait3A_164 = arith.constant 0 : i32
        %dma_wait3A_165 = arith.constant 0 : i32
        %dma_wait3A_166 = tpu.memref_slice %arg3[%dma_wait3A_163, %dma_wait3A_164, %dma_wait3A_165] : memref<2560x2x128xi32, #tpu.memory_space<hbm>> -> memref<1x2x128xi32, #tpu.memory_space<hbm>>
        %dma_wait3A_167 = tpu.memref_squeeze %dma_wait3A_166 : memref<1x2x128xi32, #tpu.memory_space<hbm>> -> memref<2x128xi32, #tpu.memory_space<hbm>>
        %dma_wait3A_168 = arith.constant 0 : i32
        %dma_wait3A_169 = arith.constant 0 : i32
        %dma_wait3A_170 = tpu.memref_slice %arg3[%dma_wait3A_163, %dma_wait3A_168, %dma_wait3A_169] : memref<2560x2x128xi32, #tpu.memory_space<hbm>> -> memref<1x2x128xi32, #tpu.memory_space<hbm>>
        %dma_wait3A_171 = tpu.memref_squeeze %dma_wait3A_170 : memref<1x2x128xi32, #tpu.memory_space<hbm>> -> memref<2x128xi32, #tpu.memory_space<hbm>>
        tpu.wait_dma2 semaphore(%arg15 : memref<!tpu.dma_semaphore, #tpu.memory_space<semaphore_mem>>) src(%dma_wait3A_171 : memref<2x128xi32, #tpu.memory_space<hbm>>) dst(%arg7 : memref<2x128xi32, #tpu.memory_space<vmem>>)
        %dma_start3A_172 = arith.constant 0 : i32
        %dma_start3A_173 = arith.constant 0 : i32
        %dma_start3A_174 = tpu.memref_slice %arg7[%dma_start3A_172, %dma_start3A_173] : memref<2x128xi32, #tpu.memory_space<vmem>> -> memref<1x128xi32, #tpu.memory_space<vmem>>
        %dma_start3A_175 = tpu.memref_squeeze %dma_start3A_174 : memref<1x128xi32, #tpu.memory_space<vmem>> -> memref<128xi32, #tpu.memory_space<vmem>>
        %dma_start3A_176 = arith.constant 0 : i32
        %dma_start3A_177 = arith.constant 0 : i32
        %dma_start3A_178 = tpu.memref_slice %arg2[%dma_start3A_176, %dma_start3A_177] : memref<10000x128xf32, #tpu.memory_space<hbm>> -> memref<10000x128xf32, #tpu.memory_space<hbm>>
        tpu.enqueue_indirect_dma source(%dma_start3A_178 : memref<10000x128xf32, #tpu.memory_space<hbm>>) target(%arg11 : memref<128x128xf32, #tpu.memory_space<vmem>>) offsets(%dma_start3A_175 : memref<128xi32, #tpu.memory_space<vmem>>) semaphore(%arg13 : memref<!tpu.dma_semaphore, #tpu.memory_space<semaphore_mem>>)
      } else {
      }
      %add3A_77 = arith.constant 3 : i32
      %add3A_78 = arith.addi %add3A_72, %add3A_77 : i32
      %lt3A_79 = arith.constant 80 : i32
      %lt3A_80 = arith.cmpi slt, %add3A_78, %lt3A_79 : i32
      %convert_element_type3A_81 = arith.extui %lt3A_80 : i1 to i32
      %cond3A_82 = arith.constant 0 : i32
      %cond3A_83 = arith.cmpi ne, %convert_element_type3A_81, %cond3A_82 : i32
      scf.if %cond3A_83 {
        %add3A_163 = arith.addi %mul3A_11, %add3A_72 : i32
        %add3A_164 = arith.constant 3 : i32
        %add3A_165 = arith.addi %add3A_163, %add3A_164 : i32
        %dma_start3A_166 = arith.constant 0 : i32
        %dma_start3A_167 = arith.constant 0 : i32
        %dma_start3A_168 = tpu.memref_slice %arg3[%add3A_165, %dma_start3A_166, %dma_start3A_167] : memref<2560x2x128xi32, #tpu.memory_space<hbm>> -> memref<1x2x128xi32, #tpu.memory_space<hbm>>
        %dma_start3A_169 = tpu.memref_squeeze %dma_start3A_168 : memref<1x2x128xi32, #tpu.memory_space<hbm>> -> memref<2x128xi32, #tpu.memory_space<hbm>>
        %dma_start3A_170 = arith.constant 0 : i32
        %dma_start3A_171 = arith.constant 0 : i32
        %dma_start3A_172 = tpu.memref_slice %arg3[%add3A_165, %dma_start3A_170, %dma_start3A_171] : memref<2560x2x128xi32, #tpu.memory_space<hbm>> -> memref<1x2x128xi32, #tpu.memory_space<hbm>>
        %dma_start3A_173 = tpu.memref_squeeze %dma_start3A_172 : memref<1x2x128xi32, #tpu.memory_space<hbm>> -> memref<2x128xi32, #tpu.memory_space<hbm>>
        tpu.enqueue_dma source(%dma_start3A_173 : memref<2x128xi32, #tpu.memory_space<hbm>>) target(%arg9 : memref<2x128xi32, #tpu.memory_space<vmem>>) target_semaphore(%arg17 : memref<!tpu.dma_semaphore, #tpu.memory_space<semaphore_mem>>)
      } else {
      }
      %dma_wait3A_84 = arith.constant 0 : i32
      %dma_wait3A_85 = arith.constant 0 : i32
      %dma_wait3A_86 = tpu.memref_slice %arg6[%dma_wait3A_84, %dma_wait3A_85] : memref<2x128xi32, #tpu.memory_space<vmem>> -> memref<1x128xi32, #tpu.memory_space<vmem>>
      %dma_wait3A_87 = tpu.memref_squeeze %dma_wait3A_86 : memref<1x128xi32, #tpu.memory_space<vmem>> -> memref<128xi32, #tpu.memory_space<vmem>>
      %dma_wait3A_88 = arith.constant 0 : i32
      %dma_wait3A_89 = arith.constant 0 : i32
      %dma_wait3A_90 = tpu.memref_slice %arg2[%dma_wait3A_88, %dma_wait3A_89] : memref<10000x128xf32, #tpu.memory_space<hbm>> -> memref<10000x128xf32, #tpu.memory_space<hbm>>
      tpu.wait_indirect_dma semaphore(%arg12 : memref<!tpu.dma_semaphore, #tpu.memory_space<semaphore_mem>>) src(%dma_wait3A_90 : memref<10000x128xf32, #tpu.memory_space<hbm>>) dst(%arg10 : memref<128x128xf32, #tpu.memory_space<vmem>>)
      %run_scoped3A = arith.constant 1 : i32
      "tpu.region"() ({
        %run_scoped3A_163 = tpu.sem_alloc : memref<!tpu.dma_semaphore, #tpu.memory_space<semaphore_mem>>
        %dma_start3A_164 = arith.constant 0 : i32
        %dma_start3A_165 = tpu.memref_slice %arg6[%run_scoped3A, %dma_start3A_164] : memref<2x128xi32, #tpu.memory_space<vmem>> -> memref<1x128xi32, #tpu.memory_space<vmem>>
        %dma_start3A_166 = tpu.memref_squeeze %dma_start3A_165 : memref<1x128xi32, #tpu.memory_space<vmem>> -> memref<128xi32, #tpu.memory_space<vmem>>
        %dma_start3A_167 = arith.constant 0 : i32
        %dma_start3A_168 = arith.constant 0 : i32
        %dma_start3A_169 = tpu.memref_slice %arg5[%dma_start3A_167, %dma_start3A_168] : memref<10240x128xf32, #tpu.memory_space<vmem_shared>> -> memref<10240x128xf32, #tpu.memory_space<vmem_shared>>
        tpu.enqueue_indirect_dma source(%arg10 : memref<128x128xf32, #tpu.memory_space<vmem>>) target(%dma_start3A_169 : memref<10240x128xf32, #tpu.memory_space<vmem_shared>>) offsets(%dma_start3A_166 : memref<128xi32, #tpu.memory_space<vmem>>) semaphore(%run_scoped3A_163 : memref<!tpu.dma_semaphore, #tpu.memory_space<semaphore_mem>>) {add = true}
        %dma_wait3A_170 = arith.constant 0 : i32
        %dma_wait3A_171 = tpu.memref_slice %arg6[%run_scoped3A, %dma_wait3A_170] : memref<2x128xi32, #tpu.memory_space<vmem>> -> memref<1x128xi32, #tpu.memory_space<vmem>>
        %dma_wait3A_172 = tpu.memref_squeeze %dma_wait3A_171 : memref<1x128xi32, #tpu.memory_space<vmem>> -> memref<128xi32, #tpu.memory_space<vmem>>
        %dma_wait3A_173 = arith.constant 0 : i32
        %dma_wait3A_174 = arith.constant 0 : i32
        %dma_wait3A_175 = tpu.memref_slice %arg5[%dma_wait3A_173, %dma_wait3A_174] : memref<10240x128xf32, #tpu.memory_space<vmem_shared>> -> memref<10240x128xf32, #tpu.memory_space<vmem_shared>>
        tpu.wait_indirect_dma semaphore(%run_scoped3A_163 : memref<!tpu.dma_semaphore, #tpu.memory_space<semaphore_mem>>) src(%arg10 : memref<128x128xf32, #tpu.memory_space<vmem>>) dst(%dma_wait3A_175 : memref<10240x128xf32, #tpu.memory_space<vmem_shared>>)
        tpu.yield
      }) : () -> ()
      %add3A_91 = arith.constant 1 : i32
      %add3A_92 = arith.addi %add3A_70, %add3A_91 : i32
      %add3A_93 = arith.constant 1 : i32
      %add3A_94 = arith.addi %add3A_92, %add3A_93 : i32
      %lt3A_95 = arith.constant 80 : i32
      %lt3A_96 = arith.cmpi slt, %add3A_94, %lt3A_95 : i32
      %convert_element_type3A_97 = arith.extui %lt3A_96 : i1 to i32
      %cond3A_98 = arith.constant 0 : i32
      %cond3A_99 = arith.cmpi ne, %convert_element_type3A_97, %cond3A_98 : i32
      scf.if %cond3A_99 {
        %dma_wait3A_163 = arith.constant 0 : i32
        %dma_wait3A_164 = arith.constant 0 : i32
        %dma_wait3A_165 = arith.constant 0 : i32
        %dma_wait3A_166 = tpu.memref_slice %arg3[%dma_wait3A_163, %dma_wait3A_164, %dma_wait3A_165] : memref<2560x2x128xi32, #tpu.memory_space<hbm>> -> memref<1x2x128xi32, #tpu.memory_space<hbm>>
        %dma_wait3A_167 = tpu.memref_squeeze %dma_wait3A_166 : memref<1x2x128xi32, #tpu.memory_space<hbm>> -> memref<2x128xi32, #tpu.memory_space<hbm>>
        %dma_wait3A_168 = arith.constant 0 : i32
        %dma_wait3A_169 = arith.constant 0 : i32
        %dma_wait3A_170 = tpu.memref_slice %arg3[%dma_wait3A_163, %dma_wait3A_168, %dma_wait3A_169] : memref<2560x2x128xi32, #tpu.memory_space<hbm>> -> memref<1x2x128xi32, #tpu.memory_space<hbm>>
        %dma_wait3A_171 = tpu.memref_squeeze %dma_wait3A_170 : memref<1x2x128xi32, #tpu.memory_space<hbm>> -> memref<2x128xi32, #tpu.memory_space<hbm>>
        tpu.wait_dma2 semaphore(%arg16 : memref<!tpu.dma_semaphore, #tpu.memory_space<semaphore_mem>>) src(%dma_wait3A_171 : memref<2x128xi32, #tpu.memory_space<hbm>>) dst(%arg8 : memref<2x128xi32, #tpu.memory_space<vmem>>)
        %dma_start3A_172 = arith.constant 0 : i32
        %dma_start3A_173 = arith.constant 0 : i32
        %dma_start3A_174 = tpu.memref_slice %arg8[%dma_start3A_172, %dma_start3A_173] : memref<2x128xi32, #tpu.memory_space<vmem>> -> memref<1x128xi32, #tpu.memory_space<vmem>>
        %dma_start3A_175 = tpu.memref_squeeze %dma_start3A_174 : memref<1x128xi32, #tpu.memory_space<vmem>> -> memref<128xi32, #tpu.memory_space<vmem>>
        %dma_start3A_176 = arith.constant 0 : i32
        %dma_start3A_177 = arith.constant 0 : i32
        %dma_start3A_178 = tpu.memref_slice %arg2[%dma_start3A_176, %dma_start3A_177] : memref<10000x128xf32, #tpu.memory_space<hbm>> -> memref<10000x128xf32, #tpu.memory_space<hbm>>
        tpu.enqueue_indirect_dma source(%dma_start3A_178 : memref<10000x128xf32, #tpu.memory_space<hbm>>) target(%arg10 : memref<128x128xf32, #tpu.memory_space<vmem>>) offsets(%dma_start3A_175 : memref<128xi32, #tpu.memory_space<vmem>>) semaphore(%arg12 : memref<!tpu.dma_semaphore, #tpu.memory_space<semaphore_mem>>)
      } else {
      }
      %add3A_100 = arith.constant 3 : i32
      %add3A_101 = arith.addi %add3A_92, %add3A_100 : i32
      %lt3A_102 = arith.constant 80 : i32
      %lt3A_103 = arith.cmpi slt, %add3A_101, %lt3A_102 : i32
      %convert_element_type3A_104 = arith.extui %lt3A_103 : i1 to i32
      %cond3A_105 = arith.constant 0 : i32
      %cond3A_106 = arith.cmpi ne, %convert_element_type3A_104, %cond3A_105 : i32
      scf.if %cond3A_106 {
        %add3A_163 = arith.addi %mul3A_11, %add3A_92 : i32
        %add3A_164 = arith.constant 3 : i32
        %add3A_165 = arith.addi %add3A_163, %add3A_164 : i32
        %dma_start3A_166 = arith.constant 0 : i32
        %dma_start3A_167 = arith.constant 0 : i32
        %dma_start3A_168 = tpu.memref_slice %arg3[%add3A_165, %dma_start3A_166, %dma_start3A_167] : memref<2560x2x128xi32, #tpu.memory_space<hbm>> -> memref<1x2x128xi32, #tpu.memory_space<hbm>>
        %dma_start3A_169 = tpu.memref_squeeze %dma_start3A_168 : memref<1x2x128xi32, #tpu.memory_space<hbm>> -> memref<2x128xi32, #tpu.memory_space<hbm>>
        %dma_start3A_170 = arith.constant 0 : i32
        %dma_start3A_171 = arith.constant 0 : i32
        %dma_start3A_172 = tpu.memref_slice %arg3[%add3A_165, %dma_start3A_170, %dma_start3A_171] : memref<2560x2x128xi32, #tpu.memory_space<hbm>> -> memref<1x2x128xi32, #tpu.memory_space<hbm>>
        %dma_start3A_173 = tpu.memref_squeeze %dma_start3A_172 : memref<1x2x128xi32, #tpu.memory_space<hbm>> -> memref<2x128xi32, #tpu.memory_space<hbm>>
        tpu.enqueue_dma source(%dma_start3A_173 : memref<2x128xi32, #tpu.memory_space<hbm>>) target(%arg6 : memref<2x128xi32, #tpu.memory_space<vmem>>) target_semaphore(%arg14 : memref<!tpu.dma_semaphore, #tpu.memory_space<semaphore_mem>>)
      } else {
      }
      %dma_wait3A_107 = arith.constant 0 : i32
      %dma_wait3A_108 = arith.constant 0 : i32
      %dma_wait3A_109 = tpu.memref_slice %arg7[%dma_wait3A_107, %dma_wait3A_108] : memref<2x128xi32, #tpu.memory_space<vmem>> -> memref<1x128xi32, #tpu.memory_space<vmem>>
      %dma_wait3A_110 = tpu.memref_squeeze %dma_wait3A_109 : memref<1x128xi32, #tpu.memory_space<vmem>> -> memref<128xi32, #tpu.memory_space<vmem>>
      %dma_wait3A_111 = arith.constant 0 : i32
      %dma_wait3A_112 = arith.constant 0 : i32
      %dma_wait3A_113 = tpu.memref_slice %arg2[%dma_wait3A_111, %dma_wait3A_112] : memref<10000x128xf32, #tpu.memory_space<hbm>> -> memref<10000x128xf32, #tpu.memory_space<hbm>>
      tpu.wait_indirect_dma semaphore(%arg13 : memref<!tpu.dma_semaphore, #tpu.memory_space<semaphore_mem>>) src(%dma_wait3A_113 : memref<10000x128xf32, #tpu.memory_space<hbm>>) dst(%arg11 : memref<128x128xf32, #tpu.memory_space<vmem>>)
      %run_scoped3A_114 = arith.constant 1 : i32
      "tpu.region"() ({
        %run_scoped3A_163 = tpu.sem_alloc : memref<!tpu.dma_semaphore, #tpu.memory_space<semaphore_mem>>
        %dma_start3A_164 = arith.constant 0 : i32
        %dma_start3A_165 = tpu.memref_slice %arg7[%run_scoped3A_114, %dma_start3A_164] : memref<2x128xi32, #tpu.memory_space<vmem>> -> memref<1x128xi32, #tpu.memory_space<vmem>>
        %dma_start3A_166 = tpu.memref_squeeze %dma_start3A_165 : memref<1x128xi32, #tpu.memory_space<vmem>> -> memref<128xi32, #tpu.memory_space<vmem>>
        %dma_start3A_167 = arith.constant 0 : i32
        %dma_start3A_168 = arith.constant 0 : i32
        %dma_start3A_169 = tpu.memref_slice %arg5[%dma_start3A_167, %dma_start3A_168] : memref<10240x128xf32, #tpu.memory_space<vmem_shared>> -> memref<10240x128xf32, #tpu.memory_space<vmem_shared>>
        tpu.enqueue_indirect_dma source(%arg11 : memref<128x128xf32, #tpu.memory_space<vmem>>) target(%dma_start3A_169 : memref<10240x128xf32, #tpu.memory_space<vmem_shared>>) offsets(%dma_start3A_166 : memref<128xi32, #tpu.memory_space<vmem>>) semaphore(%run_scoped3A_163 : memref<!tpu.dma_semaphore, #tpu.memory_space<semaphore_mem>>) {add = true}
        %dma_wait3A_170 = arith.constant 0 : i32
        %dma_wait3A_171 = tpu.memref_slice %arg7[%run_scoped3A_114, %dma_wait3A_170] : memref<2x128xi32, #tpu.memory_space<vmem>> -> memref<1x128xi32, #tpu.memory_space<vmem>>
        %dma_wait3A_172 = tpu.memref_squeeze %dma_wait3A_171 : memref<1x128xi32, #tpu.memory_space<vmem>> -> memref<128xi32, #tpu.memory_space<vmem>>
        %dma_wait3A_173 = arith.constant 0 : i32
        %dma_wait3A_174 = arith.constant 0 : i32
        %dma_wait3A_175 = tpu.memref_slice %arg5[%dma_wait3A_173, %dma_wait3A_174] : memref<10240x128xf32, #tpu.memory_space<vmem_shared>> -> memref<10240x128xf32, #tpu.memory_space<vmem_shared>>
        tpu.wait_indirect_dma semaphore(%run_scoped3A_163 : memref<!tpu.dma_semaphore, #tpu.memory_space<semaphore_mem>>) src(%arg11 : memref<128x128xf32, #tpu.memory_space<vmem>>) dst(%dma_wait3A_175 : memref<10240x128xf32, #tpu.memory_space<vmem_shared>>)
        tpu.yield
      }) : () -> ()
      %add3A_115 = arith.constant 2 : i32
      %add3A_116 = arith.addi %add3A_70, %add3A_115 : i32
      %add3A_117 = arith.constant 1 : i32
      %add3A_118 = arith.addi %add3A_116, %add3A_117 : i32
      %lt3A_119 = arith.constant 80 : i32
      %lt3A_120 = arith.cmpi slt, %add3A_118, %lt3A_119 : i32
      %convert_element_type3A_121 = arith.extui %lt3A_120 : i1 to i32
      %cond3A_122 = arith.constant 0 : i32
      %cond3A_123 = arith.cmpi ne, %convert_element_type3A_121, %cond3A_122 : i32
      scf.if %cond3A_123 {
        %dma_wait3A_163 = arith.constant 0 : i32
        %dma_wait3A_164 = arith.constant 0 : i32
        %dma_wait3A_165 = arith.constant 0 : i32
        %dma_wait3A_166 = tpu.memref_slice %arg3[%dma_wait3A_163, %dma_wait3A_164, %dma_wait3A_165] : memref<2560x2x128xi32, #tpu.memory_space<hbm>> -> memref<1x2x128xi32, #tpu.memory_space<hbm>>
        %dma_wait3A_167 = tpu.memref_squeeze %dma_wait3A_166 : memref<1x2x128xi32, #tpu.memory_space<hbm>> -> memref<2x128xi32, #tpu.memory_space<hbm>>
        %dma_wait3A_168 = arith.constant 0 : i32
        %dma_wait3A_169 = arith.constant 0 : i32
        %dma_wait3A_170 = tpu.memref_slice %arg3[%dma_wait3A_163, %dma_wait3A_168, %dma_wait3A_169] : memref<2560x2x128xi32, #tpu.memory_space<hbm>> -> memref<1x2x128xi32, #tpu.memory_space<hbm>>
        %dma_wait3A_171 = tpu.memref_squeeze %dma_wait3A_170 : memref<1x2x128xi32, #tpu.memory_space<hbm>> -> memref<2x128xi32, #tpu.memory_space<hbm>>
        tpu.wait_dma2 semaphore(%arg17 : memref<!tpu.dma_semaphore, #tpu.memory_space<semaphore_mem>>) src(%dma_wait3A_171 : memref<2x128xi32, #tpu.memory_space<hbm>>) dst(%arg9 : memref<2x128xi32, #tpu.memory_space<vmem>>)
        %dma_start3A_172 = arith.constant 0 : i32
        %dma_start3A_173 = arith.constant 0 : i32
        %dma_start3A_174 = tpu.memref_slice %arg9[%dma_start3A_172, %dma_start3A_173] : memref<2x128xi32, #tpu.memory_space<vmem>> -> memref<1x128xi32, #tpu.memory_space<vmem>>
        %dma_start3A_175 = tpu.memref_squeeze %dma_start3A_174 : memref<1x128xi32, #tpu.memory_space<vmem>> -> memref<128xi32, #tpu.memory_space<vmem>>
        %dma_start3A_176 = arith.constant 0 : i32
        %dma_start3A_177 = arith.constant 0 : i32
        %dma_start3A_178 = tpu.memref_slice %arg2[%dma_start3A_176, %dma_start3A_177] : memref<10000x128xf32, #tpu.memory_space<hbm>> -> memref<10000x128xf32, #tpu.memory_space<hbm>>
        tpu.enqueue_indirect_dma source(%dma_start3A_178 : memref<10000x128xf32, #tpu.memory_space<hbm>>) target(%arg11 : memref<128x128xf32, #tpu.memory_space<vmem>>) offsets(%dma_start3A_175 : memref<128xi32, #tpu.memory_space<vmem>>) semaphore(%arg13 : memref<!tpu.dma_semaphore, #tpu.memory_space<semaphore_mem>>)
      } else {
      }
      %add3A_124 = arith.constant 3 : i32
      %add3A_125 = arith.addi %add3A_116, %add3A_124 : i32
      %lt3A_126 = arith.constant 80 : i32
      %lt3A_127 = arith.cmpi slt, %add3A_125, %lt3A_126 : i32
      %convert_element_type3A_128 = arith.extui %lt3A_127 : i1 to i32
      %cond3A_129 = arith.constant 0 : i32
      %cond3A_130 = arith.cmpi ne, %convert_element_type3A_128, %cond3A_129 : i32
      scf.if %cond3A_130 {
        %add3A_163 = arith.addi %mul3A_11, %add3A_116 : i32
        %add3A_164 = arith.constant 3 : i32
        %add3A_165 = arith.addi %add3A_163, %add3A_164 : i32
        %dma_start3A_166 = arith.constant 0 : i32
        %dma_start3A_167 = arith.constant 0 : i32
        %dma_start3A_168 = tpu.memref_slice %arg3[%add3A_165, %dma_start3A_166, %dma_start3A_167] : memref<2560x2x128xi32, #tpu.memory_space<hbm>> -> memref<1x2x128xi32, #tpu.memory_space<hbm>>
        %dma_start3A_169 = tpu.memref_squeeze %dma_start3A_168 : memref<1x2x128xi32, #tpu.memory_space<hbm>> -> memref<2x128xi32, #tpu.memory_space<hbm>>
        %dma_start3A_170 = arith.constant 0 : i32
        %dma_start3A_171 = arith.constant 0 : i32
        %dma_start3A_172 = tpu.memref_slice %arg3[%add3A_165, %dma_start3A_170, %dma_start3A_171] : memref<2560x2x128xi32, #tpu.memory_space<hbm>> -> memref<1x2x128xi32, #tpu.memory_space<hbm>>
        %dma_start3A_173 = tpu.memref_squeeze %dma_start3A_172 : memref<1x2x128xi32, #tpu.memory_space<hbm>> -> memref<2x128xi32, #tpu.memory_space<hbm>>
        tpu.enqueue_dma source(%dma_start3A_173 : memref<2x128xi32, #tpu.memory_space<hbm>>) target(%arg7 : memref<2x128xi32, #tpu.memory_space<vmem>>) target_semaphore(%arg15 : memref<!tpu.dma_semaphore, #tpu.memory_space<semaphore_mem>>)
      } else {
      }
      %dma_wait3A_131 = arith.constant 0 : i32
      %dma_wait3A_132 = arith.constant 0 : i32
      %dma_wait3A_133 = tpu.memref_slice %arg8[%dma_wait3A_131, %dma_wait3A_132] : memref<2x128xi32, #tpu.memory_space<vmem>> -> memref<1x128xi32, #tpu.memory_space<vmem>>
      %dma_wait3A_134 = tpu.memref_squeeze %dma_wait3A_133 : memref<1x128xi32, #tpu.memory_space<vmem>> -> memref<128xi32, #tpu.memory_space<vmem>>
      %dma_wait3A_135 = arith.constant 0 : i32
      %dma_wait3A_136 = arith.constant 0 : i32
      %dma_wait3A_137 = tpu.memref_slice %arg2[%dma_wait3A_135, %dma_wait3A_136] : memref<10000x128xf32, #tpu.memory_space<hbm>> -> memref<10000x128xf32, #tpu.memory_space<hbm>>
      tpu.wait_indirect_dma semaphore(%arg12 : memref<!tpu.dma_semaphore, #tpu.memory_space<semaphore_mem>>) src(%dma_wait3A_137 : memref<10000x128xf32, #tpu.memory_space<hbm>>) dst(%arg10 : memref<128x128xf32, #tpu.memory_space<vmem>>)
      %run_scoped3A_138 = arith.constant 1 : i32
      "tpu.region"() ({
        %run_scoped3A_163 = tpu.sem_alloc : memref<!tpu.dma_semaphore, #tpu.memory_space<semaphore_mem>>
        %dma_start3A_164 = arith.constant 0 : i32
        %dma_start3A_165 = tpu.memref_slice %arg8[%run_scoped3A_138, %dma_start3A_164] : memref<2x128xi32, #tpu.memory_space<vmem>> -> memref<1x128xi32, #tpu.memory_space<vmem>>
        %dma_start3A_166 = tpu.memref_squeeze %dma_start3A_165 : memref<1x128xi32, #tpu.memory_space<vmem>> -> memref<128xi32, #tpu.memory_space<vmem>>
        %dma_start3A_167 = arith.constant 0 : i32
        %dma_start3A_168 = arith.constant 0 : i32
        %dma_start3A_169 = tpu.memref_slice %arg5[%dma_start3A_167, %dma_start3A_168] : memref<10240x128xf32, #tpu.memory_space<vmem_shared>> -> memref<10240x128xf32, #tpu.memory_space<vmem_shared>>
        tpu.enqueue_indirect_dma source(%arg10 : memref<128x128xf32, #tpu.memory_space<vmem>>) target(%dma_start3A_169 : memref<10240x128xf32, #tpu.memory_space<vmem_shared>>) offsets(%dma_start3A_166 : memref<128xi32, #tpu.memory_space<vmem>>) semaphore(%run_scoped3A_163 : memref<!tpu.dma_semaphore, #tpu.memory_space<semaphore_mem>>) {add = true}
        %dma_wait3A_170 = arith.constant 0 : i32
        %dma_wait3A_171 = tpu.memref_slice %arg8[%run_scoped3A_138, %dma_wait3A_170] : memref<2x128xi32, #tpu.memory_space<vmem>> -> memref<1x128xi32, #tpu.memory_space<vmem>>
        %dma_wait3A_172 = tpu.memref_squeeze %dma_wait3A_171 : memref<1x128xi32, #tpu.memory_space<vmem>> -> memref<128xi32, #tpu.memory_space<vmem>>
        %dma_wait3A_173 = arith.constant 0 : i32
        %dma_wait3A_174 = arith.constant 0 : i32
        %dma_wait3A_175 = tpu.memref_slice %arg5[%dma_wait3A_173, %dma_wait3A_174] : memref<10240x128xf32, #tpu.memory_space<vmem_shared>> -> memref<10240x128xf32, #tpu.memory_space<vmem_shared>>
        tpu.wait_indirect_dma semaphore(%run_scoped3A_163 : memref<!tpu.dma_semaphore, #tpu.memory_space<semaphore_mem>>) src(%arg10 : memref<128x128xf32, #tpu.memory_space<vmem>>) dst(%dma_wait3A_175 : memref<10240x128xf32, #tpu.memory_space<vmem_shared>>)
        tpu.yield
      }) : () -> ()
      %add3A_139 = arith.constant 3 : i32
      %add3A_140 = arith.addi %add3A_70, %add3A_139 : i32
      %add3A_141 = arith.constant 1 : i32
      %add3A_142 = arith.addi %add3A_140, %add3A_141 : i32
      %lt3A_143 = arith.constant 80 : i32
      %lt3A_144 = arith.cmpi slt, %add3A_142, %lt3A_143 : i32
      %convert_element_type3A_145 = arith.extui %lt3A_144 : i1 to i32
      %cond3A_146 = arith.constant 0 : i32
      %cond3A_147 = arith.cmpi ne, %convert_element_type3A_145, %cond3A_146 : i32
      scf.if %cond3A_147 {
        %dma_wait3A_163 = arith.constant 0 : i32
        %dma_wait3A_164 = arith.constant 0 : i32
        %dma_wait3A_165 = arith.constant 0 : i32
        %dma_wait3A_166 = tpu.memref_slice %arg3[%dma_wait3A_163, %dma_wait3A_164, %dma_wait3A_165] : memref<2560x2x128xi32, #tpu.memory_space<hbm>> -> memref<1x2x128xi32, #tpu.memory_space<hbm>>
        %dma_wait3A_167 = tpu.memref_squeeze %dma_wait3A_166 : memref<1x2x128xi32, #tpu.memory_space<hbm>> -> memref<2x128xi32, #tpu.memory_space<hbm>>
        %dma_wait3A_168 = arith.constant 0 : i32
        %dma_wait3A_169 = arith.constant 0 : i32
        %dma_wait3A_170 = tpu.memref_slice %arg3[%dma_wait3A_163, %dma_wait3A_168, %dma_wait3A_169] : memref<2560x2x128xi32, #tpu.memory_space<hbm>> -> memref<1x2x128xi32, #tpu.memory_space<hbm>>
        %dma_wait3A_171 = tpu.memref_squeeze %dma_wait3A_170 : memref<1x2x128xi32, #tpu.memory_space<hbm>> -> memref<2x128xi32, #tpu.memory_space<hbm>>
        tpu.wait_dma2 semaphore(%arg14 : memref<!tpu.dma_semaphore, #tpu.memory_space<semaphore_mem>>) src(%dma_wait3A_171 : memref<2x128xi32, #tpu.memory_space<hbm>>) dst(%arg6 : memref<2x128xi32, #tpu.memory_space<vmem>>)
        %dma_start3A_172 = arith.constant 0 : i32
        %dma_start3A_173 = arith.constant 0 : i32
        %dma_start3A_174 = tpu.memref_slice %arg6[%dma_start3A_172, %dma_start3A_173] : memref<2x128xi32, #tpu.memory_space<vmem>> -> memref<1x128xi32, #tpu.memory_space<vmem>>
        %dma_start3A_175 = tpu.memref_squeeze %dma_start3A_174 : memref<1x128xi32, #tpu.memory_space<vmem>> -> memref<128xi32, #tpu.memory_space<vmem>>
        %dma_start3A_176 = arith.constant 0 : i32
        %dma_start3A_177 = arith.constant 0 : i32
        %dma_start3A_178 = tpu.memref_slice %arg2[%dma_start3A_176, %dma_start3A_177] : memref<10000x128xf32, #tpu.memory_space<hbm>> -> memref<10000x128xf32, #tpu.memory_space<hbm>>
        tpu.enqueue_indirect_dma source(%dma_start3A_178 : memref<10000x128xf32, #tpu.memory_space<hbm>>) target(%arg10 : memref<128x128xf32, #tpu.memory_space<vmem>>) offsets(%dma_start3A_175 : memref<128xi32, #tpu.memory_space<vmem>>) semaphore(%arg12 : memref<!tpu.dma_semaphore, #tpu.memory_space<semaphore_mem>>)
      } else {
      }
      %add3A_148 = arith.constant 3 : i32
      %add3A_149 = arith.addi %add3A_140, %add3A_148 : i32
      %lt3A_150 = arith.constant 80 : i32
      %lt3A_151 = arith.cmpi slt, %add3A_149, %lt3A_150 : i32
      %convert_element_type3A_152 = arith.extui %lt3A_151 : i1 to i32
      %cond3A_153 = arith.constant 0 : i32
      %cond3A_154 = arith.cmpi ne, %convert_element_type3A_152, %cond3A_153 : i32
      scf.if %cond3A_154 {
        %add3A_163 = arith.addi %mul3A_11, %add3A_140 : i32
        %add3A_164 = arith.constant 3 : i32
        %add3A_165 = arith.addi %add3A_163, %add3A_164 : i32
        %dma_start3A_166 = arith.constant 0 : i32
        %dma_start3A_167 = arith.constant 0 : i32
        %dma_start3A_168 = tpu.memref_slice %arg3[%add3A_165, %dma_start3A_166, %dma_start3A_167] : memref<2560x2x128xi32, #tpu.memory_space<hbm>> -> memref<1x2x128xi32, #tpu.memory_space<hbm>>
        %dma_start3A_169 = tpu.memref_squeeze %dma_start3A_168 : memref<1x2x128xi32, #tpu.memory_space<hbm>> -> memref<2x128xi32, #tpu.memory_space<hbm>>
        %dma_start3A_170 = arith.constant 0 : i32
        %dma_start3A_171 = arith.constant 0 : i32
        %dma_start3A_172 = tpu.memref_slice %arg3[%add3A_165, %dma_start3A_170, %dma_start3A_171] : memref<2560x2x128xi32, #tpu.memory_space<hbm>> -> memref<1x2x128xi32, #tpu.memory_space<hbm>>
        %dma_start3A_173 = tpu.memref_squeeze %dma_start3A_172 : memref<1x2x128xi32, #tpu.memory_space<hbm>> -> memref<2x128xi32, #tpu.memory_space<hbm>>
        tpu.enqueue_dma source(%dma_start3A_173 : memref<2x128xi32, #tpu.memory_space<hbm>>) target(%arg8 : memref<2x128xi32, #tpu.memory_space<vmem>>) target_semaphore(%arg16 : memref<!tpu.dma_semaphore, #tpu.memory_space<semaphore_mem>>)
      } else {
      }
      %dma_wait3A_155 = arith.constant 0 : i32
      %dma_wait3A_156 = arith.constant 0 : i32
      %dma_wait3A_157 = tpu.memref_slice %arg9[%dma_wait3A_155, %dma_wait3A_156] : memref<2x128xi32, #tpu.memory_space<vmem>> -> memref<1x128xi32, #tpu.memory_space<vmem>>
      %dma_wait3A_158 = tpu.memref_squeeze %dma_wait3A_157 : memref<1x128xi32, #tpu.memory_space<vmem>> -> memref<128xi32, #tpu.memory_space<vmem>>
      %dma_wait3A_159 = arith.constant 0 : i32
      %dma_wait3A_160 = arith.constant 0 : i32
      %dma_wait3A_161 = tpu.memref_slice %arg2[%dma_wait3A_159, %dma_wait3A_160] : memref<10000x128xf32, #tpu.memory_space<hbm>> -> memref<10000x128xf32, #tpu.memory_space<hbm>>
      tpu.wait_indirect_dma semaphore(%arg13 : memref<!tpu.dma_semaphore, #tpu.memory_space<semaphore_mem>>) src(%dma_wait3A_161 : memref<10000x128xf32, #tpu.memory_space<hbm>>) dst(%arg11 : memref<128x128xf32, #tpu.memory_space<vmem>>)
      %run_scoped3A_162 = arith.constant 1 : i32
      "tpu.region"() ({
        %run_scoped3A_163 = tpu.sem_alloc : memref<!tpu.dma_semaphore, #tpu.memory_space<semaphore_mem>>
        %dma_start3A_164 = arith.constant 0 : i32
        %dma_start3A_165 = tpu.memref_slice %arg9[%run_scoped3A_162, %dma_start3A_164] : memref<2x128xi32, #tpu.memory_space<vmem>> -> memref<1x128xi32, #tpu.memory_space<vmem>>
        %dma_start3A_166 = tpu.memref_squeeze %dma_start3A_165 : memref<1x128xi32, #tpu.memory_space<vmem>> -> memref<128xi32, #tpu.memory_space<vmem>>
        %dma_start3A_167 = arith.constant 0 : i32
        %dma_start3A_168 = arith.constant 0 : i32
        %dma_start3A_169 = tpu.memref_slice %arg5[%dma_start3A_167, %dma_start3A_168] : memref<10240x128xf32, #tpu.memory_space<vmem_shared>> -> memref<10240x128xf32, #tpu.memory_space<vmem_shared>>
        tpu.enqueue_indirect_dma source(%arg11 : memref<128x128xf32, #tpu.memory_space<vmem>>) target(%dma_start3A_169 : memref<10240x128xf32, #tpu.memory_space<vmem_shared>>) offsets(%dma_start3A_166 : memref<128xi32, #tpu.memory_space<vmem>>) semaphore(%run_scoped3A_163 : memref<!tpu.dma_semaphore, #tpu.memory_space<semaphore_mem>>) {add = true}
        %dma_wait3A_170 = arith.constant 0 : i32
        %dma_wait3A_171 = tpu.memref_slice %arg9[%run_scoped3A_162, %dma_wait3A_170] : memref<2x128xi32, #tpu.memory_space<vmem>> -> memref<1x128xi32, #tpu.memory_space<vmem>>
        %dma_wait3A_172 = tpu.memref_squeeze %dma_wait3A_171 : memref<1x128xi32, #tpu.memory_space<vmem>> -> memref<128xi32, #tpu.memory_space<vmem>>
        %dma_wait3A_173 = arith.constant 0 : i32
        %dma_wait3A_174 = arith.constant 0 : i32
        %dma_wait3A_175 = tpu.memref_slice %arg5[%dma_wait3A_173, %dma_wait3A_174] : memref<10240x128xf32, #tpu.memory_space<vmem_shared>> -> memref<10240x128xf32, #tpu.memory_space<vmem_shared>>
        tpu.wait_indirect_dma semaphore(%run_scoped3A_163 : memref<!tpu.dma_semaphore, #tpu.memory_space<semaphore_mem>>) src(%arg11 : memref<128x128xf32, #tpu.memory_space<vmem>>) dst(%dma_wait3A_175 : memref<10240x128xf32, #tpu.memory_space<vmem_shared>>)
        tpu.yield
      }) : () -> ()
    }
    %scan3A_60 = arith.constant 20 : i32
    %barrier3A_61 = arith.constant 0 : index
    tpu.barrier barrier_id(%barrier3A_61)
    %mul3A_62 = arith.constant 640 : i32
    %mul3A_63 = arith.muli %arg1, %mul3A_62 : i32
    %mul3A_64 = arith.constant 640 : i32
    %mul3A_65 = arith.muli %arg1, %mul3A_64 : i32
    "tpu.region"() ({
      %run_scoped3A = tpu.sem_alloc : memref<!tpu.dma_semaphore, #tpu.memory_space<semaphore_mem>>
      %dma_start3A_66 = arith.constant 0 : i32
      %dma_start3A_67 = arith.constant 0 : i32
      %dma_start3A_68 = tpu.memref_slice %arg4[%arg0, %dma_start3A_66, %dma_start3A_67] : memref<2x10240x128xf32, #tpu.memory_space<hbm>> -> memref<1x10240x128xf32, #tpu.memory_space<hbm>>
      %dma_start3A_69 = tpu.memref_squeeze %dma_start3A_68 : memref<1x10240x128xf32, #tpu.memory_space<hbm>> -> memref<10240x128xf32, #tpu.memory_space<hbm>>
      %dma_start3A_70 = arith.constant 0 : i32
      %dma_start3A_71 = tpu.memref_slice %dma_start3A_69[%mul3A_65, %dma_start3A_70] : memref<10240x128xf32, #tpu.memory_space<hbm>> -> memref<640x128xf32, #tpu.memory_space<hbm>>
      %dma_start3A_72 = arith.constant 0 : i32
      %dma_start3A_73 = tpu.memref_slice %arg5[%mul3A_63, %dma_start3A_72] : memref<10240x128xf32, #tpu.memory_space<vmem_shared>> -> memref<640x128xf32, #tpu.memory_space<vmem_shared>>
      tpu.enqueue_dma source(%dma_start3A_73 : memref<640x128xf32, #tpu.memory_space<vmem_shared>>) target(%dma_start3A_71 : memref<640x128xf32, #tpu.memory_space<hbm>>) target_semaphore(%run_scoped3A : memref<!tpu.dma_semaphore, #tpu.memory_space<semaphore_mem>>)
      %dma_wait3A_74 = arith.constant 0 : i32
      %dma_wait3A_75 = arith.constant 0 : i32
      %dma_wait3A_76 = tpu.memref_slice %arg4[%arg0, %dma_wait3A_74, %dma_wait3A_75] : memref<2x10240x128xf32, #tpu.memory_space<hbm>> -> memref<1x10240x128xf32, #tpu.memory_space<hbm>>
      %dma_wait3A_77 = tpu.memref_squeeze %dma_wait3A_76 : memref<1x10240x128xf32, #tpu.memory_space<hbm>> -> memref<10240x128xf32, #tpu.memory_space<hbm>>
      %dma_wait3A_78 = arith.constant 0 : i32
      %dma_wait3A_79 = tpu.memref_slice %dma_wait3A_77[%mul3A_65, %dma_wait3A_78] : memref<10240x128xf32, #tpu.memory_space<hbm>> -> memref<640x128xf32, #tpu.memory_space<hbm>>
      %dma_wait3A_80 = arith.constant 0 : i32
      %dma_wait3A_81 = tpu.memref_slice %arg5[%mul3A_63, %dma_wait3A_80] : memref<10240x128xf32, #tpu.memory_space<vmem_shared>> -> memref<640x128xf32, #tpu.memory_space<vmem_shared>>
      tpu.wait_dma2 semaphore(%run_scoped3A : memref<!tpu.dma_semaphore, #tpu.memory_space<semaphore_mem>>) src(%dma_wait3A_81 : memref<640x128xf32, #tpu.memory_space<vmem_shared>>) dst(%dma_wait3A_79 : memref<640x128xf32, #tpu.memory_space<hbm>>)
      tpu.yield
    }) : () -> ()
    return
  }
}

module attributes {stable_mosaic.version = 14 : i64} {
  func.func @_m1_body(%arg0: i32, %arg1: memref<2000x128xf32, #tpu.memory_space<vmem>>, %arg2: memref<128x128xf32, #tpu.memory_space<vmem>>, %arg3: memref<2000x2xf32, #tpu.memory_space<vmem>>, %arg4: memref<2000x128xf32, #tpu.memory_space<vmem>>) attributes {dimension_semantics = [#tpu.dimension_semantics<arbitrary>], iteration_bounds = array<i64: 5>, scalar_prefetch = 0 : i64, scratch_operands = 0 : i64, tpu.core_type = #tpu.core_type<tc>, window_params = [{transform_indices = @transform_0, window_bounds = array<i64: 2000, 128>}, {pipeline_mode = #tpu.pipeline_mode<synchronous>, transform_indices = @transform_1, window_bounds = array<i64: 128, 128>}, {transform_indices = @transform_2, window_bounds = array<i64: 2000, 2>}, {transform_indices = @transform_3, window_bounds = array<i64: 2000, 128>}]} {
    %get3A = arith.constant 0 : index
    %get3A_0 = arith.constant 0 : index
    %get3A_1 = vector.load %arg3[%get3A, %get3A_0] : memref<2000x2xf32, #tpu.memory_space<vmem>>, vector<2000x2xf32>
    %slice3A = vector.extract_strided_slice %get3A_1 {offsets = [0, 0], sizes = [2000, 1], strides = [1, 1]} : vector<2000x2xf32> to vector<2000x1xf32>
    %slice3A_2 = vector.extract_strided_slice %get3A_1 {offsets = [0, 1], sizes = [2000, 1], strides = [1, 1]} : vector<2000x2xf32> to vector<2000x1xf32>
    %add3A = arith.addf %slice3A, %slice3A_2 : vector<2000x1xf32>
    %add3A_3 = arith.constant 1.000000e+00 : f32
    %add3A_4 = vector.broadcast %add3A_3 : f32 to vector<2000x1xf32>
    %add3A_5 = arith.addf %add3A, %add3A_4 : vector<2000x1xf32>
    %rsqrt3A = math.rsqrt %add3A_5 : vector<2000x1xf32>
    %get3A_6 = arith.constant 0 : index
    %get3A_7 = arith.constant 0 : index
    %get3A_8 = vector.load %arg1[%get3A_6, %get3A_7] : memref<2000x128xf32, #tpu.memory_space<vmem>>, vector<2000x128xf32>
    %get3A_9 = arith.constant 0 : index
    %get3A_10 = arith.constant 0 : index
    %get3A_11 = vector.load %arg2[%get3A_9, %get3A_10] : memref<128x128xf32, #tpu.memory_space<vmem>>, vector<128x128xf32>
    %dot_general3A = arith.constant dense<0.000000e+00> : vector<2000x128xf32>
    %dot_general3A_12 = tpu.matmul %get3A_8, %get3A_11, %dot_general3A {dimension_numbers = #tpu.dot_dimension_numbers<[1], [1], [0], [0], [0, 0, 1, 0], [], []>, precision = #tpu.contract_precision<fp32>, transpose_lhs_hint = false} : vector<2000x128xf32>, vector<128x128xf32>, vector<2000x128xf32> -> vector<2000x128xf32>
    %mul3A = vector.broadcast %rsqrt3A : vector<2000x1xf32> to vector<2000x128xf32>
    %mul3A_13 = arith.mulf %dot_general3A_12, %mul3A : vector<2000x128xf32>
    %swap3A = arith.constant 0 : index
    %swap3A_14 = arith.constant 0 : index
    %swap3A_15 = vector.load %arg4[%swap3A, %swap3A_14] : memref<2000x128xf32, #tpu.memory_space<vmem>>, vector<2000x128xf32>
    tpu.vector_store %arg4[%swap3A, %swap3A_14], %mul3A_13 {strides = array<i32>} : memref<2000x128xf32, #tpu.memory_space<vmem>>, vector<2000x128xf32>,
    return
  }
  func.func @transform_0(%arg0: i32) -> (i32, i32) {
    %c0_i32 = arith.constant 0 : i32
    %c0_i32_0 = arith.constant 0 : i32
    return %arg0, %c0_i32 : i32, i32
  }
  func.func @transform_1(%arg0: i32) -> (i32, i32) {
    %c0_i32 = arith.constant 0 : i32
    %c0_i32_0 = arith.constant 0 : i32
    %c0_i32_1 = arith.constant 0 : i32
    return %c0_i32, %c0_i32_0 : i32, i32
  }
  func.func @transform_2(%arg0: i32) -> (i32, i32) {
    %c0_i32 = arith.constant 0 : i32
    %c0_i32_0 = arith.constant 0 : i32
    return %arg0, %c0_i32 : i32, i32
  }
  func.func @transform_3(%arg0: i32) -> (i32, i32) {
    %c0_i32 = arith.constant 0 : i32
    %c0_i32_0 = arith.constant 0 : i32
    return %arg0, %c0_i32 : i32, i32
  }
}

module attributes {stable_mosaic.version = 14 : i64} {
  func.func @_e1m2_body(%arg0: i32, %arg1: memref<2x2000x128xf32, #tpu.memory_space<vmem>>, %arg2: memref<2000x128xf32, #tpu.memory_space<vmem>>, %arg3: memref<2000x2xf32, #tpu.memory_space<vmem>>, %arg4: memref<1x128xf32, #tpu.memory_space<vmem>>, %arg5: memref<128x128xf32, #tpu.memory_space<vmem>>, %arg6: memref<2000x128xf32, #tpu.memory_space<vmem>>) attributes {dimension_semantics = [#tpu.dimension_semantics<arbitrary>], iteration_bounds = array<i64: 5>, scalar_prefetch = 0 : i64, scratch_operands = 0 : i64, tpu.core_type = #tpu.core_type<tc>, window_params = [{transform_indices = @transform_0, window_bounds = array<i64: 2, 2000, 128>}, {transform_indices = @transform_1, window_bounds = array<i64: 2000, 128>}, {transform_indices = @transform_2, window_bounds = array<i64: 2000, 2>}, {pipeline_mode = #tpu.pipeline_mode<synchronous>, transform_indices = @transform_3, window_bounds = array<i64: 1, 128>}, {pipeline_mode = #tpu.pipeline_mode<synchronous>, transform_indices = @transform_4, window_bounds = array<i64: 128, 128>}, {transform_indices = @transform_5, window_bounds = array<i64: 2000, 128>}]} {
    %get3A = arith.constant 0 : index
    %get3A_0 = arith.constant 0 : index
    %get3A_1 = vector.load %arg3[%get3A, %get3A_0] : memref<2000x2xf32, #tpu.memory_space<vmem>>, vector<2000x2xf32>
    %slice3A = vector.extract_strided_slice %get3A_1 {offsets = [0, 0], sizes = [2000, 1], strides = [1, 1]} : vector<2000x2xf32> to vector<2000x1xf32>
    %slice3A_2 = vector.extract_strided_slice %get3A_1 {offsets = [0, 1], sizes = [2000, 1], strides = [1, 1]} : vector<2000x2xf32> to vector<2000x1xf32>
    %add3A = arith.addf %slice3A, %slice3A_2 : vector<2000x1xf32>
    %add3A_3 = arith.constant 1.000000e+00 : f32
    %add3A_4 = vector.broadcast %add3A_3 : f32 to vector<2000x1xf32>
    %add3A_5 = arith.addf %add3A, %add3A_4 : vector<2000x1xf32>
    %rsqrt3A = math.rsqrt %add3A_5 : vector<2000x1xf32>
    %get3A_6 = arith.constant 0 : index
    %get3A_7 = arith.constant 0 : index
    %get3A_8 = arith.constant 0 : index
    %get3A_9 = vector.load %arg1[%get3A_6, %get3A_7, %get3A_8] : memref<2x2000x128xf32, #tpu.memory_space<vmem>>, vector<1x2000x128xf32>
    %get3A_10 = vector.shape_cast %get3A_9 : vector<1x2000x128xf32> to vector<2000x128xf32>
    %get3A_11 = arith.constant 1 : index
    %get3A_12 = arith.constant 0 : index
    %get3A_13 = arith.constant 0 : index
    %get3A_14 = vector.load %arg1[%get3A_11, %get3A_12, %get3A_13] : memref<2x2000x128xf32, #tpu.memory_space<vmem>>, vector<1x2000x128xf32>
    %get3A_15 = vector.shape_cast %get3A_14 : vector<1x2000x128xf32> to vector<2000x128xf32>
    %add3A_16 = arith.addf %get3A_10, %get3A_15 : vector<2000x128xf32>
    %get3A_17 = arith.constant 0 : index
    %get3A_18 = arith.constant 0 : index
    %get3A_19 = vector.load %arg2[%get3A_17, %get3A_18] : memref<2000x128xf32, #tpu.memory_space<vmem>>, vector<2000x128xf32>
    %add3A_20 = arith.addf %add3A_16, %get3A_19 : vector<2000x128xf32>
    %mul3A = vector.broadcast %rsqrt3A : vector<2000x1xf32> to vector<2000x128xf32>
    %mul3A_21 = arith.mulf %add3A_20, %mul3A : vector<2000x128xf32>
    %get3A_22 = arith.constant 0 : index
    %get3A_23 = arith.constant 0 : index
    %get3A_24 = vector.load %arg4[%get3A_22, %get3A_23] : memref<1x128xf32, #tpu.memory_space<vmem>>, vector<1x128xf32>
    %add3A_25 = vector.broadcast %get3A_24 : vector<1x128xf32> to vector<2000x128xf32>
    %add3A_26 = arith.addf %mul3A_21, %add3A_25 : vector<2000x128xf32>
    %max3A = arith.constant 0.000000e+00 : f32
    %max3A_27 = vector.broadcast %max3A : f32 to vector<2000x128xf32>
    %max3A_28 = arith.maximumf %add3A_26, %max3A_27 : vector<2000x128xf32>
    %get3A_29 = arith.constant 0 : index
    %get3A_30 = arith.constant 0 : index
    %get3A_31 = vector.load %arg5[%get3A_29, %get3A_30] : memref<128x128xf32, #tpu.memory_space<vmem>>, vector<128x128xf32>
    %dot_general3A = arith.constant dense<0.000000e+00> : vector<2000x128xf32>
    %dot_general3A_32 = tpu.matmul %max3A_28, %get3A_31, %dot_general3A {dimension_numbers = #tpu.dot_dimension_numbers<[1], [1], [0], [0], [0, 0, 1, 0], [], []>, precision = #tpu.contract_precision<fp32>, transpose_lhs_hint = false} : vector<2000x128xf32>, vector<128x128xf32>, vector<2000x128xf32> -> vector<2000x128xf32>
    %mul3A_33 = vector.broadcast %rsqrt3A : vector<2000x1xf32> to vector<2000x128xf32>
    %mul3A_34 = arith.mulf %dot_general3A_32, %mul3A_33 : vector<2000x128xf32>
    %swap3A = arith.constant 0 : index
    %swap3A_35 = arith.constant 0 : index
    %swap3A_36 = vector.load %arg6[%swap3A, %swap3A_35] : memref<2000x128xf32, #tpu.memory_space<vmem>>, vector<2000x128xf32>
    tpu.vector_store %arg6[%swap3A, %swap3A_35], %mul3A_34 {strides = array<i32>} : memref<2000x128xf32, #tpu.memory_space<vmem>>, vector<2000x128xf32>,
    return
  }
  func.func @transform_0(%arg0: i32) -> (i32, i32, i32) {
    %c0_i32 = arith.constant 0 : i32
    %c0_i32_0 = arith.constant 0 : i32
    %c0_i32_1 = arith.constant 0 : i32
    return %c0_i32, %arg0, %c0_i32_0 : i32, i32, i32
  }
  func.func @transform_1(%arg0: i32) -> (i32, i32) {
    %c0_i32 = arith.constant 0 : i32
    %c0_i32_0 = arith.constant 0 : i32
    return %arg0, %c0_i32 : i32, i32
  }
  func.func @transform_2(%arg0: i32) -> (i32, i32) {
    %c0_i32 = arith.constant 0 : i32
    %c0_i32_0 = arith.constant 0 : i32
    return %arg0, %c0_i32 : i32, i32
  }
  func.func @transform_3(%arg0: i32) -> (i32, i32) {
    %c0_i32 = arith.constant 0 : i32
    %c0_i32_0 = arith.constant 0 : i32
    %c0_i32_1 = arith.constant 0 : i32
    return %c0_i32, %c0_i32_0 : i32, i32
  }
  func.func @transform_4(%arg0: i32) -> (i32, i32) {
    %c0_i32 = arith.constant 0 : i32
    %c0_i32_0 = arith.constant 0 : i32
    %c0_i32_1 = arith.constant 0 : i32
    return %c0_i32, %c0_i32_0 : i32, i32
  }
  func.func @transform_5(%arg0: i32) -> (i32, i32) {
    %c0_i32 = arith.constant 0 : i32
    %c0_i32_0 = arith.constant 0 : i32
    return %arg0, %c0_i32 : i32, i32
  }
}

module attributes {stable_mosaic.version = 14 : i64} {
  func.func @_e2_body(%arg0: i32, %arg1: memref<2x2000x128xf32, #tpu.memory_space<vmem>>, %arg2: memref<2000x128xf32, #tpu.memory_space<vmem>>, %arg3: memref<2000x2xf32, #tpu.memory_space<vmem>>, %arg4: memref<1x128xf32, #tpu.memory_space<vmem>>, %arg5: memref<2000x128xf32, #tpu.memory_space<vmem>>) attributes {dimension_semantics = [#tpu.dimension_semantics<arbitrary>], iteration_bounds = array<i64: 5>, scalar_prefetch = 0 : i64, scratch_operands = 0 : i64, tpu.core_type = #tpu.core_type<tc>, window_params = [{transform_indices = @transform_0, window_bounds = array<i64: 2, 2000, 128>}, {transform_indices = @transform_1, window_bounds = array<i64: 2000, 128>}, {transform_indices = @transform_2, window_bounds = array<i64: 2000, 2>}, {pipeline_mode = #tpu.pipeline_mode<synchronous>, transform_indices = @transform_3, window_bounds = array<i64: 1, 128>}, {transform_indices = @transform_4, window_bounds = array<i64: 2000, 128>}]} {
    %get3A = arith.constant 0 : index
    %get3A_0 = arith.constant 0 : index
    %get3A_1 = vector.load %arg3[%get3A, %get3A_0] : memref<2000x2xf32, #tpu.memory_space<vmem>>, vector<2000x2xf32>
    %slice3A = vector.extract_strided_slice %get3A_1 {offsets = [0, 0], sizes = [2000, 1], strides = [1, 1]} : vector<2000x2xf32> to vector<2000x1xf32>
    %slice3A_2 = vector.extract_strided_slice %get3A_1 {offsets = [0, 1], sizes = [2000, 1], strides = [1, 1]} : vector<2000x2xf32> to vector<2000x1xf32>
    %add3A = arith.addf %slice3A, %slice3A_2 : vector<2000x1xf32>
    %add3A_3 = arith.constant 1.000000e+00 : f32
    %add3A_4 = vector.broadcast %add3A_3 : f32 to vector<2000x1xf32>
    %add3A_5 = arith.addf %add3A, %add3A_4 : vector<2000x1xf32>
    %rsqrt3A = math.rsqrt %add3A_5 : vector<2000x1xf32>
    %get3A_6 = arith.constant 0 : index
    %get3A_7 = arith.constant 0 : index
    %get3A_8 = arith.constant 0 : index
    %get3A_9 = vector.load %arg1[%get3A_6, %get3A_7, %get3A_8] : memref<2x2000x128xf32, #tpu.memory_space<vmem>>, vector<1x2000x128xf32>
    %get3A_10 = vector.shape_cast %get3A_9 : vector<1x2000x128xf32> to vector<2000x128xf32>
    %get3A_11 = arith.constant 1 : index
    %get3A_12 = arith.constant 0 : index
    %get3A_13 = arith.constant 0 : index
    %get3A_14 = vector.load %arg1[%get3A_11, %get3A_12, %get3A_13] : memref<2x2000x128xf32, #tpu.memory_space<vmem>>, vector<1x2000x128xf32>
    %get3A_15 = vector.shape_cast %get3A_14 : vector<1x2000x128xf32> to vector<2000x128xf32>
    %add3A_16 = arith.addf %get3A_10, %get3A_15 : vector<2000x128xf32>
    %get3A_17 = arith.constant 0 : index
    %get3A_18 = arith.constant 0 : index
    %get3A_19 = vector.load %arg2[%get3A_17, %get3A_18] : memref<2000x128xf32, #tpu.memory_space<vmem>>, vector<2000x128xf32>
    %add3A_20 = arith.addf %add3A_16, %get3A_19 : vector<2000x128xf32>
    %mul3A = vector.broadcast %rsqrt3A : vector<2000x1xf32> to vector<2000x128xf32>
    %mul3A_21 = arith.mulf %add3A_20, %mul3A : vector<2000x128xf32>
    %get3A_22 = arith.constant 0 : index
    %get3A_23 = arith.constant 0 : index
    %get3A_24 = vector.load %arg4[%get3A_22, %get3A_23] : memref<1x128xf32, #tpu.memory_space<vmem>>, vector<1x128xf32>
    %add3A_25 = vector.broadcast %get3A_24 : vector<1x128xf32> to vector<2000x128xf32>
    %add3A_26 = arith.addf %mul3A_21, %add3A_25 : vector<2000x128xf32>
    %max3A = arith.constant 0.000000e+00 : f32
    %max3A_27 = vector.broadcast %max3A : f32 to vector<2000x128xf32>
    %max3A_28 = arith.maximumf %add3A_26, %max3A_27 : vector<2000x128xf32>
    %swap3A = arith.constant 0 : index
    %swap3A_29 = arith.constant 0 : index
    %swap3A_30 = vector.load %arg5[%swap3A, %swap3A_29] : memref<2000x128xf32, #tpu.memory_space<vmem>>, vector<2000x128xf32>
    tpu.vector_store %arg5[%swap3A, %swap3A_29], %max3A_28 {strides = array<i32>} : memref<2000x128xf32, #tpu.memory_space<vmem>>, vector<2000x128xf32>,
    return
  }
  func.func @transform_0(%arg0: i32) -> (i32, i32, i32) {
    %c0_i32 = arith.constant 0 : i32
    %c0_i32_0 = arith.constant 0 : i32
    %c0_i32_1 = arith.constant 0 : i32
    return %c0_i32, %arg0, %c0_i32_0 : i32, i32, i32
  }
  func.func @transform_1(%arg0: i32) -> (i32, i32) {
    %c0_i32 = arith.constant 0 : i32
    %c0_i32_0 = arith.constant 0 : i32
    return %arg0, %c0_i32 : i32, i32
  }
  func.func @transform_2(%arg0: i32) -> (i32, i32) {
    %c0_i32 = arith.constant 0 : i32
    %c0_i32_0 = arith.constant 0 : i32
    return %arg0, %c0_i32 : i32, i32
  }
  func.func @transform_3(%arg0: i32) -> (i32, i32) {
    %c0_i32 = arith.constant 0 : i32
    %c0_i32_0 = arith.constant 0 : i32
    %c0_i32_1 = arith.constant 0 : i32
    return %c0_i32, %c0_i32_0 : i32, i32
  }
  func.func @transform_4(%arg0: i32) -> (i32, i32) {
    %c0_i32 = arith.constant 0 : i32
    %c0_i32_0 = arith.constant 0 : i32
    return %arg0, %c0_i32 : i32, i32
  }
}

</mosaic_0001>

<sc_bundles>
// kernel: kernel.11.cloned.1.call-start
scs
__scs_entry_jumppad:
0x0: {  	(pc) =	sbr.rel $0x88, $3  }
0x1: {  	(tag) =	ssettag $0x0;
	lr =	simm.s32 $0x1  }
0x2: {  	[smem:$0x3F9B] =	sst lr;
	_ =	strace $0xD0000000  }
0x3: {  	_ = 	snop  }
0x4: {  	_ = 	snop  }
0x5: {  	_ = 	snop  }
0x6: {  	_ = 	snop  }
0x7: {  	_ = 	snop  }
__scs_overlays_trampoline_lowered:
0x8: {  	[smem:$0x3FAA] =	sst s0  }
0x9: {  	[smem:$0x3FAB] =	sst s1  }
0xa: {  	[smem:$0x3FAC] =	sst s2  }
0xb: {  	[smem:$0x3FAD] =	sst s3  }
0xc: {  	[smem:$0x3FAE] =	sst s4  }
0xd: {  	[smem:$0x3FAF] =	sst s5  }
0xe: {  	[smem:$0x3FB0] =	sst s6  }
0xf: {  	[smem:$0x3FB1] =	sst s7  }
0x10: {  	[smem:$0x3FB2] =	sst s8  }
0x11: {  	[smem:$0x3FB3] =	sst s9;
	s0 =	simm.s32 @!p0 $0x0  }
0x12: {  	s1 =	sld [smem:$0x3F99];
	s0 =	simm.s32 @p0 $0x1  }
0x13: {  	[smem:$0x3FB4] =	sst s0;
	s0 =	simm.s32 @!p1 $0x0  }
0x14: {  	s2 =	sld [smem:$0x3F98];
	s0 =	simm.s32 @p1 $0x1  }
0x15: {  	[smem:$0x3FB5] =	sst s0;
	s0 =	simm.s32 @!p2 $0x0  }
0x16: {  	s3 =	sld [smem:$0x3FDB];
	s0 =	simm.s32 @p2 $0x1  }
0x17: {  	s4 =	simm.s32 $0x1BF5;
	[smem:$0x3FB7] =	sst s0  }
0x18: {  	s0 =	sld [smem:$0x3F9A];
	_ =	swait.ge [sflag:s4], $0x0  }
0x19: {  	s7 =	sld [smem:$0x3F9B]  }
0x1a: {  	s8 =	sadd.s32 $0xFFFFE003, lr  }
0x1b: {  	s9 =	sadd.s32 $0xFFFFFEF7, lr;
	s5 =	simm.s32 $0xFFFFFFFF;
	p2 =	slt.u32 s8, $0xFFFFF086  }
0x1c: {  	p1 =	slt.u32 s9, $0xF7A;
	s5 =	simm.s32 @!p2 $0x0  }
0x1d: {  	s5 =	simm.s32 @p1 $0x1;
	p0 =	seq.s32 s7, s2  }
0x1e: {  	s7 =	smul.u32 @!p0 $0xF7A, s2;
	p2 =	seq.s32 @!p0 s5, $0x0  }
0x1f: {  	s9 =	smul.u32 $0xF7A, s1;
	s8 =	simm.s32 @!p0 $0x1BF5;
	p2 =	por !p2, p0  }
0x20: {  	[sflag:s8] =	ssyncset.s32 @!p0 $0xFFFFF086;
	s6 =	sadd.s32 @!p0 s3, s7;
	s7 =	simm.s32 @!p0 $0x108  }
0x21: {  	s3 =	sadd.s32 s3, s9;
	s6 =	sadd.s32 @!p0 $0x88, s6;
	s7 =	simm.s32 @p2 $0x1082  }
0x22: {  	[simem:s7], [sflag:s8] =	dma.local @!p0 [hbm:s6], $0xF7A  }
0x23: {  	s9 =	sor.u32 $0xD0000000, s2;
	s6 =	simm.s32 $0x108;
	_ =	swait.ge @!p0 [sflag:s8], $0x0  }
0x24: {  	s3 =	sadd.s32 $0x88, s3;
	s6 =	simm.s32 @!p1 $0x1082;
	[sflag:s4] =	ssyncset.s32 $0xFFFFF086  }
0x25: {  	[simem:s6], [sflag:s4] =	dma.local [hbm:s3], $0xF7A  }
0x26: {  	[smem:$0x3F9B] =	sst s1;
	(tag) =	ssettag s2;
	_ =	strace s9  }
0x27: {  	s1 =	sld [smem:$0x3FAB]  }
0x28: {  	s2 =	sld [smem:$0x3FAC]  }
0x29: {  	s4 =	sld [smem:$0x3FAE]  }
0x2a: {  	p0 =	seq.s32 s5, $0x0;
	s5 =	sld [smem:$0x3FAF]  }
0x2b: {  	s6 =	sld [smem:$0x3FB0]  }
0x2c: {  	s7 =	sld [smem:$0x3FB1]  }
0x2d: {  	s3 =	simm.s32 $0x108;
	s8 =	sld [smem:$0x3FB2]  }
0x2e: {  	s3 =	simm.s32 @!p0 $0x1082;
	s9 =	sld [smem:$0x3FB3]  }
0x2f: {  	lr =	sadd.s32 s0, s3;
	s0 =	sld [smem:$0x3FAA]  }
0x30: {  	s3 =	sld [smem:$0x3FAD]  }
0x31: {  	[smem:$0x3FB6] =	sst s10  }
0x32: {  	s10 =	sld [smem:$0x3FB4];
	_ =	sdelay $0x3  }
0x33: {  	p0 =	seq.s32 s10, $0x1;
	s10 =	sld [smem:$0x3FB6];
	_ =	sdelay $0x3  }
0x34: {  	[smem:$0x3FB6] =	sst s10  }
0x35: {  	s10 =	sld [smem:$0x3FB5];
	_ =	sdelay $0x3  }
0x36: {  	p1 =	seq.s32 s10, $0x1;
	s10 =	sld [smem:$0x3FB6];
	_ =	sdelay $0x3  }
0x37: {  	[smem:$0x3FB6] =	sst s10  }
0x38: {  	s10 =	sld [smem:$0x3FB7]  }
0x39: {  	_ = 	snop;
	(pc) =	sbr.ind lr, $3  }
0x3a: {  	_ = 	snop  }
0x3b: {  	_ = 	snop  }
0x3c: {  	p2 =	seq.s32 s10, $0x1;
	s10 =	sld [smem:$0x3FB6]  }
0x3d: {  	_ =	shalt  }
0x3e: {  	_ =	shalt  }
0x3f: {  	_ =	shalt  }
0x40: {  	_ =	shalt  }
0x41: {  	_ =	shalt  }
0x42: {  	_ =	shalt  }
0x43: {  	_ =	shalt  }
0x44: {  	_ =	shalt  }
0x45: {  	_ =	shalt  }
0x46: {  	_ =	shalt  }
0x47: {  	_ =	shalt  }
0x48: {  	_ =	shalt  }
0x49: {  	_ =	shalt  }
0x4a: {  	_ =	shalt  }
0x4b: {  	_ =	shalt  }
0x4c: {  	_ =	shalt  }
0x4d: {  	_ =	shalt  }
0x4e: {  	_ =	shalt  }
0x4f: {  	_ =	shalt  }
0x50: {  	_ =	shalt  }
0x51: {  	_ =	shalt  }
0x52: {  	_ =	shalt  }
0x53: {  	_ =	shalt  }
0x54: {  	_ =	shalt  }
0x55: {  	_ =	shalt  }
0x56: {  	_ =	shalt  }
0x57: {  	_ =	shalt  }
0x58: {  	_ =	shalt  }
0x59: {  	_ =	shalt  }
0x5a: {  	_ =	shalt  }
0x5b: {  	_ =	shalt  }
0x5c: {  	_ =	shalt  }
0x5d: {  	_ =	shalt  }
0x5e: {  	_ =	shalt  }
0x5f: {  	_ =	shalt  }
0x60: {  	_ =	shalt  }
0x61: {  	_ =	shalt  }
0x62: {  	_ =	shalt  }
0x63: {  	_ =	shalt  }
0x64: {  	_ =	shalt  }
0x65: {  	_ =	shalt  }
0x66: {  	_ =	shalt  }
0x67: {  	_ =	shalt  }
0x68: {  	_ =	shalt  }
0x69: {  	_ =	shalt  }
0x6a: {  	_ =	shalt  }
0x6b: {  	_ =	shalt  }
0x6c: {  	_ =	shalt  }
0x6d: {  	_ =	shalt  }
0x6e: {  	_ =	shalt  }
0x6f: {  	_ =	shalt  }
0x70: {  	_ =	shalt  }
0x71: {  	_ =	shalt  }
0x72: {  	_ =	shalt  }
0x73: {  	_ =	shalt  }
0x74: {  	_ =	shalt  }
0x75: {  	_ =	shalt  }
0x76: {  	_ =	shalt  }
0x77: {  	_ =	shalt  }
0x78: {  	_ =	shalt  }
0x79: {  	_ =	shalt  }
0x7a: {  	_ =	shalt  }
0x7b: {  	_ =	shalt  }
0x7c: {  	_ =	shalt  }
0x7d: {  	_ =	shalt  }
0x7e: {  	_ =	shalt  }
0x7f: {  	_ =	shalt  }
0x80: {  	_ =	shalt  }
0x81: {  	_ =	shalt  }
0x82: {  	_ =	shalt  }
0x83: {  	_ =	shalt  }
0x84: {  	_ =	shalt  }
0x85: {  	_ =	shalt  }
0x86: {  	_ =	shalt  }
0x87: {  	_ =	shalt  }
.Lfunc_end0:
.L_simem_size_0:
called_computation.1_lowered:
.L_overlay_start_0:
0x88: {  	s2 =	sld [smem:$0x3FD9]  }
0x89: {  	s3 =	sld [smem:$0x3FFE];
	_ =	sdelay $0x1  }
0x8a: {  	s1 =	srdreg.scid  }
0x8b: {  	s0 =	sand.u32 $0x1, s1  }
0x8c: {  	s17 =	sshll.u32 s0, $0xA;
	s2 =	sadd.s32 s3, s2  }
0x8d: {  	s2 =	sadd.s32 s2, s17  }
0x8e: {  	[smem:$0x3FC2] =	sst s2  }
0x8f: {  	_ = 	snop  }
0x90: {  	s2 =	sld [smem:$0x3FD0];
	(tm) =	ssettm $0x1  }
0x91: {  	s18 =	sld [smem:$0x3FFB];
	_ =	sdelay $0x3  }
0x92: {  	_ =	strace s18  }
0x93: {  	s3 =	sld [smem:$0x3FFC];
	_ =	sdelay $0x3  }
0x94: {  	_ =	strace s3  }
0x95: {  	s3 =	sld [smem:$0x3FFD];
	_ =	sdelay $0x3  }
0x96: {  	_ =	strace s3  }
0x97: {  	_ =	strace $0x8FFFFFFF  }
0x98: {  	s19 =	sld [smem:$0x3FDB];
	_ =	sdelay $0x1  }
0x99: {  	s4 =	simm.s32 $_scs_section_size  }
0x9a: {  	s5 =	simm.s32 $_size__tile_overlayer_lowered;
	s6 =	simm.s32 $_tile_overlayer_lowered  }
0x9b: {  	s22 =	simm.s32 $0x1BFF;
	s21 =	sshll.u32 s6, $0x1;
	s3 =	sadd.s32 s4, s19  }
0x9c: {  	s7 =	simm.s32 $0x0;
	s20 =	sshll.u32 s5, $0x1;
	s5 =	sadd.s32 s21, s3  }
0x9d: {  	[timem:s7], [sflag:s22] =	dma.local [hbm:s5], s20  }
0x9e: {  	_ =	swait.ge [sflag:s22], s20  }
0x9f: {  	s4 =	ssub.s32 $0x0, s20;
	[sflag:s22] =	ssyncset.done $0x0  }
0xa0: {  	[sflag:s22] =	ssyncadd.s32 s4;
	_ =	sdelay $0x1  }
0xa1: {  	s23 =	simm.s32 $0x1B8B  }
0xa2: {  	_ =	swait.ge [sflag:s23], $0x1  }
0xa3: {  	[sflag:s23] =	ssyncset.done $0x0  }
0xa4: {  	s25 =	simm.s32 $0x1B8E;
	s24 =	sld [smem:$0x3FFE];
	[sflag:s23] =	ssyncadd.s32 $0xFFFFFFFF  }
0xa5: {  	s26 =	simm.s32 $execute0_lowered;
	[smem:$0x3FD2] =	sst s25  }
0xa6: {  	s5 =	sshll.u32 s26, $0x1;
	_ =	strace $0x80000049;
	[dreg:$0x1] =	wrdreg $0xFFFFFFFF  }
0xa7: {  	s28 =	simm.s32 $_size_execute0_lowered;
	s3 =	sadd.s32 s3, s5;
	[dreg:$0x0] =	wrdreg $0x0  }
0xa8: {  	s5 =	sshll.u32 s28, $0x1;
	[dreg:$0x2] =	wrdreg s3  }
0xa9: {  	[dreg:$0x3] =	wrdreg s5  }
0xaa: {  	[dreg:$0x4] =	wrdreg $0xC0  }
0xab: {  	_ =	task [dreg:s7], $0x5FFFF  }
0xac: {  	[dreg:$0x1] =	wrdreg $0xFFFFFFFF  }
0xad: {  	[dreg:$0x0] =	wrdreg $0x60  }
0xae: {  	[dreg:$0x2] =	wrdreg s2  }
0xaf: {  	[dreg:$0x3] =	wrdreg s24  }
0xb0: {  	[dreg:$0x4] =	wrdreg $0x0  }
0xb1: {  	[dreg:$0x5] =	wrdreg $0x9  }
0xb2: {  	_ =	task.clear_ibuf [dreg:s7], $0x6FFFF;
	_ =	strace $0x90000049  }
0xb3: {  	s29 =	simm.s32 $0x9;
	_ =	strace $0x8000004B  }
0xb4: {  	_ =	swait.ge [sflag:s29], $0x1  }
0xb5: {  	[sflag:s29] =	ssyncadd.s32 $0xFFFFFFFF  }
0xb6: {  	_ =	strace $0x9000004B  }
0xb7: {  	_ =	sfence  }
0xb8: {  	s30 =	sld [smem:$0x0];
	_ =	sdelay $0x2  }
0xb9: {  	s31 =	sshll.u32 s1, $0xD;
	s1 =	sshrl.u32 s1, $0x2  }
0xba: {  	s3 =	sand.u32 $0x4000, s31;
	s1 =	sadd.s32 s1, s30  }
0xbb: {  	s0 =	sor.u32 s3, s0;
	s1 =	sshll.u32 s1, $0x11  }
0xbc: {  	s0 =	sor.u32 s1, s0  }
0xbd: {  	s0 =	sadd.s32 $0x8F2B, s0  }
0xbe: {  	[sflag:s0] =	ssyncadd.remote.s32 $0x1  }
0xbf: {  	_ =	sfence.sel $0xFFFF  }
0xc0: {  	[dreg:$0x0] =	wrdreg $0xFFFFFFFF;
	(pc) =	sbr.abs _section_cstart, $3  }
0xc1: {  	[dreg:$0x1] =	wrdreg $0xFFFFFFFF  }
0xc2: {  	_ =	task.clear_ibuf [dreg:s7], $0x2FFFF;
	_ =	strace $0x9FFFFFFF  }
0xc3: {  	(tm) =	ssettm $0x7FFFFFFF  }
tec
execute0_lowered:
.L_overlay_start_1:
0x0: {  	(tag) =	ssettag $0x1  }
0x1: {  	s1 =	rddreg [dreg:$0x0]  }
0x2: {  	s0 =	rddreg [dreg:$0x1]  }
0x3: {  	s3 =	rddreg [dreg:$0x2]  }
0x4: {  	s2 =	srdreg.scid;
	s9 =	stileid.u32  }
0x5: {  	s4 =	simm.s32 $0x0;
	s18 =	simm.s32 $0x14100;
	s19 =	simm.s32 $0x14200  }
0x6: {  	s24 =	simm.s32 $0x14080;
	s25 =	simm.s32 $0x14180;
	s26 =	simm.s32 $0x14380  }
0x7: {  	s28 =	simm.s32 $0x5;
	s29 =	simm.s32 $0x2;
	s7 =	smul.u32 $0x50000, s9  }
0x8: {  	s30 =	simm.s32 $0x6;
	s31 =	simm.s32 $0x0;
	s17 =	smul.u32 $0x2800, s9  }
0x9: {  	s2 =	sand.u32 $0x1, s2;
	s6 =	sshll.u32 s9, $0x1;
	s14 =	smul.u32 $0x1400, s9  }
0xa: {  	[smem:$0x7FF] =	sst s4;
	s13 =	sadd.s32 $0x2A00, s0;
	s5 =	smul.u32 $0x28000, s2  }
0xb: {  	s6 =	sor.u32 s2, s6;
	_ =	strace $0x8000004A;
	[dreg:$0x4] =	wrdreg s24  }
0xc: {  	s8 =	ssub.s32 $0x2, s2;
	s2 =	smul.u32 $0xA00, s2;
	[dreg:$0x5] =	wrdreg s25  }
0xd: {  	[dreg:$0x6] =	wrdreg s26;
	s25 =	simm.s32 $0x14300;
	s26 =	simm.s32 $0x1  }
0xe: {  	s6 =	smul.u32 $0xA00, s6;
	s15 =	sshrl.u32 s8, $0x1;
	s7 =	sshrl.u32 s7, $0x2  }
0xf: {  	s23 =	sadd.s32 s14, s13;
	s0 =	sadd.s32 s5, s0;
	s8 =	ssub.s32 s8, s15  }
0x10: {  	s14 =	sadd.s32 s2, s23;
	s5 =	sadd.s32 s13, s6;
	s8 =	smax.u32 s8, $0x1  }
0x11: {  	s15 =	simm.s32 $0x14400;
	s16 =	sadd.s32 $0x20, s5;
	[dreg:$0x9] =	wrdreg s8  }
0x12: {  	s6 =	sadd.s32 s7, s3;
	s10 =	sadd.s32 $0x40, s5;
	[dreg:$0x7] =	wrdreg s16  }
0x13: {  	s23 =	simm.s32 $0x18400;
	s20 =	sadd.s32 $0x4000, s6;
	[dreg:$0x8] =	wrdreg s10  }
0x14: {  	s0 =	sadd.s32 $0x16A00, s0;
	s21 =	sadd.s32 $0x8000, s6;
	[dreg:$0xa] =	wrdreg s20  }
0x15: {  	s22 =	sadd.s32 $0xC000, s6;
	s13 =	sadd.s32 $0x10000, s6;
	[dreg:$0xb] =	wrdreg s21  }
0x16: {  	s24 =	sadd.s32 s17, s0;
	[dreg:$0xc] =	wrdreg s22;
	s16 =	simm.s32 $0x7  }
0x17: {  	v0 =	vimm.f32 $0.0e+00;
	s20 =	simm.s32 $0x3;
	s21 =	simm.s32 $0x80;
	s22 =	simm.s32 $0x4  }
.LBB2_1:
0x18: {  	s0 =	simm.s32 $0x0;
	s2 =	simm.s32 $0x200  }
.LBB2_2:
0x19: {  	p0 =	sne.s32 s2, $0xFE00;
	[tilespmem:s0+$0x14470] =	vst v0  }
0x1a: {  	[tilespmem:s0+$0x14400] =	vst v0  }
0x1b: {  	[tilespmem:s0+$0x14410] =	vst v0  }
.Ltmp0:
0x1c: {  	[tilespmem:s0+$0x14420] =	vst v0;
	(pc) =	sbr.rel @p0 .LBB2_2-.Ltmp0, $4  }
0x1d: {  	[tilespmem:s0+$0x14430] =	vst v0  }
0x1e: {  	[tilespmem:s0+$0x14440] =	vst v0  }
0x1f: {  	[tilespmem:s0+$0x14450] =	vst v0  }
0x20: {  	[tilespmem:s0+$0x14460] =	vst v0;
	s0 =	sshra.s32 s2, $0x2;
	s2 =	sadd.s32 $0x200, s2  }
0x21: {  	[tilespmem:s0+$0x14470] =	vst v0  }
0x22: {  	[tilespmem:s0+$0x14400] =	vst v0  }
0x23: {  	[tilespmem:s0+$0x14410] =	vst v0  }
0x24: {  	[tilespmem:s0+$0x14420] =	vst v0  }
0x25: {  	[tilespmem:s0+$0x14430] =	vst v0  }
0x26: {  	[tilespmem:s0+$0x14440] =	vst v0  }
0x27: {  	[tilespmem:s0+$0x14450] =	vst v0  }
0x28: {  	[tilespmem:s0+$0x14460] =	vst v0  }
0x29: {  	[spmem:s6] =	stream.linear.scatter [tilespmem:s15], [sflag:$0x7], $0x4000, $0x38;
	[tilespmem:$0x1C400] =	vst v63  }
0x2a: {  	_ =	swait.ge [sflag:s16], $0x4000  }
0x2b: {  	[sflag:s16] =	ssyncset.done $0x0  }
0x2c: {  	s17 =	rddreg [dreg:$0xa];
	[sflag:s16] =	ssyncadd.s32 $0xFFFFC000  }
0x2d: {  	[spmem:s17] =	stream.linear.scatter [tilespmem:s15], [sflag:$0x7], $0x4000, $0x38;
	[tilespmem:$0x1C400] =	vst v63  }
0x2e: {  	_ =	swait.ge [sflag:s16], $0x4000  }
0x2f: {  	[sflag:s16] =	ssyncset.done $0x0  }
0x30: {  	s2 =	rddreg [dreg:$0xb];
	[sflag:s16] =	ssyncadd.s32 $0xFFFFC000  }
0x31: {  	[spmem:s2] =	stream.linear.scatter [tilespmem:s15], [sflag:$0x7], $0x4000, $0x38;
	[tilespmem:$0x1C400] =	vst v63  }
0x32: {  	_ =	swait.ge [sflag:s16], $0x4000  }
0x33: {  	[sflag:s16] =	ssyncset.done $0x0  }
0x34: {  	s7 =	rddreg [dreg:$0xc];
	[sflag:s16] =	ssyncadd.s32 $0xFFFFC000  }
0x35: {  	[spmem:s7] =	stream.linear.scatter [tilespmem:s15], [sflag:$0x7], $0x4000, $0x38;
	[tilespmem:$0x1C400] =	vst v63  }
0x36: {  	_ =	swait.ge [sflag:s16], $0x4000  }
0x37: {  	[sflag:s16] =	ssyncset.done $0x0  }
0x38: {  	[sflag:s16] =	ssyncadd.s32 $0xFFFFC000  }
0x39: {  	[spmem:s13] =	stream.linear.scatter [tilespmem:s15], [sflag:$0x7], $0x4000, $0x38;
	[tilespmem:$0x1C400] =	vst v63  }
0x3a: {  	_ =	swait.ge [sflag:s16], $0x4000  }
0x3b: {  	[sflag:s16] =	ssyncset.done $0x0  }
0x3c: {  	[sflag:s16] =	ssyncadd.s32 $0xFFFFC000  }
0x3d: {  	s8 =	simm.s32 $0x0;
	s7 =	simm.s32 $0x14000;
	[bflag:$0x0] =	sbarrier.arrive $0xFFFF  }
0x3e: {  	[tilespmem:s7], [sflag:$0x3] =	stream.linear.gather [hbm4b:s5+s8], $0x100, $0x38;
	[tilespmem:$0x1C400] =	vst v63  }
0x3f: {  	s2 =	rddreg [dreg:$0x7]  }
0x40: {  	[tilespmem:s18], [sflag:$0x4] =	stream.linear.gather [hbm4b:s2+s8], $0x100, $0x38;
	[tilespmem:$0x1C400] =	vst v63  }
0x41: {  	s9 =	rddreg [dreg:$0x8]  }
0x42: {  	[tilespmem:s19], [sflag:$0x5] =	stream.linear.gather [hbm4b:s9+s8], $0x100, $0x38;
	[tilespmem:$0x1C400] =	vst v63  }
0x43: {  	_ =	swait.ge [sflag:s20], $0x100  }
0x44: {  	[sflag:s20] =	ssyncset.done $0x0  }
0x45: {  	[sflag:s20] =	ssyncadd.s32 $0xFFFFFF00  }
0x46: {  	[tilespmem:s15], [sflag:$0x1] =	stream.indirect.gather [hbm4b:s1+s21], $0x80, s7, s21, $0xb8;
	[tilespmem:$0x1C400] =	vst v63  }
0x47: {  	_ =	swait.ge [sflag:s22], $0x100  }
0x48: {  	[sflag:s22] =	ssyncset.done $0x0  }
0x49: {  	s10 =	sadd.s32 $0x0, s14;
	[sflag:s22] =	ssyncadd.s32 $0xFFFFFF00  }
0x4a: {  	[tilespmem:s23], [sflag:$0x2] =	stream.indirect.gather [hbm4b:s1+s21], $0x80, s18, s21, $0xb8;
	[tilespmem:$0x1C400] =	vst v63  }
0x4b: {  	s0 =	sadd.s32 $0x60, s10  }
0x4c: {  	[tilespmem:s25], [sflag:$0x6] =	stream.linear.gather [hbm4b:s0+s4], $0x100, $0x38;
	[tilespmem:$0x1C400] =	vst v63  }
0x4d: {  	_ =	swait.ge [sflag:s26], $0x4000  }
0x4e: {  	[sflag:s26] =	ssyncset.done $0x0  }
0x4f: {  	s11 =	rddreg [dreg:$0x4];
	[sflag:s26] =	ssyncadd.s32 $0xFFFFC000  }
0x50: {  	[spmem:s3] =	stream.indirect.scatter.add.f32 [tilespmem:s15], [sflag:$0x7], $0x80, s11, s21, $0xb8;
	[tilespmem:$0x1C400] =	vst v63  }
0x51: {  	_ =	swait.ge [sflag:s16], $0x4000  }
0x52: {  	[sflag:s16] =	ssyncset.done $0x0  }
0x53: {  	[sflag:s16] =	ssyncadd.s32 $0xFFFFC000  }
0x54: {  	_ =	swait.ge [sflag:s28], $0x100  }
0x55: {  	p0 =	por $0x0, $0x0;
	[sflag:s28] =	ssyncset.done $0x0  }
0x56: {  	s0 =	sadd.s32 @!p0 $0x0, s14;
	[sflag:s28] =	ssyncadd.s32 $0xFFFFFF00  }
0x57: {  	[tilespmem:s15], [sflag:$0x1] =	stream.indirect.gather [hbm4b:s1+s21], $0x80, s19, s21, $0xb8;
	[tilespmem:$0x1C400] =	vst v63  }
0x58: {  	s2 =	simm.s32 @!p0 $0x14000;
	s8 =	simm.s32 @!p0 $0x0;
	s7 =	sadd.s32 @!p0 $0x80, s0  }
0x59: {  	[tilespmem:s2], [sflag:$0x3] =	stream.linear.gather @!p0 [hbm4b:s7+s8], $0x100, $0x38;
	[tilespmem:$0x1C400] =	vst v63  }
0x5a: {  	_ =	swait.ge [sflag:s29], $0x4000  }
0x5b: {  	[sflag:s29] =	ssyncset.done $0x0  }
0x5c: {  	s12 =	rddreg [dreg:$0x5];
	[sflag:s29] =	ssyncadd.s32 $0xFFFFC000  }
0x5d: {  	[spmem:s3] =	stream.indirect.scatter.add.f32 [tilespmem:s23], [sflag:$0x7], $0x80, s12, s21, $0xb8;
	[tilespmem:$0x1C400] =	vst v63  }
0x5e: {  	_ =	swait.ge [sflag:s16], $0x4000  }
0x5f: {  	[sflag:s16] =	ssyncset.done $0x0  }
0x60: {  	[sflag:s16] =	ssyncadd.s32 $0xFFFFC000  }
0x61: {  	_ =	swait.ge [sflag:s30], $0x100  }
0x62: {  	[sflag:s30] =	ssyncset.done $0x0  }
0x63: {  	s7 =	simm.s32 @p0 $0x1;
	[sflag:s30] =	ssyncadd.s32 $0xFFFFFF00  }
0x64: {  	[tilespmem:s23], [sflag:$0x2] =	stream.indirect.gather [hbm4b:s1+s21], $0x80, s25, s21, $0xb8;
	[tilespmem:$0x1C400] =	vst v63  }
0x65: {  	_ =	swait.ge @p0 [sflag:s7], $0x4000  }
0x66: {  	s10 =	simm.s32 @p0 $0x80;
	[sflag:s7] =	ssyncset.done @p0 $0x0  }
0x67: {  	s9 =	simm.s32 @p0 $0x14400;
	[sflag:s7] =	ssyncadd.s32 @p0 $0xFFFFC000;
	s7 =	simm.s32 @p0 $0x14280  }
0x68: {  	[spmem:s3] =	stream.indirect.scatter.add.f32 @p0 [tilespmem:s9], [sflag:$0x7], $0x80, s7, s10, $0xb8;
	[tilespmem:$0x1C400] =	vst v63  }
0x69: {  	s7 =	simm.s32 @p0 $0x7  }
0x6a: {  	_ =	swait.ge @p0 [sflag:s7], $0x4000  }
0x6b: {  	s9 =	sadd.s32 @!p0 $0xA0, s0;
	[sflag:s7] =	ssyncset.done @p0 $0x0  }
0x6c: {  	s10 =	simm.s32 @!p0 $0x14100;
	[sflag:s7] =	ssyncadd.s32 @p0 $0xFFFFC000;
	s7 =	simm.s32 @!p0 $0x1  }
0x6d: {  	[tilespmem:s10], [sflag:$0x4] =	stream.linear.gather @!p0 [hbm4b:s9+s8], $0x100, $0x38;
	[tilespmem:$0x1C400] =	vst v63  }
0x6e: {  	_ =	swait.ge @!p0 [sflag:s7], $0x4000  }
0x6f: {  	s9 =	simm.s32 @!p0 $0x14400;
	[sflag:s7] =	ssyncset.done @!p0 $0x0  }
0x70: {  	s10 =	simm.s32 @!p0 $0x80;
	[sflag:s7] =	ssyncadd.s32 @!p0 $0xFFFFC000;
	s7 =	simm.s32 @!p0 $0x14280  }
0x71: {  	[spmem:s3] =	stream.indirect.scatter.add.f32 @!p0 [tilespmem:s9], [sflag:$0x7], $0x80, s7, s10, $0xb8;
	[tilespmem:$0x1C400] =	vst v63  }
0x72: {  	s7 =	simm.s32 @!p0 $0x7  }
0x73: {  	_ =	swait.ge @!p0 [sflag:s7], $0x4000  }
0x74: {  	[sflag:s7] =	ssyncset.done @!p0 $0x0  }
0x75: {  	[sflag:s7] =	ssyncadd.s32 @!p0 $0xFFFFC000;
	s7 =	simm.s32 @!p0 $0x3  }
0x76: {  	_ =	swait.ge @!p0 [sflag:s7], $0x100  }
0x77: {  	[sflag:s7] =	ssyncset.done @!p0 $0x0  }
0x78: {  	[sflag:s7] =	ssyncadd.s32 @!p0 $0xFFFFFF00  }
0x79: {  	[tilespmem:s9], [sflag:$0x1] =	stream.indirect.gather @!p0 [hbm4b:s1+s10], $0x80, s2, s10, $0xb8;
	[tilespmem:$0x1C400] =	vst v63  }
0x7a: {  	s0 =	sadd.s32 @!p0 $0xC0, s0;
	s2 =	simm.s32 @!p0 $0x14200  }
0x7b: {  	[tilespmem:s2], [sflag:$0x5] =	stream.linear.gather @!p0 [hbm4b:s0+s8], $0x100, $0x38;
	[tilespmem:$0x1C400] =	vst v63  }
0x7c: {  	_ =	swait.ge [sflag:s29], $0x4000  }
0x7d: {  	[sflag:s29] =	ssyncset.done $0x0  }
0x7e: {  	s17 =	rddreg [dreg:$0x6];
	[sflag:s29] =	ssyncadd.s32 $0xFFFFC000  }
0x7f: {  	[spmem:s3] =	stream.indirect.scatter.add.f32 [tilespmem:s23], [sflag:$0x7], $0x80, s17, s21, $0xb8;
	[tilespmem:$0x1C400] =	vst v63  }
0x80: {  	s0 =	simm.s32 $0x80;
	_ =	swait.ge [sflag:s16], $0x4000  }
.LBB2_4:
0x81: {  	[sflag:s16] =	ssyncset.done $0x0  }
0x82: {  	[sflag:s16] =	ssyncadd.s32 $0xFFFFC000  }
0x83: {  	_ =	swait.ge [sflag:s22], $0x100  }
0x84: {  	s2 =	smov.u32 s0;
	[sflag:s22] =	ssyncset.done $0x0  }
0x85: {  	s7 =	sadd.s32 s2, s14;
	[sflag:s22] =	ssyncadd.s32 $0xFFFFFF00  }
0x86: {  	[tilespmem:s23], [sflag:$0x2] =	stream.indirect.gather [hbm4b:s1+s21], $0x80, s18, s21, $0xb8;
	[tilespmem:$0x1C400] =	vst v63  }
0x87: {  	s7 =	sadd.s32 $0x60, s7  }
0x88: {  	[tilespmem:s25], [sflag:$0x6] =	stream.linear.gather [hbm4b:s7+s4], $0x100, $0x38;
	[tilespmem:$0x1C400] =	vst v63  }
0x89: {  	_ =	swait.ge [sflag:s26], $0x4000  }
0x8a: {  	[sflag:s26] =	ssyncset.done $0x0  }
0x8b: {  	s11 =	rddreg [dreg:$0x4];
	[sflag:s26] =	ssyncadd.s32 $0xFFFFC000  }
0x8c: {  	[spmem:s3] =	stream.indirect.scatter.add.f32 [tilespmem:s15], [sflag:$0x7], $0x80, s11, s21, $0xb8;
	[tilespmem:$0x1C400] =	vst v63  }
0x8d: {  	_ =	swait.ge [sflag:s16], $0x4000  }
0x8e: {  	[sflag:s16] =	ssyncset.done $0x0  }
0x8f: {  	[sflag:s16] =	ssyncadd.s32 $0xFFFFC000  }
0x90: {  	_ =	swait.ge [sflag:s28], $0x100  }
0x91: {  	p1 =	seq.s32 s2, $0x980;
	[sflag:s28] =	ssyncset.done $0x0  }
0x92: {  	s8 =	sadd.s32 @!p1 s2, s14;
	[sflag:s28] =	ssyncadd.s32 $0xFFFFFF00  }
0x93: {  	[tilespmem:s15], [sflag:$0x1] =	stream.indirect.gather [hbm4b:s1+s21], $0x80, s19, s21, $0xb8;
	[tilespmem:$0x1C400] =	vst v63  }
0x94: {  	s2 =	simm.s32 @!p1 $0x14000;
	s9 =	sadd.s32 @!p1 $0x80, s8;
	s7 =	simm.s32 @!p1 $0x0  }
0x95: {  	[tilespmem:s2], [sflag:$0x3] =	stream.linear.gather @!p1 [hbm4b:s9+s7], $0x100, $0x38;
	[tilespmem:$0x1C400] =	vst v63  }
0x96: {  	_ =	swait.ge [sflag:s29], $0x4000  }
0x97: {  	[sflag:s29] =	ssyncset.done $0x0  }
0x98: {  	s12 =	rddreg [dreg:$0x5];
	[sflag:s29] =	ssyncadd.s32 $0xFFFFC000  }
0x99: {  	[spmem:s3] =	stream.indirect.scatter.add.f32 [tilespmem:s23], [sflag:$0x7], $0x80, s12, s21, $0xb8;
	[tilespmem:$0x1C400] =	vst v63  }
0x9a: {  	_ =	swait.ge [sflag:s16], $0x4000  }
0x9b: {  	[sflag:s16] =	ssyncset.done $0x0  }
0x9c: {  	[sflag:s16] =	ssyncadd.s32 $0xFFFFC000  }
0x9d: {  	_ =	swait.ge [sflag:s30], $0x100  }
0x9e: {  	[sflag:s30] =	ssyncset.done $0x0  }
0x9f: {  	s9 =	simm.s32 @p1 $0x1;
	[sflag:s30] =	ssyncadd.s32 $0xFFFFFF00  }
0xa0: {  	[tilespmem:s23], [sflag:$0x2] =	stream.indirect.gather [hbm4b:s1+s21], $0x80, s25, s21, $0xb8;
	[tilespmem:$0x1C400] =	vst v63  }
0xa1: {  	_ =	swait.ge @p1 [sflag:s9], $0x4000  }
0xa2: {  	s17 =	simm.s32 @p1 $0x14280;
	s11 =	simm.s32 @p1 $0x14400;
	[sflag:s9] =	ssyncset.done @p1 $0x0  }
0xa3: {  	s12 =	simm.s32 @p1 $0x80;
	[sflag:s9] =	ssyncadd.s32 @p1 $0xFFFFC000;
	s9 =	simm.s32 @p1 $0x7  }
0xa4: {  	[spmem:s3] =	stream.indirect.scatter.add.f32 @p1 [tilespmem:s11], [sflag:$0x7], $0x80, s17, s12, $0xb8;
	[tilespmem:$0x1C400] =	vst v63  }
0xa5: {  	_ =	swait.ge @p1 [sflag:s9], $0x4000  }
0xa6: {  	s10 =	sadd.s32 @!p1 $0xA0, s8;
	[sflag:s9] =	ssyncset.done @p1 $0x0  }
0xa7: {  	s11 =	simm.s32 @!p1 $0x14100;
	[sflag:s9] =	ssyncadd.s32 @p1 $0xFFFFC000;
	s9 =	simm.s32 @!p1 $0x1  }
0xa8: {  	[tilespmem:s11], [sflag:$0x4] =	stream.linear.gather @!p1 [hbm4b:s10+s7], $0x100, $0x38;
	[tilespmem:$0x1C400] =	vst v63  }
0xa9: {  	_ =	swait.ge @!p1 [sflag:s9], $0x4000  }
0xaa: {  	s12 =	simm.s32 @!p1 $0x14280;
	s10 =	simm.s32 @!p1 $0x14400;
	[sflag:s9] =	ssyncset.done @!p1 $0x0  }
0xab: {  	s11 =	simm.s32 @!p1 $0x80;
	[sflag:s9] =	ssyncadd.s32 @!p1 $0xFFFFC000;
	s9 =	simm.s32 @!p1 $0x7  }
0xac: {  	[spmem:s3] =	stream.indirect.scatter.add.f32 @!p1 [tilespmem:s10], [sflag:$0x7], $0x80, s12, s11, $0xb8;
	[tilespmem:$0x1C400] =	vst v63  }
0xad: {  	_ =	swait.ge @!p1 [sflag:s9], $0x4000  }
0xae: {  	[sflag:s9] =	ssyncset.done @!p1 $0x0  }
0xaf: {  	s12 =	simm.s32 @!p1 $0x3;
	[sflag:s9] =	ssyncadd.s32 @!p1 $0xFFFFC000  }
0xb0: {  	_ =	swait.ge @!p1 [sflag:s12], $0x100  }
0xb1: {  	[sflag:s12] =	ssyncset.done @!p1 $0x0  }
0xb2: {  	s0 =	sadd.s32 $0x80, s0;
	[sflag:s12] =	ssyncadd.s32 @!p1 $0xFFFFFF00  }
0xb3: {  	[tilespmem:s10], [sflag:$0x1] =	stream.indirect.gather @!p1 [hbm4b:s1+s11], $0x80, s2, s11, $0xb8;
	[tilespmem:$0x1C400] =	vst v63  }
0xb4: {  	p0 =	sne.s32 s0, $0xA00;
	s8 =	sadd.s32 @!p1 $0xC0, s8;
	s9 =	simm.s32 @!p1 $0x14200  }
0xb5: {  	[tilespmem:s9], [sflag:$0x5] =	stream.linear.gather @!p1 [hbm4b:s8+s7], $0x100, $0x38;
	[tilespmem:$0x1C400] =	vst v63  }
.Ltmp1:
0xb6: {  	_ =	swait.ge [sflag:s29], $0x4000;
	(pc) =	sbr.rel @p0 .LBB2_4-.Ltmp1, $4  }
0xb7: {  	[sflag:s29] =	ssyncset.done $0x0  }
0xb8: {  	s17 =	rddreg [dreg:$0x6];
	[sflag:s29] =	ssyncadd.s32 $0xFFFFC000  }
0xb9: {  	[spmem:s3] =	stream.indirect.scatter.add.f32 [tilespmem:s23], [sflag:$0x7], $0x80, s17, s21, $0xb8;
	[tilespmem:$0x1C400] =	vst v63  }
0xba: {  	_ =	swait.ge [sflag:s16], $0x4000  }
0xbb: {  	[sflag:s16] =	ssyncset.done $0x0;
	s0 =	stileid.u32  }
0xbc: {  	[sflag:s16] =	ssyncadd.s32 $0xFFFFC000;
	s0 =	sshll.u32 s0, $0x6  }
0xbd: {  	s2 =	sshrl.u32 s6, $0x3;
	[bflag:$0x0] =	sbarrier.arrive $0xFFFF;
	s0 =	sor.u32 $0x1C07, s0  }
0xbe: {  	[hbm:s24], [sflag:s0] =	dma.local [spmem:s2], $0x2800  }
0xbf: {  	_ =	swait.ge [sflag:s16], $0x2800  }
0xc0: {  	s31 =	sadd.s32 $0x1, s31;
	s17 =	rddreg [dreg:$0x9]  }
0xc1: {  	p0 =	sne.s32 s31, s17  }
.Ltmp2:
0xc2: {  	_ = 	snop;
	(pc) =	sbr.rel @p0 .LBB2_1-.Ltmp2, $3  }
0xc3: {  	_ =	sdelay $0x1  }
0xc4: {  	[sflag:s16] =	ssyncset.done $0x0  }
0xc5: {  	[sflag:s16] =	ssyncadd.s32 $0xFFFFD800  }
0xc6: {  	_ =	sfence.sel $0x180000  }
0xc7: {  	[bflag:$0x0] =	sbarrier.arrive $0xFFFF  }
0xc8: {  	_ =	strace $0x9000004A  }
0xc9: {  	s0 =	stileid.u32;
	[bflag:$0x2] =	sbarrier.arrive $0xFFFF  }
0xca: {  	p0 =	sne.s32 s0, $0x0;
	s0 =	rddreg [dreg:$0x3]  }
0xcb: {  	s0 =	sadd.s32 @!p0 $0x100000, s0  }
0xcc: {  	[sflag:s0] =	ssyncadd.tile.s32 @!p0 $0x1;
	_ =	shalt  }
.Lfunc_end2:
_tile_overlayer_lowered:
.L_overlay_start_2:
0xcd: {  	(tag) =	ssettag $0x2  }
0xce: {  	s0 =	rddreg [dreg:$0x0];
	s2 =	stileid.u32  }
0xcf: {  	s1 =	rddreg [dreg:$0x1];
	p0 =	sne.s32 s2, $0x0  }
0xd0: {  	s3 =	rddreg [dreg:$0x2];
	[bflag:$0x3] =	sbarrier.arrive $0xFFFF;
	s2 =	simm.s32 @!p0 $0x1C07  }
0xd1: {  	[timem:s3], [sflag:s2] =	dma.local @!p0 [hbm:s0], s1  }
0xd2: {  	s0 =	simm.s32 @!p0 $0x7  }
0xd3: {  	_ =	swait.ge @!p0 [sflag:s0], s1  }
0xd4: {  	s1 =	ssub.s32 @!p0 $0x0, s1;
	[sflag:s0] =	ssyncset.done @!p0 $0x0  }
0xd5: {  	[sflag:s0] =	ssyncadd.s32 @!p0 s1  }
0xd6: {  	[bflag:$0x3] =	sbarrier.arrive $0xFFFF  }
0xd7: {  	_ =	shalt  }

// kernel: kernel.14.cloned.1.call-start
scs
__scs_entry_jumppad:
0x0: {  	(pc) =	sbr.rel $0x88, $3  }
0x1: {  	(tag) =	ssettag $0x0;
	lr =	simm.s32 $0x1  }
0x2: {  	[smem:$0x3F9B] =	sst lr;
	_ =	strace $0xD0000000  }
0x3: {  	_ = 	snop  }
0x4: {  	_ = 	snop  }
0x5: {  	_ = 	snop  }
0x6: {  	_ = 	snop  }
0x7: {  	_ = 	snop  }
__scs_overlays_trampoline_lowered:
0x8: {  	[smem:$0x3FAA] =	sst s0  }
0x9: {  	[smem:$0x3FAB] =	sst s1  }
0xa: {  	[smem:$0x3FAC] =	sst s2  }
0xb: {  	[smem:$0x3FAD] =	sst s3  }
0xc: {  	[smem:$0x3FAE] =	sst s4  }
0xd: {  	[smem:$0x3FAF] =	sst s5  }
0xe: {  	[smem:$0x3FB0] =	sst s6  }
0xf: {  	[smem:$0x3FB1] =	sst s7  }
0x10: {  	[smem:$0x3FB2] =	sst s8  }
0x11: {  	[smem:$0x3FB3] =	sst s9;
	s0 =	simm.s32 @!p0 $0x0  }
0x12: {  	s1 =	sld [smem:$0x3F99];
	s0 =	simm.s32 @p0 $0x1  }
0x13: {  	[smem:$0x3FB4] =	sst s0;
	s0 =	simm.s32 @!p1 $0x0  }
0x14: {  	s2 =	sld [smem:$0x3F98];
	s0 =	simm.s32 @p1 $0x1  }
0x15: {  	[smem:$0x3FB5] =	sst s0;
	s0 =	simm.s32 @!p2 $0x0  }
0x16: {  	s3 =	sld [smem:$0x3FDB];
	s0 =	simm.s32 @p2 $0x1  }
0x17: {  	s4 =	simm.s32 $0x1BF5;
	[smem:$0x3FB7] =	sst s0  }
0x18: {  	s0 =	sld [smem:$0x3F9A];
	_ =	swait.ge [sflag:s4], $0x0  }
0x19: {  	s7 =	sld [smem:$0x3F9B]  }
0x1a: {  	s8 =	sadd.s32 $0xFFFFE003, lr  }
0x1b: {  	s9 =	sadd.s32 $0xFFFFFEF7, lr;
	s5 =	simm.s32 $0xFFFFFFFF;
	p2 =	slt.u32 s8, $0xFFFFF086  }
0x1c: {  	p1 =	slt.u32 s9, $0xF7A;
	s5 =	simm.s32 @!p2 $0x0  }
0x1d: {  	s5 =	simm.s32 @p1 $0x1;
	p0 =	seq.s32 s7, s2  }
0x1e: {  	s7 =	smul.u32 @!p0 $0xF7A, s2;
	p2 =	seq.s32 @!p0 s5, $0x0  }
0x1f: {  	s9 =	smul.u32 $0xF7A, s1;
	s8 =	simm.s32 @!p0 $0x1BF5;
	p2 =	por !p2, p0  }
0x20: {  	[sflag:s8] =	ssyncset.s32 @!p0 $0xFFFFF086;
	s6 =	sadd.s32 @!p0 s3, s7;
	s7 =	simm.s32 @!p0 $0x108  }
0x21: {  	s3 =	sadd.s32 s3, s9;
	s6 =	sadd.s32 @!p0 $0x88, s6;
	s7 =	simm.s32 @p2 $0x1082  }
0x22: {  	[simem:s7], [sflag:s8] =	dma.local @!p0 [hbm:s6], $0xF7A  }
0x23: {  	s9 =	sor.u32 $0xD0000000, s2;
	s6 =	simm.s32 $0x108;
	_ =	swait.ge @!p0 [sflag:s8], $0x0  }
0x24: {  	s3 =	sadd.s32 $0x88, s3;
	s6 =	simm.s32 @!p1 $0x1082;
	[sflag:s4] =	ssyncset.s32 $0xFFFFF086  }
0x25: {  	[simem:s6], [sflag:s4] =	dma.local [hbm:s3], $0xF7A  }
0x26: {  	[smem:$0x3F9B] =	sst s1;
	(tag) =	ssettag s2;
	_ =	strace s9  }
0x27: {  	s1 =	sld [smem:$0x3FAB]  }
0x28: {  	s2 =	sld [smem:$0x3FAC]  }
0x29: {  	s4 =	sld [smem:$0x3FAE]  }
0x2a: {  	p0 =	seq.s32 s5, $0x0;
	s5 =	sld [smem:$0x3FAF]  }
0x2b: {  	s6 =	sld [smem:$0x3FB0]  }
0x2c: {  	s7 =	sld [smem:$0x3FB1]  }
0x2d: {  	s3 =	simm.s32 $0x108;
	s8 =	sld [smem:$0x3FB2]  }
0x2e: {  	s3 =	simm.s32 @!p0 $0x1082;
	s9 =	sld [smem:$0x3FB3]  }
0x2f: {  	lr =	sadd.s32 s0, s3;
	s0 =	sld [smem:$0x3FAA]  }
0x30: {  	s3 =	sld [smem:$0x3FAD]  }
0x31: {  	[smem:$0x3FB6] =	sst s10  }
0x32: {  	s10 =	sld [smem:$0x3FB4];
	_ =	sdelay $0x3  }
0x33: {  	p0 =	seq.s32 s10, $0x1;
	s10 =	sld [smem:$0x3FB6];
	_ =	sdelay $0x3  }
0x34: {  	[smem:$0x3FB6] =	sst s10  }
0x35: {  	s10 =	sld [smem:$0x3FB5];
	_ =	sdelay $0x3  }
0x36: {  	p1 =	seq.s32 s10, $0x1;
	s10 =	sld [smem:$0x3FB6];
	_ =	sdelay $0x3  }
0x37: {  	[smem:$0x3FB6] =	sst s10  }
0x38: {  	s10 =	sld [smem:$0x3FB7]  }
0x39: {  	_ = 	snop;
	(pc) =	sbr.ind lr, $3  }
0x3a: {  	_ = 	snop  }
0x3b: {  	_ = 	snop  }
0x3c: {  	p2 =	seq.s32 s10, $0x1;
	s10 =	sld [smem:$0x3FB6]  }
0x3d: {  	_ =	shalt  }
0x3e: {  	_ =	shalt  }
0x3f: {  	_ =	shalt  }
0x40: {  	_ =	shalt  }
0x41: {  	_ =	shalt  }
0x42: {  	_ =	shalt  }
0x43: {  	_ =	shalt  }
0x44: {  	_ =	shalt  }
0x45: {  	_ =	shalt  }
0x46: {  	_ =	shalt  }
0x47: {  	_ =	shalt  }
0x48: {  	_ =	shalt  }
0x49: {  	_ =	shalt  }
0x4a: {  	_ =	shalt  }
0x4b: {  	_ =	shalt  }
0x4c: {  	_ =	shalt  }
0x4d: {  	_ =	shalt  }
0x4e: {  	_ =	shalt  }
0x4f: {  	_ =	shalt  }
0x50: {  	_ =	shalt  }
0x51: {  	_ =	shalt  }
0x52: {  	_ =	shalt  }
0x53: {  	_ =	shalt  }
0x54: {  	_ =	shalt  }
0x55: {  	_ =	shalt  }
0x56: {  	_ =	shalt  }
0x57: {  	_ =	shalt  }
0x58: {  	_ =	shalt  }
0x59: {  	_ =	shalt  }
0x5a: {  	_ =	shalt  }
0x5b: {  	_ =	shalt  }
0x5c: {  	_ =	shalt  }
0x5d: {  	_ =	shalt  }
0x5e: {  	_ =	shalt  }
0x5f: {  	_ =	shalt  }
0x60: {  	_ =	shalt  }
0x61: {  	_ =	shalt  }
0x62: {  	_ =	shalt  }
0x63: {  	_ =	shalt  }
0x64: {  	_ =	shalt  }
0x65: {  	_ =	shalt  }
0x66: {  	_ =	shalt  }
0x67: {  	_ =	shalt  }
0x68: {  	_ =	shalt  }
0x69: {  	_ =	shalt  }
0x6a: {  	_ =	shalt  }
0x6b: {  	_ =	shalt  }
0x6c: {  	_ =	shalt  }
0x6d: {  	_ =	shalt  }
0x6e: {  	_ =	shalt  }
0x6f: {  	_ =	shalt  }
0x70: {  	_ =	shalt  }
0x71: {  	_ =	shalt  }
0x72: {  	_ =	shalt  }
0x73: {  	_ =	shalt  }
0x74: {  	_ =	shalt  }
0x75: {  	_ =	shalt  }
0x76: {  	_ =	shalt  }
0x77: {  	_ =	shalt  }
0x78: {  	_ =	shalt  }
0x79: {  	_ =	shalt  }
0x7a: {  	_ =	shalt  }
0x7b: {  	_ =	shalt  }
0x7c: {  	_ =	shalt  }
0x7d: {  	_ =	shalt  }
0x7e: {  	_ =	shalt  }
0x7f: {  	_ =	shalt  }
0x80: {  	_ =	shalt  }
0x81: {  	_ =	shalt  }
0x82: {  	_ =	shalt  }
0x83: {  	_ =	shalt  }
0x84: {  	_ =	shalt  }
0x85: {  	_ =	shalt  }
0x86: {  	_ =	shalt  }
0x87: {  	_ =	shalt  }
.Lfunc_end0:
.L_simem_size_0:
called_computation.2_lowered:
.L_overlay_start_0:
0x88: {  	s2 =	sld [smem:$0x3FD9]  }
0x89: {  	s3 =	sld [smem:$0x3FFE];
	_ =	sdelay $0x1  }
0x8a: {  	s1 =	srdreg.scid  }
0x8b: {  	s0 =	sand.u32 $0x1, s1  }
0x8c: {  	s17 =	sshll.u32 s0, $0xA;
	s2 =	sadd.s32 s3, s2  }
0x8d: {  	s2 =	sadd.s32 s2, s17  }
0x8e: {  	[smem:$0x3FC2] =	sst s2  }
0x8f: {  	_ = 	snop  }
0x90: {  	s2 =	sld [smem:$0x3FD0];
	(tm) =	ssettm $0x1  }
0x91: {  	s18 =	sld [smem:$0x3FFB];
	_ =	sdelay $0x3  }
0x92: {  	_ =	strace s18  }
0x93: {  	s3 =	sld [smem:$0x3FFC];
	_ =	sdelay $0x3  }
0x94: {  	_ =	strace s3  }
0x95: {  	s3 =	sld [smem:$0x3FFD];
	_ =	sdelay $0x3  }
0x96: {  	_ =	strace s3  }
0x97: {  	_ =	strace $0x8FFFFFFF  }
0x98: {  	s19 =	sld [smem:$0x3FDB];
	_ =	sdelay $0x1  }
0x99: {  	s4 =	simm.s32 $_scs_section_size  }
0x9a: {  	s5 =	simm.s32 $_size__tile_overlayer_lowered;
	s6 =	simm.s32 $_tile_overlayer_lowered  }
0x9b: {  	s22 =	simm.s32 $0x1BFF;
	s21 =	sshll.u32 s6, $0x1;
	s3 =	sadd.s32 s4, s19  }
0x9c: {  	s7 =	simm.s32 $0x0;
	s20 =	sshll.u32 s5, $0x1;
	s5 =	sadd.s32 s21, s3  }
0x9d: {  	[timem:s7], [sflag:s22] =	dma.local [hbm:s5], s20  }
0x9e: {  	_ =	swait.ge [sflag:s22], s20  }
0x9f: {  	s4 =	ssub.s32 $0x0, s20;
	[sflag:s22] =	ssyncset.done $0x0  }
0xa0: {  	[sflag:s22] =	ssyncadd.s32 s4;
	_ =	sdelay $0x1  }
0xa1: {  	s23 =	simm.s32 $0x1B8B  }
0xa2: {  	_ =	swait.ge [sflag:s23], $0x1  }
0xa3: {  	[sflag:s23] =	ssyncset.done $0x0  }
0xa4: {  	s25 =	simm.s32 $0x1B8E;
	s24 =	sld [smem:$0x3FFE];
	[sflag:s23] =	ssyncadd.s32 $0xFFFFFFFF  }
0xa5: {  	s26 =	simm.s32 $execute0_lowered;
	[smem:$0x3FD2] =	sst s25  }
0xa6: {  	s5 =	sshll.u32 s26, $0x1;
	_ =	strace $0x8000004C;
	[dreg:$0x1] =	wrdreg $0xFFFFFFFF  }
0xa7: {  	s28 =	simm.s32 $_size_execute0_lowered;
	s3 =	sadd.s32 s3, s5;
	[dreg:$0x0] =	wrdreg $0x0  }
0xa8: {  	s5 =	sshll.u32 s28, $0x1;
	[dreg:$0x2] =	wrdreg s3  }
0xa9: {  	[dreg:$0x3] =	wrdreg s5  }
0xaa: {  	[dreg:$0x4] =	wrdreg $0xC0  }
0xab: {  	_ =	task [dreg:s7], $0x5FFFF  }
0xac: {  	[dreg:$0x1] =	wrdreg $0xFFFFFFFF  }
0xad: {  	[dreg:$0x0] =	wrdreg $0x60  }
0xae: {  	[dreg:$0x2] =	wrdreg s2  }
0xaf: {  	[dreg:$0x3] =	wrdreg s24  }
0xb0: {  	[dreg:$0x4] =	wrdreg $0x0  }
0xb1: {  	[dreg:$0x5] =	wrdreg $0x9  }
0xb2: {  	_ =	task.clear_ibuf [dreg:s7], $0x6FFFF;
	_ =	strace $0x9000004C  }
0xb3: {  	s29 =	simm.s32 $0x9;
	_ =	strace $0x8000004E  }
0xb4: {  	_ =	swait.ge [sflag:s29], $0x1  }
0xb5: {  	[sflag:s29] =	ssyncadd.s32 $0xFFFFFFFF  }
0xb6: {  	_ =	strace $0x9000004E  }
0xb7: {  	_ =	sfence  }
0xb8: {  	s30 =	sld [smem:$0x0];
	_ =	sdelay $0x2  }
0xb9: {  	s31 =	sshll.u32 s1, $0xD;
	s1 =	sshrl.u32 s1, $0x2  }
0xba: {  	s3 =	sand.u32 $0x4000, s31;
	s1 =	sadd.s32 s1, s30  }
0xbb: {  	s0 =	sor.u32 s3, s0;
	s1 =	sshll.u32 s1, $0x11  }
0xbc: {  	s0 =	sor.u32 s1, s0  }
0xbd: {  	s0 =	sadd.s32 $0x8F2B, s0  }
0xbe: {  	[sflag:s0] =	ssyncadd.remote.s32 $0x1  }
0xbf: {  	_ =	sfence.sel $0xFFFF  }
0xc0: {  	[dreg:$0x0] =	wrdreg $0xFFFFFFFF;
	(pc) =	sbr.abs _section_cstart, $3  }
0xc1: {  	[dreg:$0x1] =	wrdreg $0xFFFFFFFF  }
0xc2: {  	_ =	task.clear_ibuf [dreg:s7], $0x2FFFF;
	_ =	strace $0x9FFFFFFF  }
0xc3: {  	(tm) =	ssettm $0x7FFFFFFF  }
tec
execute0_lowered:
.L_overlay_start_1:
0x0: {  	(tag) =	ssettag $0x1  }
0x1: {  	s1 =	rddreg [dreg:$0x0]  }
0x2: {  	s0 =	rddreg [dreg:$0x1]  }
0x3: {  	s3 =	rddreg [dreg:$0x2]  }
0x4: {  	s2 =	srdreg.scid;
	s9 =	stileid.u32  }
0x5: {  	s4 =	simm.s32 $0x0;
	s18 =	simm.s32 $0x14100;
	s19 =	simm.s32 $0x14200  }
0x6: {  	s24 =	simm.s32 $0x14080;
	s25 =	simm.s32 $0x14180;
	s26 =	simm.s32 $0x14380  }
0x7: {  	s28 =	simm.s32 $0x5;
	s29 =	simm.s32 $0x2;
	s7 =	smul.u32 $0x50000, s9  }
0x8: {  	s30 =	simm.s32 $0x6;
	s31 =	simm.s32 $0x0;
	s17 =	smul.u32 $0x2800, s9  }
0x9: {  	s2 =	sand.u32 $0x1, s2;
	s6 =	sshll.u32 s9, $0x1;
	s14 =	smul.u32 $0x1400, s9  }
0xa: {  	[smem:$0x7FF] =	sst s4;
	s13 =	sadd.s32 $0x2A00, s0;
	s5 =	smul.u32 $0x28000, s2  }
0xb: {  	s6 =	sor.u32 s2, s6;
	_ =	strace $0x8000004D;
	[dreg:$0x4] =	wrdreg s24  }
0xc: {  	s8 =	ssub.s32 $0x2, s2;
	s2 =	smul.u32 $0xA00, s2;
	[dreg:$0x5] =	wrdreg s25  }
0xd: {  	[dreg:$0x6] =	wrdreg s26;
	s25 =	simm.s32 $0x14300;
	s26 =	simm.s32 $0x1  }
0xe: {  	s6 =	smul.u32 $0xA00, s6;
	s15 =	sshrl.u32 s8, $0x1;
	s7 =	sshrl.u32 s7, $0x2  }
0xf: {  	s23 =	sadd.s32 s14, s13;
	s0 =	sadd.s32 s5, s0;
	s8 =	ssub.s32 s8, s15  }
0x10: {  	s14 =	sadd.s32 s2, s23;
	s5 =	sadd.s32 s13, s6;
	s8 =	smax.u32 s8, $0x1  }
0x11: {  	s15 =	simm.s32 $0x14400;
	s16 =	sadd.s32 $0x20, s5;
	[dreg:$0x9] =	wrdreg s8  }
0x12: {  	s6 =	sadd.s32 s7, s3;
	s10 =	sadd.s32 $0x40, s5;
	[dreg:$0x7] =	wrdreg s16  }
0x13: {  	s23 =	simm.s32 $0x18400;
	s20 =	sadd.s32 $0x4000, s6;
	[dreg:$0x8] =	wrdreg s10  }
0x14: {  	s0 =	sadd.s32 $0x16A00, s0;
	s21 =	sadd.s32 $0x8000, s6;
	[dreg:$0xa] =	wrdreg s20  }
0x15: {  	s22 =	sadd.s32 $0xC000, s6;
	s13 =	sadd.s32 $0x10000, s6;
	[dreg:$0xb] =	wrdreg s21  }
0x16: {  	s24 =	sadd.s32 s17, s0;
	[dreg:$0xc] =	wrdreg s22;
	s16 =	simm.s32 $0x7  }
0x17: {  	v0 =	vimm.f32 $0.0e+00;
	s20 =	simm.s32 $0x3;
	s21 =	simm.s32 $0x80;
	s22 =	simm.s32 $0x4  }
.LBB2_1:
0x18: {  	s0 =	simm.s32 $0x0;
	s2 =	simm.s32 $0x200  }
.LBB2_2:
0x19: {  	p0 =	sne.s32 s2, $0xFE00;
	[tilespmem:s0+$0x14470] =	vst v0  }
0x1a: {  	[tilespmem:s0+$0x14400] =	vst v0  }
0x1b: {  	[tilespmem:s0+$0x14410] =	vst v0  }
.Ltmp0:
0x1c: {  	[tilespmem:s0+$0x14420] =	vst v0;
	(pc) =	sbr.rel @p0 .LBB2_2-.Ltmp0, $4  }
0x1d: {  	[tilespmem:s0+$0x14430] =	vst v0  }
0x1e: {  	[tilespmem:s0+$0x14440] =	vst v0  }
0x1f: {  	[tilespmem:s0+$0x14450] =	vst v0  }
0x20: {  	[tilespmem:s0+$0x14460] =	vst v0;
	s0 =	sshra.s32 s2, $0x2;
	s2 =	sadd.s32 $0x200, s2  }
0x21: {  	[tilespmem:s0+$0x14470] =	vst v0  }
0x22: {  	[tilespmem:s0+$0x14400] =	vst v0  }
0x23: {  	[tilespmem:s0+$0x14410] =	vst v0  }
0x24: {  	[tilespmem:s0+$0x14420] =	vst v0  }
0x25: {  	[tilespmem:s0+$0x14430] =	vst v0  }
0x26: {  	[tilespmem:s0+$0x14440] =	vst v0  }
0x27: {  	[tilespmem:s0+$0x14450] =	vst v0  }
0x28: {  	[tilespmem:s0+$0x14460] =	vst v0  }
0x29: {  	[spmem:s6] =	stream.linear.scatter [tilespmem:s15], [sflag:$0x7], $0x4000, $0x38;
	[tilespmem:$0x1C400] =	vst v63  }
0x2a: {  	_ =	swait.ge [sflag:s16], $0x4000  }
0x2b: {  	[sflag:s16] =	ssyncset.done $0x0  }
0x2c: {  	s17 =	rddreg [dreg:$0xa];
	[sflag:s16] =	ssyncadd.s32 $0xFFFFC000  }
0x2d: {  	[spmem:s17] =	stream.linear.scatter [tilespmem:s15], [sflag:$0x7], $0x4000, $0x38;
	[tilespmem:$0x1C400] =	vst v63  }
0x2e: {  	_ =	swait.ge [sflag:s16], $0x4000  }
0x2f: {  	[sflag:s16] =	ssyncset.done $0x0  }
0x30: {  	s2 =	rddreg [dreg:$0xb];
	[sflag:s16] =	ssyncadd.s32 $0xFFFFC000  }
0x31: {  	[spmem:s2] =	stream.linear.scatter [tilespmem:s15], [sflag:$0x7], $0x4000, $0x38;
	[tilespmem:$0x1C400] =	vst v63  }
0x32: {  	_ =	swait.ge [sflag:s16], $0x4000  }
0x33: {  	[sflag:s16] =	ssyncset.done $0x0  }
0x34: {  	s7 =	rddreg [dreg:$0xc];
	[sflag:s16] =	ssyncadd.s32 $0xFFFFC000  }
0x35: {  	[spmem:s7] =	stream.linear.scatter [tilespmem:s15], [sflag:$0x7], $0x4000, $0x38;
	[tilespmem:$0x1C400] =	vst v63  }
0x36: {  	_ =	swait.ge [sflag:s16], $0x4000  }
0x37: {  	[sflag:s16] =	ssyncset.done $0x0  }
0x38: {  	[sflag:s16] =	ssyncadd.s32 $0xFFFFC000  }
0x39: {  	[spmem:s13] =	stream.linear.scatter [tilespmem:s15], [sflag:$0x7], $0x4000, $0x38;
	[tilespmem:$0x1C400] =	vst v63  }
0x3a: {  	_ =	swait.ge [sflag:s16], $0x4000  }
0x3b: {  	[sflag:s16] =	ssyncset.done $0x0  }
0x3c: {  	[sflag:s16] =	ssyncadd.s32 $0xFFFFC000  }
0x3d: {  	s8 =	simm.s32 $0x0;
	s7 =	simm.s32 $0x14000;
	[bflag:$0x0] =	sbarrier.arrive $0xFFFF  }
0x3e: {  	[tilespmem:s7], [sflag:$0x3] =	stream.linear.gather [hbm4b:s5+s8], $0x100, $0x38;
	[tilespmem:$0x1C400] =	vst v63  }
0x3f: {  	s2 =	rddreg [dreg:$0x7]  }
0x40: {  	[tilespmem:s18], [sflag:$0x4] =	stream.linear.gather [hbm4b:s2+s8], $0x100, $0x38;
	[tilespmem:$0x1C400] =	vst v63  }
0x41: {  	s9 =	rddreg [dreg:$0x8]  }
0x42: {  	[tilespmem:s19], [sflag:$0x5] =	stream.linear.gather [hbm4b:s9+s8], $0x100, $0x38;
	[tilespmem:$0x1C400] =	vst v63  }
0x43: {  	_ =	swait.ge [sflag:s20], $0x100  }
0x44: {  	[sflag:s20] =	ssyncset.done $0x0  }
0x45: {  	[sflag:s20] =	ssyncadd.s32 $0xFFFFFF00  }
0x46: {  	[tilespmem:s15], [sflag:$0x1] =	stream.indirect.gather [hbm4b:s1+s21], $0x80, s7, s21, $0xb8;
	[tilespmem:$0x1C400] =	vst v63  }
0x47: {  	_ =	swait.ge [sflag:s22], $0x100  }
0x48: {  	[sflag:s22] =	ssyncset.done $0x0  }
0x49: {  	s10 =	sadd.s32 $0x0, s14;
	[sflag:s22] =	ssyncadd.s32 $0xFFFFFF00  }
0x4a: {  	[tilespmem:s23], [sflag:$0x2] =	stream.indirect.gather [hbm4b:s1+s21], $0x80, s18, s21, $0xb8;
	[tilespmem:$0x1C400] =	vst v63  }
0x4b: {  	s0 =	sadd.s32 $0x60, s10  }
0x4c: {  	[tilespmem:s25], [sflag:$0x6] =	stream.linear.gather [hbm4b:s0+s4], $0x100, $0x38;
	[tilespmem:$0x1C400] =	vst v63  }
0x4d: {  	_ =	swait.ge [sflag:s26], $0x4000  }
0x4e: {  	[sflag:s26] =	ssyncset.done $0x0  }
0x4f: {  	s11 =	rddreg [dreg:$0x4];
	[sflag:s26] =	ssyncadd.s32 $0xFFFFC000  }
0x50: {  	[spmem:s3] =	stream.indirect.scatter.add.f32 [tilespmem:s15], [sflag:$0x7], $0x80, s11, s21, $0xb8;
	[tilespmem:$0x1C400] =	vst v63  }
0x51: {  	_ =	swait.ge [sflag:s16], $0x4000  }
0x52: {  	[sflag:s16] =	ssyncset.done $0x0  }
0x53: {  	[sflag:s16] =	ssyncadd.s32 $0xFFFFC000  }
0x54: {  	_ =	swait.ge [sflag:s28], $0x100  }
0x55: {  	p0 =	por $0x0, $0x0;
	[sflag:s28] =	ssyncset.done $0x0  }
0x56: {  	s0 =	sadd.s32 @!p0 $0x0, s14;
	[sflag:s28] =	ssyncadd.s32 $0xFFFFFF00  }
0x57: {  	[tilespmem:s15], [sflag:$0x1] =	stream.indirect.gather [hbm4b:s1+s21], $0x80, s19, s21, $0xb8;
	[tilespmem:$0x1C400] =	vst v63  }
0x58: {  	s2 =	simm.s32 @!p0 $0x14000;
	s8 =	simm.s32 @!p0 $0x0;
	s7 =	sadd.s32 @!p0 $0x80, s0  }
0x59: {  	[tilespmem:s2], [sflag:$0x3] =	stream.linear.gather @!p0 [hbm4b:s7+s8], $0x100, $0x38;
	[tilespmem:$0x1C400] =	vst v63  }
0x5a: {  	_ =	swait.ge [sflag:s29], $0x4000  }
0x5b: {  	[sflag:s29] =	ssyncset.done $0x0  }
0x5c: {  	s12 =	rddreg [dreg:$0x5];
	[sflag:s29] =	ssyncadd.s32 $0xFFFFC000  }
0x5d: {  	[spmem:s3] =	stream.indirect.scatter.add.f32 [tilespmem:s23], [sflag:$0x7], $0x80, s12, s21, $0xb8;
	[tilespmem:$0x1C400] =	vst v63  }
0x5e: {  	_ =	swait.ge [sflag:s16], $0x4000  }
0x5f: {  	[sflag:s16] =	ssyncset.done $0x0  }
0x60: {  	[sflag:s16] =	ssyncadd.s32 $0xFFFFC000  }
0x61: {  	_ =	swait.ge [sflag:s30], $0x100  }
0x62: {  	[sflag:s30] =	ssyncset.done $0x0  }
0x63: {  	s7 =	simm.s32 @p0 $0x1;
	[sflag:s30] =	ssyncadd.s32 $0xFFFFFF00  }
0x64: {  	[tilespmem:s23], [sflag:$0x2] =	stream.indirect.gather [hbm4b:s1+s21], $0x80, s25, s21, $0xb8;
	[tilespmem:$0x1C400] =	vst v63  }
0x65: {  	_ =	swait.ge @p0 [sflag:s7], $0x4000  }
0x66: {  	s10 =	simm.s32 @p0 $0x80;
	[sflag:s7] =	ssyncset.done @p0 $0x0  }
0x67: {  	s9 =	simm.s32 @p0 $0x14400;
	[sflag:s7] =	ssyncadd.s32 @p0 $0xFFFFC000;
	s7 =	simm.s32 @p0 $0x14280  }
0x68: {  	[spmem:s3] =	stream.indirect.scatter.add.f32 @p0 [tilespmem:s9], [sflag:$0x7], $0x80, s7, s10, $0xb8;
	[tilespmem:$0x1C400] =	vst v63  }
0x69: {  	s7 =	simm.s32 @p0 $0x7  }
0x6a: {  	_ =	swait.ge @p0 [sflag:s7], $0x4000  }
0x6b: {  	s9 =	sadd.s32 @!p0 $0xA0, s0;
	[sflag:s7] =	ssyncset.done @p0 $0x0  }
0x6c: {  	s10 =	simm.s32 @!p0 $0x14100;
	[sflag:s7] =	ssyncadd.s32 @p0 $0xFFFFC000;
	s7 =	simm.s32 @!p0 $0x1  }
0x6d: {  	[tilespmem:s10], [sflag:$0x4] =	stream.linear.gather @!p0 [hbm4b:s9+s8], $0x100, $0x38;
	[tilespmem:$0x1C400] =	vst v63  }
0x6e: {  	_ =	swait.ge @!p0 [sflag:s7], $0x4000  }
0x6f: {  	s9 =	simm.s32 @!p0 $0x14400;
	[sflag:s7] =	ssyncset.done @!p0 $0x0  }
0x70: {  	s10 =	simm.s32 @!p0 $0x80;
	[sflag:s7] =	ssyncadd.s32 @!p0 $0xFFFFC000;
	s7 =	simm.s32 @!p0 $0x14280  }
0x71: {  	[spmem:s3] =	stream.indirect.scatter.add.f32 @!p0 [tilespmem:s9], [sflag:$0x7], $0x80, s7, s10, $0xb8;
	[tilespmem:$0x1C400] =	vst v63  }
0x72: {  	s7 =	simm.s32 @!p0 $0x7  }
0x73: {  	_ =	swait.ge @!p0 [sflag:s7], $0x4000  }
0x74: {  	[sflag:s7] =	ssyncset.done @!p0 $0x0  }
0x75: {  	[sflag:s7] =	ssyncadd.s32 @!p0 $0xFFFFC000;
	s7 =	simm.s32 @!p0 $0x3  }
0x76: {  	_ =	swait.ge @!p0 [sflag:s7], $0x100  }
0x77: {  	[sflag:s7] =	ssyncset.done @!p0 $0x0  }
0x78: {  	[sflag:s7] =	ssyncadd.s32 @!p0 $0xFFFFFF00  }
0x79: {  	[tilespmem:s9], [sflag:$0x1] =	stream.indirect.gather @!p0 [hbm4b:s1+s10], $0x80, s2, s10, $0xb8;
	[tilespmem:$0x1C400] =	vst v63  }
0x7a: {  	s0 =	sadd.s32 @!p0 $0xC0, s0;
	s2 =	simm.s32 @!p0 $0x14200  }
0x7b: {  	[tilespmem:s2], [sflag:$0x5] =	stream.linear.gather @!p0 [hbm4b:s0+s8], $0x100, $0x38;
	[tilespmem:$0x1C400] =	vst v63  }
0x7c: {  	_ =	swait.ge [sflag:s29], $0x4000  }
0x7d: {  	[sflag:s29] =	ssyncset.done $0x0  }
0x7e: {  	s17 =	rddreg [dreg:$0x6];
	[sflag:s29] =	ssyncadd.s32 $0xFFFFC000  }
0x7f: {  	[spmem:s3] =	stream.indirect.scatter.add.f32 [tilespmem:s23], [sflag:$0x7], $0x80, s17, s21, $0xb8;
	[tilespmem:$0x1C400] =	vst v63  }
0x80: {  	s0 =	simm.s32 $0x80;
	_ =	swait.ge [sflag:s16], $0x4000  }
.LBB2_4:
0x81: {  	[sflag:s16] =	ssyncset.done $0x0  }
0x82: {  	[sflag:s16] =	ssyncadd.s32 $0xFFFFC000  }
0x83: {  	_ =	swait.ge [sflag:s22], $0x100  }
0x84: {  	s2 =	smov.u32 s0;
	[sflag:s22] =	ssyncset.done $0x0  }
0x85: {  	s7 =	sadd.s32 s2, s14;
	[sflag:s22] =	ssyncadd.s32 $0xFFFFFF00  }
0x86: {  	[tilespmem:s23], [sflag:$0x2] =	stream.indirect.gather [hbm4b:s1+s21], $0x80, s18, s21, $0xb8;
	[tilespmem:$0x1C400] =	vst v63  }
0x87: {  	s7 =	sadd.s32 $0x60, s7  }
0x88: {  	[tilespmem:s25], [sflag:$0x6] =	stream.linear.gather [hbm4b:s7+s4], $0x100, $0x38;
	[tilespmem:$0x1C400] =	vst v63  }
0x89: {  	_ =	swait.ge [sflag:s26], $0x4000  }
0x8a: {  	[sflag:s26] =	ssyncset.done $0x0  }
0x8b: {  	s11 =	rddreg [dreg:$0x4];
	[sflag:s26] =	ssyncadd.s32 $0xFFFFC000  }
0x8c: {  	[spmem:s3] =	stream.indirect.scatter.add.f32 [tilespmem:s15], [sflag:$0x7], $0x80, s11, s21, $0xb8;
	[tilespmem:$0x1C400] =	vst v63  }
0x8d: {  	_ =	swait.ge [sflag:s16], $0x4000  }
0x8e: {  	[sflag:s16] =	ssyncset.done $0x0  }
0x8f: {  	[sflag:s16] =	ssyncadd.s32 $0xFFFFC000  }
0x90: {  	_ =	swait.ge [sflag:s28], $0x100  }
0x91: {  	p1 =	seq.s32 s2, $0x980;
	[sflag:s28] =	ssyncset.done $0x0  }
0x92: {  	s8 =	sadd.s32 @!p1 s2, s14;
	[sflag:s28] =	ssyncadd.s32 $0xFFFFFF00  }
0x93: {  	[tilespmem:s15], [sflag:$0x1] =	stream.indirect.gather [hbm4b:s1+s21], $0x80, s19, s21, $0xb8;
	[tilespmem:$0x1C400] =	vst v63  }
0x94: {  	s2 =	simm.s32 @!p1 $0x14000;
	s9 =	sadd.s32 @!p1 $0x80, s8;
	s7 =	simm.s32 @!p1 $0x0  }
0x95: {  	[tilespmem:s2], [sflag:$0x3] =	stream.linear.gather @!p1 [hbm4b:s9+s7], $0x100, $0x38;
	[tilespmem:$0x1C400] =	vst v63  }
0x96: {  	_ =	swait.ge [sflag:s29], $0x4000  }
0x97: {  	[sflag:s29] =	ssyncset.done $0x0  }
0x98: {  	s12 =	rddreg [dreg:$0x5];
	[sflag:s29] =	ssyncadd.s32 $0xFFFFC000  }
0x99: {  	[spmem:s3] =	stream.indirect.scatter.add.f32 [tilespmem:s23], [sflag:$0x7], $0x80, s12, s21, $0xb8;
	[tilespmem:$0x1C400] =	vst v63  }
0x9a: {  	_ =	swait.ge [sflag:s16], $0x4000  }
0x9b: {  	[sflag:s16] =	ssyncset.done $0x0  }
0x9c: {  	[sflag:s16] =	ssyncadd.s32 $0xFFFFC000  }
0x9d: {  	_ =	swait.ge [sflag:s30], $0x100  }
0x9e: {  	[sflag:s30] =	ssyncset.done $0x0  }
0x9f: {  	s9 =	simm.s32 @p1 $0x1;
	[sflag:s30] =	ssyncadd.s32 $0xFFFFFF00  }
0xa0: {  	[tilespmem:s23], [sflag:$0x2] =	stream.indirect.gather [hbm4b:s1+s21], $0x80, s25, s21, $0xb8;
	[tilespmem:$0x1C400] =	vst v63  }
0xa1: {  	_ =	swait.ge @p1 [sflag:s9], $0x4000  }
0xa2: {  	s17 =	simm.s32 @p1 $0x14280;
	s11 =	simm.s32 @p1 $0x14400;
	[sflag:s9] =	ssyncset.done @p1 $0x0  }
0xa3: {  	s12 =	simm.s32 @p1 $0x80;
	[sflag:s9] =	ssyncadd.s32 @p1 $0xFFFFC000;
	s9 =	simm.s32 @p1 $0x7  }
0xa4: {  	[spmem:s3] =	stream.indirect.scatter.add.f32 @p1 [tilespmem:s11], [sflag:$0x7], $0x80, s17, s12, $0xb8;
	[tilespmem:$0x1C400] =	vst v63  }
0xa5: {  	_ =	swait.ge @p1 [sflag:s9], $0x4000  }
0xa6: {  	s10 =	sadd.s32 @!p1 $0xA0, s8;
	[sflag:s9] =	ssyncset.done @p1 $0x0  }
0xa7: {  	s11 =	simm.s32 @!p1 $0x14100;
	[sflag:s9] =	ssyncadd.s32 @p1 $0xFFFFC000;
	s9 =	simm.s32 @!p1 $0x1  }
0xa8: {  	[tilespmem:s11], [sflag:$0x4] =	stream.linear.gather @!p1 [hbm4b:s10+s7], $0x100, $0x38;
	[tilespmem:$0x1C400] =	vst v63  }
0xa9: {  	_ =	swait.ge @!p1 [sflag:s9], $0x4000  }
0xaa: {  	s12 =	simm.s32 @!p1 $0x14280;
	s10 =	simm.s32 @!p1 $0x14400;
	[sflag:s9] =	ssyncset.done @!p1 $0x0  }
0xab: {  	s11 =	simm.s32 @!p1 $0x80;
	[sflag:s9] =	ssyncadd.s32 @!p1 $0xFFFFC000;
	s9 =	simm.s32 @!p1 $0x7  }
0xac: {  	[spmem:s3] =	stream.indirect.scatter.add.f32 @!p1 [tilespmem:s10], [sflag:$0x7], $0x80, s12, s11, $0xb8;
	[tilespmem:$0x1C400] =	vst v63  }
0xad: {  	_ =	swait.ge @!p1 [sflag:s9], $0x4000  }
0xae: {  	[sflag:s9] =	ssyncset.done @!p1 $0x0  }
0xaf: {  	s12 =	simm.s32 @!p1 $0x3;
	[sflag:s9] =	ssyncadd.s32 @!p1 $0xFFFFC000  }
0xb0: {  	_ =	swait.ge @!p1 [sflag:s12], $0x100  }
0xb1: {  	[sflag:s12] =	ssyncset.done @!p1 $0x0  }
0xb2: {  	s0 =	sadd.s32 $0x80, s0;
	[sflag:s12] =	ssyncadd.s32 @!p1 $0xFFFFFF00  }
0xb3: {  	[tilespmem:s10], [sflag:$0x1] =	stream.indirect.gather @!p1 [hbm4b:s1+s11], $0x80, s2, s11, $0xb8;
	[tilespmem:$0x1C400] =	vst v63  }
0xb4: {  	p0 =	sne.s32 s0, $0xA00;
	s8 =	sadd.s32 @!p1 $0xC0, s8;
	s9 =	simm.s32 @!p1 $0x14200  }
0xb5: {  	[tilespmem:s9], [sflag:$0x5] =	stream.linear.gather @!p1 [hbm4b:s8+s7], $0x100, $0x38;
	[tilespmem:$0x1C400] =	vst v63  }
.Ltmp1:
0xb6: {  	_ =	swait.ge [sflag:s29], $0x4000;
	(pc) =	sbr.rel @p0 .LBB2_4-.Ltmp1, $4  }
0xb7: {  	[sflag:s29] =	ssyncset.done $0x0  }
0xb8: {  	s17 =	rddreg [dreg:$0x6];
	[sflag:s29] =	ssyncadd.s32 $0xFFFFC000  }
0xb9: {  	[spmem:s3] =	stream.indirect.scatter.add.f32 [tilespmem:s23], [sflag:$0x7], $0x80, s17, s21, $0xb8;
	[tilespmem:$0x1C400] =	vst v63  }
0xba: {  	_ =	swait.ge [sflag:s16], $0x4000  }
0xbb: {  	[sflag:s16] =	ssyncset.done $0x0;
	s0 =	stileid.u32  }
0xbc: {  	[sflag:s16] =	ssyncadd.s32 $0xFFFFC000;
	s0 =	sshll.u32 s0, $0x6  }
0xbd: {  	s2 =	sshrl.u32 s6, $0x3;
	[bflag:$0x0] =	sbarrier.arrive $0xFFFF;
	s0 =	sor.u32 $0x1C07, s0  }
0xbe: {  	[hbm:s24], [sflag:s0] =	dma.local [spmem:s2], $0x2800  }
0xbf: {  	_ =	swait.ge [sflag:s16], $0x2800  }
0xc0: {  	s31 =	sadd.s32 $0x1, s31;
	s17 =	rddreg [dreg:$0x9]  }
0xc1: {  	p0 =	sne.s32 s31, s17  }
.Ltmp2:
0xc2: {  	_ = 	snop;
	(pc) =	sbr.rel @p0 .LBB2_1-.Ltmp2, $3  }
0xc3: {  	_ =	sdelay $0x1  }
0xc4: {  	[sflag:s16] =	ssyncset.done $0x0  }
0xc5: {  	[sflag:s16] =	ssyncadd.s32 $0xFFFFD800  }
0xc6: {  	_ =	sfence.sel $0x180000  }
0xc7: {  	[bflag:$0x0] =	sbarrier.arrive $0xFFFF  }
0xc8: {  	_ =	strace $0x9000004D  }
0xc9: {  	s0 =	stileid.u32;
	[bflag:$0x2] =	sbarrier.arrive $0xFFFF  }
0xca: {  	p0 =	sne.s32 s0, $0x0;
	s0 =	rddreg [dreg:$0x3]  }
0xcb: {  	s0 =	sadd.s32 @!p0 $0x100000, s0  }
0xcc: {  	[sflag:s0] =	ssyncadd.tile.s32 @!p0 $0x1;
	_ =	shalt  }
.Lfunc_end2:
_tile_overlayer_lowered:
.L_overlay_start_2:
0xcd: {  	(tag) =	ssettag $0x2  }
0xce: {  	s0 =	rddreg [dreg:$0x0];
	s2 =	stileid.u32  }
0xcf: {  	s1 =	rddreg [dreg:$0x1];
	p0 =	sne.s32 s2, $0x0  }
0xd0: {  	s3 =	rddreg [dreg:$0x2];
	[bflag:$0x3] =	sbarrier.arrive $0xFFFF;
	s2 =	simm.s32 @!p0 $0x1C07  }
0xd1: {  	[timem:s3], [sflag:s2] =	dma.local @!p0 [hbm:s0], s1  }
0xd2: {  	s0 =	simm.s32 @!p0 $0x7  }
0xd3: {  	_ =	swait.ge @!p0 [sflag:s0], s1  }
0xd4: {  	s1 =	ssub.s32 @!p0 $0x0, s1;
	[sflag:s0] =	ssyncset.done @!p0 $0x0  }
0xd5: {  	[sflag:s0] =	ssyncadd.s32 @!p0 s1  }
0xd6: {  	[bflag:$0x3] =	sbarrier.arrive $0xFFFF  }
0xd7: {  	_ =	shalt  }

// kernel: kernel.8.cloned.1.call-start
scs
__scs_entry_jumppad:
0x0: {  	(pc) =	sbr.rel $0x88, $3  }
0x1: {  	(tag) =	ssettag $0x0;
	lr =	simm.s32 $0x1  }
0x2: {  	[smem:$0x3F9B] =	sst lr;
	_ =	strace $0xD0000000  }
0x3: {  	_ = 	snop  }
0x4: {  	_ = 	snop  }
0x5: {  	_ = 	snop  }
0x6: {  	_ = 	snop  }
0x7: {  	_ = 	snop  }
__scs_overlays_trampoline_lowered:
0x8: {  	[smem:$0x3FAA] =	sst s0  }
0x9: {  	[smem:$0x3FAB] =	sst s1  }
0xa: {  	[smem:$0x3FAC] =	sst s2  }
0xb: {  	[smem:$0x3FAD] =	sst s3  }
0xc: {  	[smem:$0x3FAE] =	sst s4  }
0xd: {  	[smem:$0x3FAF] =	sst s5  }
0xe: {  	[smem:$0x3FB0] =	sst s6  }
0xf: {  	[smem:$0x3FB1] =	sst s7  }
0x10: {  	[smem:$0x3FB2] =	sst s8  }
0x11: {  	[smem:$0x3FB3] =	sst s9;
	s0 =	simm.s32 @!p0 $0x0  }
0x12: {  	s1 =	sld [smem:$0x3F99];
	s0 =	simm.s32 @p0 $0x1  }
0x13: {  	[smem:$0x3FB4] =	sst s0;
	s0 =	simm.s32 @!p1 $0x0  }
0x14: {  	s2 =	sld [smem:$0x3F98];
	s0 =	simm.s32 @p1 $0x1  }
0x15: {  	[smem:$0x3FB5] =	sst s0;
	s0 =	simm.s32 @!p2 $0x0  }
0x16: {  	s3 =	sld [smem:$0x3FDB];
	s0 =	simm.s32 @p2 $0x1  }
0x17: {  	s4 =	simm.s32 $0x1BF5;
	[smem:$0x3FB7] =	sst s0  }
0x18: {  	s0 =	sld [smem:$0x3F9A];
	_ =	swait.ge [sflag:s4], $0x0  }
0x19: {  	s7 =	sld [smem:$0x3F9B]  }
0x1a: {  	s8 =	sadd.s32 $0xFFFFE003, lr  }
0x1b: {  	s9 =	sadd.s32 $0xFFFFFEF7, lr;
	s5 =	simm.s32 $0xFFFFFFFF;
	p2 =	slt.u32 s8, $0xFFFFF086  }
0x1c: {  	p1 =	slt.u32 s9, $0xF7A;
	s5 =	simm.s32 @!p2 $0x0  }
0x1d: {  	s5 =	simm.s32 @p1 $0x1;
	p0 =	seq.s32 s7, s2  }
0x1e: {  	s7 =	smul.u32 @!p0 $0xF7A, s2;
	p2 =	seq.s32 @!p0 s5, $0x0  }
0x1f: {  	s9 =	smul.u32 $0xF7A, s1;
	s8 =	simm.s32 @!p0 $0x1BF5;
	p2 =	por !p2, p0  }
0x20: {  	[sflag:s8] =	ssyncset.s32 @!p0 $0xFFFFF086;
	s6 =	sadd.s32 @!p0 s3, s7;
	s7 =	simm.s32 @!p0 $0x108  }
0x21: {  	s3 =	sadd.s32 s3, s9;
	s6 =	sadd.s32 @!p0 $0x88, s6;
	s7 =	simm.s32 @p2 $0x1082  }
0x22: {  	[simem:s7], [sflag:s8] =	dma.local @!p0 [hbm:s6], $0xF7A  }
0x23: {  	s9 =	sor.u32 $0xD0000000, s2;
	s6 =	simm.s32 $0x108;
	_ =	swait.ge @!p0 [sflag:s8], $0x0  }
0x24: {  	s3 =	sadd.s32 $0x88, s3;
	s6 =	simm.s32 @!p1 $0x1082;
	[sflag:s4] =	ssyncset.s32 $0xFFFFF086  }
0x25: {  	[simem:s6], [sflag:s4] =	dma.local [hbm:s3], $0xF7A  }
0x26: {  	[smem:$0x3F9B] =	sst s1;
	(tag) =	ssettag s2;
	_ =	strace s9  }
0x27: {  	s1 =	sld [smem:$0x3FAB]  }
0x28: {  	s2 =	sld [smem:$0x3FAC]  }
0x29: {  	s4 =	sld [smem:$0x3FAE]  }
0x2a: {  	p0 =	seq.s32 s5, $0x0;
	s5 =	sld [smem:$0x3FAF]  }
0x2b: {  	s6 =	sld [smem:$0x3FB0]  }
0x2c: {  	s7 =	sld [smem:$0x3FB1]  }
0x2d: {  	s3 =	simm.s32 $0x108;
	s8 =	sld [smem:$0x3FB2]  }
0x2e: {  	s3 =	simm.s32 @!p0 $0x1082;
	s9 =	sld [smem:$0x3FB3]  }
0x2f: {  	lr =	sadd.s32 s0, s3;
	s0 =	sld [smem:$0x3FAA]  }
0x30: {  	s3 =	sld [smem:$0x3FAD]  }
0x31: {  	[smem:$0x3FB6] =	sst s10  }
0x32: {  	s10 =	sld [smem:$0x3FB4];
	_ =	sdelay $0x3  }
0x33: {  	p0 =	seq.s32 s10, $0x1;
	s10 =	sld [smem:$0x3FB6];
	_ =	sdelay $0x3  }
0x34: {  	[smem:$0x3FB6] =	sst s10  }
0x35: {  	s10 =	sld [smem:$0x3FB5];
	_ =	sdelay $0x3  }
0x36: {  	p1 =	seq.s32 s10, $0x1;
	s10 =	sld [smem:$0x3FB6];
	_ =	sdelay $0x3  }
0x37: {  	[smem:$0x3FB6] =	sst s10  }
0x38: {  	s10 =	sld [smem:$0x3FB7]  }
0x39: {  	_ = 	snop;
	(pc) =	sbr.ind lr, $3  }
0x3a: {  	_ = 	snop  }
0x3b: {  	_ = 	snop  }
0x3c: {  	p2 =	seq.s32 s10, $0x1;
	s10 =	sld [smem:$0x3FB6]  }
0x3d: {  	_ =	shalt  }
0x3e: {  	_ =	shalt  }
0x3f: {  	_ =	shalt  }
0x40: {  	_ =	shalt  }
0x41: {  	_ =	shalt  }
0x42: {  	_ =	shalt  }
0x43: {  	_ =	shalt  }
0x44: {  	_ =	shalt  }
0x45: {  	_ =	shalt  }
0x46: {  	_ =	shalt  }
0x47: {  	_ =	shalt  }
0x48: {  	_ =	shalt  }
0x49: {  	_ =	shalt  }
0x4a: {  	_ =	shalt  }
0x4b: {  	_ =	shalt  }
0x4c: {  	_ =	shalt  }
0x4d: {  	_ =	shalt  }
0x4e: {  	_ =	shalt  }
0x4f: {  	_ =	shalt  }
0x50: {  	_ =	shalt  }
0x51: {  	_ =	shalt  }
0x52: {  	_ =	shalt  }
0x53: {  	_ =	shalt  }
0x54: {  	_ =	shalt  }
0x55: {  	_ =	shalt  }
0x56: {  	_ =	shalt  }
0x57: {  	_ =	shalt  }
0x58: {  	_ =	shalt  }
0x59: {  	_ =	shalt  }
0x5a: {  	_ =	shalt  }
0x5b: {  	_ =	shalt  }
0x5c: {  	_ =	shalt  }
0x5d: {  	_ =	shalt  }
0x5e: {  	_ =	shalt  }
0x5f: {  	_ =	shalt  }
0x60: {  	_ =	shalt  }
0x61: {  	_ =	shalt  }
0x62: {  	_ =	shalt  }
0x63: {  	_ =	shalt  }
0x64: {  	_ =	shalt  }
0x65: {  	_ =	shalt  }
0x66: {  	_ =	shalt  }
0x67: {  	_ =	shalt  }
0x68: {  	_ =	shalt  }
0x69: {  	_ =	shalt  }
0x6a: {  	_ =	shalt  }
0x6b: {  	_ =	shalt  }
0x6c: {  	_ =	shalt  }
0x6d: {  	_ =	shalt  }
0x6e: {  	_ =	shalt  }
0x6f: {  	_ =	shalt  }
0x70: {  	_ =	shalt  }
0x71: {  	_ =	shalt  }
0x72: {  	_ =	shalt  }
0x73: {  	_ =	shalt  }
0x74: {  	_ =	shalt  }
0x75: {  	_ =	shalt  }
0x76: {  	_ =	shalt  }
0x77: {  	_ =	shalt  }
0x78: {  	_ =	shalt  }
0x79: {  	_ =	shalt  }
0x7a: {  	_ =	shalt  }
0x7b: {  	_ =	shalt  }
0x7c: {  	_ =	shalt  }
0x7d: {  	_ =	shalt  }
0x7e: {  	_ =	shalt  }
0x7f: {  	_ =	shalt  }
0x80: {  	_ =	shalt  }
0x81: {  	_ =	shalt  }
0x82: {  	_ =	shalt  }
0x83: {  	_ =	shalt  }
0x84: {  	_ =	shalt  }
0x85: {  	_ =	shalt  }
0x86: {  	_ =	shalt  }
0x87: {  	_ =	shalt  }
.Lfunc_end0:
.L_simem_size_0:
called_computation_lowered:
.L_overlay_start_0:
0x88: {  	s2 =	sld [smem:$0x3FD9]  }
0x89: {  	s3 =	sld [smem:$0x3FFE];
	_ =	sdelay $0x1  }
0x8a: {  	s1 =	srdreg.scid  }
0x8b: {  	s0 =	sand.u32 $0x1, s1  }
0x8c: {  	s17 =	sshll.u32 s0, $0xA;
	s2 =	sadd.s32 s3, s2  }
0x8d: {  	s2 =	sadd.s32 s2, s17  }
0x8e: {  	[smem:$0x3FC2] =	sst s2  }
0x8f: {  	_ = 	snop  }
0x90: {  	s2 =	sld [smem:$0x3FD0];
	(tm) =	ssettm $0x1  }
0x91: {  	s18 =	sld [smem:$0x3FFB];
	_ =	sdelay $0x3  }
0x92: {  	_ =	strace s18  }
0x93: {  	s3 =	sld [smem:$0x3FFC];
	_ =	sdelay $0x3  }
0x94: {  	_ =	strace s3  }
0x95: {  	s3 =	sld [smem:$0x3FFD];
	_ =	sdelay $0x3  }
0x96: {  	_ =	strace s3  }
0x97: {  	_ =	strace $0x8FFFFFFF  }
0x98: {  	s19 =	sld [smem:$0x3FDB];
	_ =	sdelay $0x1  }
0x99: {  	s4 =	simm.s32 $_scs_section_size  }
0x9a: {  	s5 =	simm.s32 $_size__tile_overlayer_lowered;
	s6 =	simm.s32 $_tile_overlayer_lowered  }
0x9b: {  	s22 =	simm.s32 $0x1BFF;
	s21 =	sshll.u32 s6, $0x1;
	s3 =	sadd.s32 s4, s19  }
0x9c: {  	s7 =	simm.s32 $0x0;
	s20 =	sshll.u32 s5, $0x1;
	s5 =	sadd.s32 s21, s3  }
0x9d: {  	[timem:s7], [sflag:s22] =	dma.local [hbm:s5], s20  }
0x9e: {  	_ =	swait.ge [sflag:s22], s20  }
0x9f: {  	s4 =	ssub.s32 $0x0, s20;
	[sflag:s22] =	ssyncset.done $0x0  }
0xa0: {  	[sflag:s22] =	ssyncadd.s32 s4;
	_ =	sdelay $0x1  }
0xa1: {  	s23 =	simm.s32 $0x1B8B  }
0xa2: {  	_ =	swait.ge [sflag:s23], $0x1  }
0xa3: {  	[sflag:s23] =	ssyncset.done $0x0  }
0xa4: {  	s25 =	simm.s32 $0x1B8E;
	s24 =	sld [smem:$0x3FFE];
	[sflag:s23] =	ssyncadd.s32 $0xFFFFFFFF  }
0xa5: {  	s26 =	simm.s32 $execute0_lowered;
	[smem:$0x3FD2] =	sst s25  }
0xa6: {  	s5 =	sshll.u32 s26, $0x1;
	_ =	strace $0x80000046;
	[dreg:$0x1] =	wrdreg $0xFFFFFFFF  }
0xa7: {  	s28 =	simm.s32 $_size_execute0_lowered;
	s3 =	sadd.s32 s3, s5;
	[dreg:$0x0] =	wrdreg $0x0  }
0xa8: {  	s5 =	sshll.u32 s28, $0x1;
	[dreg:$0x2] =	wrdreg s3  }
0xa9: {  	[dreg:$0x3] =	wrdreg s5  }
0xaa: {  	[dreg:$0x4] =	wrdreg $0xC0  }
0xab: {  	_ =	task [dreg:s7], $0x5FFFF  }
0xac: {  	[dreg:$0x1] =	wrdreg $0xFFFFFFFF  }
0xad: {  	[dreg:$0x0] =	wrdreg $0x60  }
0xae: {  	[dreg:$0x2] =	wrdreg s2  }
0xaf: {  	[dreg:$0x3] =	wrdreg s24  }
0xb0: {  	[dreg:$0x4] =	wrdreg $0x0  }
0xb1: {  	[dreg:$0x5] =	wrdreg $0x9  }
0xb2: {  	_ =	task.clear_ibuf [dreg:s7], $0x6FFFF;
	_ =	strace $0x90000046  }
0xb3: {  	s29 =	simm.s32 $0x9;
	_ =	strace $0x80000048  }
0xb4: {  	_ =	swait.ge [sflag:s29], $0x1  }
0xb5: {  	[sflag:s29] =	ssyncadd.s32 $0xFFFFFFFF  }
0xb6: {  	_ =	strace $0x90000048  }
0xb7: {  	_ =	sfence  }
0xb8: {  	s30 =	sld [smem:$0x0];
	_ =	sdelay $0x2  }
0xb9: {  	s31 =	sshll.u32 s1, $0xD;
	s1 =	sshrl.u32 s1, $0x2  }
0xba: {  	s3 =	sand.u32 $0x4000, s31;
	s1 =	sadd.s32 s1, s30  }
0xbb: {  	s0 =	sor.u32 s3, s0;
	s1 =	sshll.u32 s1, $0x11  }
0xbc: {  	s0 =	sor.u32 s1, s0  }
0xbd: {  	s0 =	sadd.s32 $0x8F2B, s0  }
0xbe: {  	[sflag:s0] =	ssyncadd.remote.s32 $0x1  }
0xbf: {  	_ =	sfence.sel $0xFFFF  }
0xc0: {  	[dreg:$0x0] =	wrdreg $0xFFFFFFFF;
	(pc) =	sbr.abs _section_cstart, $3  }
0xc1: {  	[dreg:$0x1] =	wrdreg $0xFFFFFFFF  }
0xc2: {  	_ =	task.clear_ibuf [dreg:s7], $0x2FFFF;
	_ =	strace $0x9FFFFFFF  }
0xc3: {  	(tm) =	ssettm $0x7FFFFFFF  }
tec
execute0_lowered:
.L_overlay_start_1:
0x0: {  	(tag) =	ssettag $0x1  }
0x1: {  	s0 =	rddreg [dreg:$0x0]  }
0x2: {  	s1 =	rddreg [dreg:$0x1]  }
0x3: {  	s2 =	rddreg [dreg:$0x2];
	s3 =	simm.s32 $0x0  }
0x4: {  	s4 =	srdreg.scid;
	s11 =	stileid.u32;
	s12 =	simm.s32 $0x680  }
0x5: {  	s13 =	simm.s32 $0x1;
	s14 =	simm.s32 $0x80;
	s15 =	simm.s32 $0xA80  }
0x6: {  	s16 =	simm.s32 $0x300;
	s17 =	simm.s32 $0x380;
	s18 =	simm.s32 $0x400  }
0x7: {  	s19 =	simm.s32 $0x480;
	s20 =	simm.s32 $0x500;
	s21 =	simm.s32 $0x580  }
0x8: {  	s22 =	simm.s32 $0x600;
	s23 =	simm.s32 $0x2;
	s28 =	simm.s32 $0x800  }
0x9: {  	s29 =	simm.s32 $0x880;
	s30 =	simm.s32 $0x900;
	s31 =	simm.s32 $0x980  }
0xa: {  	[smem:$0x7FF] =	sst s3;
	s4 =	sand.u32 $0x1, s4;
	s5 =	smul.u32 $0xA00, s11  }
0xb: {  	s7 =	smul.u32 $0x14, s11;
	s9 =	sshll.u32 s11, $0x1;
	_ =	strace $0x80000047  }
0xc: {  	s6 =	sshll.u32 s4, $0x4;
	s8 =	ssub.s32 $0x2, s4;
	s10 =	smul.u32 $0xA, s4  }
0xd: {  	s4 =	sor.u32 s4, s9;
	s1 =	sadd.s32 s6, s1;
	s26 =	sshrl.u32 s8, $0x1  }
0xe: {  	s5 =	sshrl.u32 s5, $0x2;
	s9 =	smul.u32 $0x500, s4;
	s7 =	sadd.s32 s10, s7  }
0xf: {  	s6 =	ssub.s32 s8, s26;
	s24 =	sadd.s32 s5, s2;
	s1 =	sadd.s32 $0x2000, s1  }
0x10: {  	s10 =	simm.s32 $0x3;
	s8 =	sshll.u32 s7, $0x7;
	s4 =	sadd.s32 s0, s9  }
0x11: {  	s9 =	smul.u32 $0xA0, s11;
	s25 =	smax.u32 s6, $0x1;
	[dreg:$0x4] =	wrdreg s24  }
0x12: {  	s11 =	simm.s32 $0x280;
	[dreg:$0x5] =	wrdreg s4;
	s0 =	sadd.s32 s8, s0  }
0x13: {  	[dreg:$0x6] =	wrdreg s25;
	s25 =	simm.s32 $0x700;
	s4 =	simm.s32 $0x0  }
0x14: {  	s7 =	sadd.s32 $0x100, s0;
	s8 =	sadd.s32 $0x80, s0;
	s26 =	sadd.s32 s9, s1  }
0x15: {  	v0 =	vimm.f32 $0.0e+00;
	v1 =	vimm.f32 $1.000000000e+00;
	s0 =	simm.s32 $0xA00;
	[dreg:$0x7] =	wrdreg s26;
	s26 =	simm.s32 $0x780  }
.LBB2_1:
0x16: {  	[tilespmem:$0xB00] =	vst v0  }
0x17: {  	[tilespmem:$0xB10] =	vst v0  }
0x18: {  	[tilespmem:$0xB20] =	vst v0  }
0x19: {  	[tilespmem:$0xB30] =	vst v0  }
0x1a: {  	[tilespmem:$0xB40] =	vst v0  }
0x1b: {  	[tilespmem:$0xB50] =	vst v0  }
0x1c: {  	[tilespmem:$0xB60] =	vst v0  }
0x1d: {  	[tilespmem:$0xB70] =	vst v0  }
0x1e: {  	[tilespmem:$0xB80] =	vst v0  }
0x1f: {  	[tilespmem:$0xB90] =	vst v0  }
0x20: {  	[tilespmem:$0xBA0] =	vst v0  }
0x21: {  	[tilespmem:$0xBB0] =	vst v0  }
0x22: {  	[tilespmem:$0xBC0] =	vst v0  }
0x23: {  	[tilespmem:$0xBD0] =	vst v0  }
0x24: {  	[tilespmem:$0xBE0] =	vst v0  }
0x25: {  	[tilespmem:$0xBF0] =	vst v0  }
0x26: {  	[tilespmem:$0xC00] =	vst v0  }
0x27: {  	[tilespmem:$0xC10] =	vst v0  }
0x28: {  	[tilespmem:$0xC20] =	vst v0  }
0x29: {  	[tilespmem:$0xC30] =	vst v0  }
0x2a: {  	[tilespmem:$0xC40] =	vst v0  }
0x2b: {  	[tilespmem:$0xC50] =	vst v0  }
0x2c: {  	[tilespmem:$0xC60] =	vst v0  }
0x2d: {  	[tilespmem:$0xC70] =	vst v0  }
0x2e: {  	[tilespmem:$0xC80] =	vst v0  }
0x2f: {  	[tilespmem:$0xC90] =	vst v0  }
0x30: {  	[tilespmem:$0xCA0] =	vst v0  }
0x31: {  	[tilespmem:$0xCB0] =	vst v0  }
0x32: {  	[tilespmem:$0xCC0] =	vst v0  }
0x33: {  	[tilespmem:$0xCD0] =	vst v0  }
0x34: {  	[tilespmem:$0xCE0] =	vst v0  }
0x35: {  	[tilespmem:$0xCF0] =	vst v0  }
0x36: {  	[tilespmem:$0xD00] =	vst v0  }
0x37: {  	[tilespmem:$0xD10] =	vst v0  }
0x38: {  	[tilespmem:$0xD20] =	vst v0  }
0x39: {  	[tilespmem:$0xD30] =	vst v0  }
0x3a: {  	[tilespmem:$0xD40] =	vst v0  }
0x3b: {  	[tilespmem:$0xD50] =	vst v0  }
0x3c: {  	[tilespmem:$0xD60] =	vst v0  }
0x3d: {  	[dreg:$0x8] =	wrdreg s4;
	[tilespmem:$0xD70] =	vst v0;
	s1 =	simm.s32 $0xB00  }
0x3e: {  	[spmem:s24] =	stream.linear.scatter [tilespmem:s1], [sflag:$0x3], $0x280, $0x38;
	[tilespmem:$0xD80] =	vst v63  }
0x3f: {  	_ =	swait.ge [sflag:s10], $0x280  }
0x40: {  	[sflag:s10] =	ssyncset.done $0x0  }
0x41: {  	[sflag:s10] =	ssyncadd.s32 $0xFFFFFD80  }
0x42: {  	[tilespmem:$0xA80] =	vst v1  }
0x43: {  	[tilespmem:$0xA90] =	vst v1  }
0x44: {  	[tilespmem:$0xAA0] =	vst v1  }
0x45: {  	[tilespmem:$0xAB0] =	vst v1  }
0x46: {  	[tilespmem:$0xAC0] =	vst v1  }
0x47: {  	[tilespmem:$0xAD0] =	vst v1  }
0x48: {  	[tilespmem:$0xAE0] =	vst v1  }
0x49: {  	[tilespmem:$0xAF0] =	vst v1  }
0x4a: {  	[bflag:$0x0] =	sbarrier.arrive $0xFFFF  }
0x4b: {  	s9 =	rddreg [dreg:$0x5]  }
0x4c: {  	[tilespmem:s11], [sflag:$0x1] =	stream.linear.gather [hbm4b:s9+s3], $0x400, $0x38;
	[tilespmem:$0xD80] =	vst v63  }
0x4d: {  	s24 =	sadd.s32 $0x0, s8  }
0x4e: {  	[tilespmem:s12], [sflag:$0x2] =	stream.linear.gather [hbm4b:s24+s3], $0x400, $0x38;
	[tilespmem:$0xD80] =	vst v63  }
0x4f: {  	_ =	swait.ge [sflag:s13], $0x400  }
0x50: {  	[sflag:s13] =	ssyncset.done $0x0  }
0x51: {  	[sflag:s13] =	ssyncadd.s32 $0xFFFFFC00  }
0x52: {  	[spmem:s2] =	stream.indirect.scatter.add.f32 [tilespmem:s15], [sflag:$0x3], $0x1, s11, s14, $0xb8;
	[tilespmem:$0xD80] =	vst v63  }
0x53: {  	_ =	swait.ge [sflag:s10], $0x80  }
0x54: {  	[sflag:s10] =	ssyncset.done $0x0  }
0x55: {  	[sflag:s10] =	ssyncadd.s32 $0xFFFFFF80  }
0x56: {  	[spmem:s2] =	stream.indirect.scatter.add.f32 [tilespmem:s15], [sflag:$0x3], $0x1, s16, s14, $0xb8;
	[tilespmem:$0xD80] =	vst v63  }
0x57: {  	_ =	swait.ge [sflag:s10], $0x80  }
0x58: {  	[sflag:s10] =	ssyncset.done $0x0  }
0x59: {  	[sflag:s10] =	ssyncadd.s32 $0xFFFFFF80  }
0x5a: {  	[spmem:s2] =	stream.indirect.scatter.add.f32 [tilespmem:s15], [sflag:$0x3], $0x1, s17, s14, $0xb8;
	[tilespmem:$0xD80] =	vst v63  }
0x5b: {  	_ =	swait.ge [sflag:s10], $0x80  }
0x5c: {  	[sflag:s10] =	ssyncset.done $0x0  }
0x5d: {  	[sflag:s10] =	ssyncadd.s32 $0xFFFFFF80  }
0x5e: {  	[spmem:s2] =	stream.indirect.scatter.add.f32 [tilespmem:s15], [sflag:$0x3], $0x1, s18, s14, $0xb8;
	[tilespmem:$0xD80] =	vst v63  }
0x5f: {  	_ =	swait.ge [sflag:s10], $0x80  }
0x60: {  	[sflag:s10] =	ssyncset.done $0x0  }
0x61: {  	[sflag:s10] =	ssyncadd.s32 $0xFFFFFF80  }
0x62: {  	[spmem:s2] =	stream.indirect.scatter.add.f32 [tilespmem:s15], [sflag:$0x3], $0x1, s19, s14, $0xb8;
	[tilespmem:$0xD80] =	vst v63  }
0x63: {  	_ =	swait.ge [sflag:s10], $0x80  }
0x64: {  	[sflag:s10] =	ssyncset.done $0x0  }
0x65: {  	[sflag:s10] =	ssyncadd.s32 $0xFFFFFF80  }
0x66: {  	[spmem:s2] =	stream.indirect.scatter.add.f32 [tilespmem:s15], [sflag:$0x3], $0x1, s20, s14, $0xb8;
	[tilespmem:$0xD80] =	vst v63  }
0x67: {  	_ =	swait.ge [sflag:s10], $0x80  }
0x68: {  	[sflag:s10] =	ssyncset.done $0x0  }
0x69: {  	[sflag:s10] =	ssyncadd.s32 $0xFFFFFF80  }
0x6a: {  	[spmem:s2] =	stream.indirect.scatter.add.f32 [tilespmem:s15], [sflag:$0x3], $0x1, s21, s14, $0xb8;
	[tilespmem:$0xD80] =	vst v63  }
0x6b: {  	_ =	swait.ge [sflag:s10], $0x80  }
0x6c: {  	[sflag:s10] =	ssyncset.done $0x0  }
0x6d: {  	[sflag:s10] =	ssyncadd.s32 $0xFFFFFF80  }
0x6e: {  	[spmem:s2] =	stream.indirect.scatter.add.f32 [tilespmem:s15], [sflag:$0x3], $0x1, s22, s14, $0xb8;
	[tilespmem:$0xD80] =	vst v63  }
0x6f: {  	p0 =	por $0x0, $0x0;
	_ =	swait.ge [sflag:s10], $0x80  }
0x70: {  	s1 =	sadd.s32 @!p0 $0x0, s7;
	[sflag:s10] =	ssyncset.done $0x0  }
0x71: {  	s5 =	simm.s32 @!p0 $0x0;
	s6 =	simm.s32 @!p0 $0x280;
	[sflag:s10] =	ssyncadd.s32 $0xFFFFFF80  }
0x72: {  	[tilespmem:s6], [sflag:$0x1] =	stream.linear.gather @!p0 [hbm4b:s1+s5], $0x400, $0x38;
	[tilespmem:$0xD80] =	vst v63  }
0x73: {  	_ =	swait.ge [sflag:s23], $0x400  }
0x74: {  	[sflag:s23] =	ssyncset.done $0x0  }
0x75: {  	[sflag:s23] =	ssyncadd.s32 $0xFFFFFC00  }
0x76: {  	[spmem:s2] =	stream.indirect.scatter.add.f32 [tilespmem:s15], [sflag:$0x3], $0x1, s12, s14, $0xb8;
	[tilespmem:$0xD80] =	vst v63  }
0x77: {  	_ =	swait.ge [sflag:s10], $0x80  }
0x78: {  	[sflag:s10] =	ssyncset.done $0x0  }
0x79: {  	[sflag:s10] =	ssyncadd.s32 $0xFFFFFF80  }
0x7a: {  	[spmem:s2] =	stream.indirect.scatter.add.f32 [tilespmem:s15], [sflag:$0x3], $0x1, s25, s14, $0xb8;
	[tilespmem:$0xD80] =	vst v63  }
0x7b: {  	_ =	swait.ge [sflag:s10], $0x80  }
0x7c: {  	[sflag:s10] =	ssyncset.done $0x0  }
0x7d: {  	[sflag:s10] =	ssyncadd.s32 $0xFFFFFF80  }
0x7e: {  	[spmem:s2] =	stream.indirect.scatter.add.f32 [tilespmem:s15], [sflag:$0x3], $0x1, s26, s14, $0xb8;
	[tilespmem:$0xD80] =	vst v63  }
0x7f: {  	_ =	swait.ge [sflag:s10], $0x80  }
0x80: {  	[sflag:s10] =	ssyncset.done $0x0  }
0x81: {  	[sflag:s10] =	ssyncadd.s32 $0xFFFFFF80  }
0x82: {  	[spmem:s2] =	stream.indirect.scatter.add.f32 [tilespmem:s15], [sflag:$0x3], $0x1, s28, s14, $0xb8;
	[tilespmem:$0xD80] =	vst v63  }
0x83: {  	_ =	swait.ge [sflag:s10], $0x80  }
0x84: {  	[sflag:s10] =	ssyncset.done $0x0  }
0x85: {  	[sflag:s10] =	ssyncadd.s32 $0xFFFFFF80  }
0x86: {  	[spmem:s2] =	stream.indirect.scatter.add.f32 [tilespmem:s15], [sflag:$0x3], $0x1, s29, s14, $0xb8;
	[tilespmem:$0xD80] =	vst v63  }
0x87: {  	_ =	swait.ge [sflag:s10], $0x80  }
0x88: {  	[sflag:s10] =	ssyncset.done $0x0  }
0x89: {  	[sflag:s10] =	ssyncadd.s32 $0xFFFFFF80  }
0x8a: {  	[spmem:s2] =	stream.indirect.scatter.add.f32 [tilespmem:s15], [sflag:$0x3], $0x1, s30, s14, $0xb8;
	[tilespmem:$0xD80] =	vst v63  }
0x8b: {  	_ =	swait.ge [sflag:s10], $0x80  }
0x8c: {  	[sflag:s10] =	ssyncset.done $0x0  }
0x8d: {  	[sflag:s10] =	ssyncadd.s32 $0xFFFFFF80  }
0x8e: {  	[spmem:s2] =	stream.indirect.scatter.add.f32 [tilespmem:s15], [sflag:$0x3], $0x1, s31, s14, $0xb8;
	[tilespmem:$0xD80] =	vst v63  }
0x8f: {  	_ =	swait.ge [sflag:s10], $0x80  }
0x90: {  	[sflag:s10] =	ssyncset.done $0x0  }
0x91: {  	[sflag:s10] =	ssyncadd.s32 $0xFFFFFF80  }
0x92: {  	[spmem:s2] =	stream.indirect.scatter.add.f32 [tilespmem:s15], [sflag:$0x3], $0x1, s0, s14, $0xb8;
	[tilespmem:$0xD80] =	vst v63  }
0x93: {  	s1 =	simm.s32 $0x100;
	s5 =	simm.s32 $0x200;
	_ =	swait.ge [sflag:s10], $0x80  }
.LBB2_2:
0x94: {  	s24 =	sadd.s32 s1, s8  }
0x95: {  	[sflag:s10] =	ssyncset.done $0x0;
	s6 =	smov.u32 s5;
	s5 =	sadd.s32 $0x100, s5  }
0x96: {  	p0 =	sne.s32 s5, $0x500;
	[sflag:s10] =	ssyncadd.s32 $0xFFFFFF80  }
0x97: {  	[tilespmem:s12], [sflag:$0x2] =	stream.linear.gather [hbm4b:s24+s3], $0x400, $0x38;
	[tilespmem:$0xD80] =	vst v63  }
0x98: {  	_ =	swait.ge [sflag:s13], $0x400  }
0x99: {  	[sflag:s13] =	ssyncset.done $0x0  }
0x9a: {  	[sflag:s13] =	ssyncadd.s32 $0xFFFFFC00  }
0x9b: {  	[spmem:s2] =	stream.indirect.scatter.add.f32 [tilespmem:s15], [sflag:$0x3], $0x1, s11, s14, $0xb8;
	[tilespmem:$0xD80] =	vst v63  }
0x9c: {  	_ =	swait.ge [sflag:s10], $0x80  }
0x9d: {  	[sflag:s10] =	ssyncset.done $0x0  }
0x9e: {  	[sflag:s10] =	ssyncadd.s32 $0xFFFFFF80  }
0x9f: {  	[spmem:s2] =	stream.indirect.scatter.add.f32 [tilespmem:s15], [sflag:$0x3], $0x1, s16, s14, $0xb8;
	[tilespmem:$0xD80] =	vst v63  }
0xa0: {  	_ =	swait.ge [sflag:s10], $0x80  }
0xa1: {  	[sflag:s10] =	ssyncset.done $0x0  }
0xa2: {  	[sflag:s10] =	ssyncadd.s32 $0xFFFFFF80  }
0xa3: {  	[spmem:s2] =	stream.indirect.scatter.add.f32 [tilespmem:s15], [sflag:$0x3], $0x1, s17, s14, $0xb8;
	[tilespmem:$0xD80] =	vst v63  }
0xa4: {  	_ =	swait.ge [sflag:s10], $0x80  }
0xa5: {  	[sflag:s10] =	ssyncset.done $0x0  }
0xa6: {  	[sflag:s10] =	ssyncadd.s32 $0xFFFFFF80  }
0xa7: {  	[spmem:s2] =	stream.indirect.scatter.add.f32 [tilespmem:s15], [sflag:$0x3], $0x1, s18, s14, $0xb8;
	[tilespmem:$0xD80] =	vst v63  }
0xa8: {  	_ =	swait.ge [sflag:s10], $0x80  }
0xa9: {  	[sflag:s10] =	ssyncset.done $0x0  }
0xaa: {  	[sflag:s10] =	ssyncadd.s32 $0xFFFFFF80  }
0xab: {  	[spmem:s2] =	stream.indirect.scatter.add.f32 [tilespmem:s15], [sflag:$0x3], $0x1, s19, s14, $0xb8;
	[tilespmem:$0xD80] =	vst v63  }
0xac: {  	_ =	swait.ge [sflag:s10], $0x80  }
0xad: {  	[sflag:s10] =	ssyncset.done $0x0  }
0xae: {  	[sflag:s10] =	ssyncadd.s32 $0xFFFFFF80  }
0xaf: {  	[spmem:s2] =	stream.indirect.scatter.add.f32 [tilespmem:s15], [sflag:$0x3], $0x1, s20, s14, $0xb8;
	[tilespmem:$0xD80] =	vst v63  }
0xb0: {  	_ =	swait.ge [sflag:s10], $0x80  }
0xb1: {  	[sflag:s10] =	ssyncset.done $0x0  }
0xb2: {  	[sflag:s10] =	ssyncadd.s32 $0xFFFFFF80  }
0xb3: {  	[spmem:s2] =	stream.indirect.scatter.add.f32 [tilespmem:s15], [sflag:$0x3], $0x1, s21, s14, $0xb8;
	[tilespmem:$0xD80] =	vst v63  }
0xb4: {  	_ =	swait.ge [sflag:s10], $0x80  }
0xb5: {  	[sflag:s10] =	ssyncset.done $0x0  }
0xb6: {  	[sflag:s10] =	ssyncadd.s32 $0xFFFFFF80  }
0xb7: {  	[spmem:s2] =	stream.indirect.scatter.add.f32 [tilespmem:s15], [sflag:$0x3], $0x1, s22, s14, $0xb8;
	[tilespmem:$0xD80] =	vst v63  }
0xb8: {  	p1 =	seq.s32 s1, $0x400;
	_ =	swait.ge [sflag:s10], $0x80  }
0xb9: {  	s4 =	simm.s32 @!p1 $0x0;
	s24 =	sadd.s32 @!p1 s1, s7;
	[sflag:s10] =	ssyncset.done $0x0  }
0xba: {  	s9 =	simm.s32 @!p1 $0x280;
	s1 =	smov.u32 s6;
	[sflag:s10] =	ssyncadd.s32 $0xFFFFFF80  }
0xbb: {  	[tilespmem:s9], [sflag:$0x1] =	stream.linear.gather @!p1 [hbm4b:s24+s4], $0x400, $0x38;
	[tilespmem:$0xD80] =	vst v63  }
0xbc: {  	_ =	swait.ge [sflag:s23], $0x400  }
0xbd: {  	[sflag:s23] =	ssyncset.done $0x0  }
0xbe: {  	[sflag:s23] =	ssyncadd.s32 $0xFFFFFC00  }
0xbf: {  	[spmem:s2] =	stream.indirect.scatter.add.f32 [tilespmem:s15], [sflag:$0x3], $0x1, s12, s14, $0xb8;
	[tilespmem:$0xD80] =	vst v63  }
0xc0: {  	_ =	swait.ge [sflag:s10], $0x80  }
0xc1: {  	[sflag:s10] =	ssyncset.done $0x0  }
0xc2: {  	[sflag:s10] =	ssyncadd.s32 $0xFFFFFF80  }
0xc3: {  	[spmem:s2] =	stream.indirect.scatter.add.f32 [tilespmem:s15], [sflag:$0x3], $0x1, s25, s14, $0xb8;
	[tilespmem:$0xD80] =	vst v63  }
0xc4: {  	_ =	swait.ge [sflag:s10], $0x80  }
0xc5: {  	[sflag:s10] =	ssyncset.done $0x0  }
0xc6: {  	[sflag:s10] =	ssyncadd.s32 $0xFFFFFF80  }
0xc7: {  	[spmem:s2] =	stream.indirect.scatter.add.f32 [tilespmem:s15], [sflag:$0x3], $0x1, s26, s14, $0xb8;
	[tilespmem:$0xD80] =	vst v63  }
0xc8: {  	_ =	swait.ge [sflag:s10], $0x80  }
0xc9: {  	[sflag:s10] =	ssyncset.done $0x0  }
0xca: {  	[sflag:s10] =	ssyncadd.s32 $0xFFFFFF80  }
0xcb: {  	[spmem:s2] =	stream.indirect.scatter.add.f32 [tilespmem:s15], [sflag:$0x3], $0x1, s28, s14, $0xb8;
	[tilespmem:$0xD80] =	vst v63  }
0xcc: {  	_ =	swait.ge [sflag:s10], $0x80  }
0xcd: {  	[sflag:s10] =	ssyncset.done $0x0  }
0xce: {  	[sflag:s10] =	ssyncadd.s32 $0xFFFFFF80  }
0xcf: {  	[spmem:s2] =	stream.indirect.scatter.add.f32 [tilespmem:s15], [sflag:$0x3], $0x1, s29, s14, $0xb8;
	[tilespmem:$0xD80] =	vst v63  }
0xd0: {  	_ =	swait.ge [sflag:s10], $0x80  }
0xd1: {  	[sflag:s10] =	ssyncset.done $0x0  }
0xd2: {  	[sflag:s10] =	ssyncadd.s32 $0xFFFFFF80  }
0xd3: {  	[spmem:s2] =	stream.indirect.scatter.add.f32 [tilespmem:s15], [sflag:$0x3], $0x1, s30, s14, $0xb8;
	[tilespmem:$0xD80] =	vst v63  }
0xd4: {  	_ =	swait.ge [sflag:s10], $0x80  }
0xd5: {  	[sflag:s10] =	ssyncset.done $0x0  }
0xd6: {  	[sflag:s10] =	ssyncadd.s32 $0xFFFFFF80  }
0xd7: {  	[spmem:s2] =	stream.indirect.scatter.add.f32 [tilespmem:s15], [sflag:$0x3], $0x1, s31, s14, $0xb8;
	[tilespmem:$0xD80] =	vst v63  }
.Ltmp0:
0xd8: {  	_ =	swait.ge [sflag:s10], $0x80;
	(pc) =	sbr.rel @p0 .LBB2_2-.Ltmp0, $4  }
0xd9: {  	[sflag:s10] =	ssyncset.done $0x0  }
0xda: {  	[sflag:s10] =	ssyncadd.s32 $0xFFFFFF80  }
0xdb: {  	[spmem:s2] =	stream.indirect.scatter.add.f32 [tilespmem:s15], [sflag:$0x3], $0x1, s0, s14, $0xb8;
	[tilespmem:$0xD80] =	vst v63  }
0xdc: {  	_ =	swait.ge [sflag:s10], $0x80  }
0xdd: {  	[sflag:s10] =	ssyncset.done $0x0  }
0xde: {  	s4 =	sadd.s32 s1, s8;
	[sflag:s10] =	ssyncadd.s32 $0xFFFFFF80  }
0xdf: {  	[tilespmem:s12], [sflag:$0x2] =	stream.linear.gather [hbm4b:s4+s3], $0x400, $0x38;
	[tilespmem:$0xD80] =	vst v63  }
0xe0: {  	_ =	swait.ge [sflag:s13], $0x400  }
0xe1: {  	[sflag:s13] =	ssyncset.done $0x0  }
0xe2: {  	[sflag:s13] =	ssyncadd.s32 $0xFFFFFC00  }
0xe3: {  	[spmem:s2] =	stream.indirect.scatter.add.f32 [tilespmem:s15], [sflag:$0x3], $0x1, s11, s14, $0xb8;
	[tilespmem:$0xD80] =	vst v63  }
0xe4: {  	_ =	swait.ge [sflag:s10], $0x80  }
0xe5: {  	[sflag:s10] =	ssyncset.done $0x0  }
0xe6: {  	[sflag:s10] =	ssyncadd.s32 $0xFFFFFF80  }
0xe7: {  	[spmem:s2] =	stream.indirect.scatter.add.f32 [tilespmem:s15], [sflag:$0x3], $0x1, s16, s14, $0xb8;
	[tilespmem:$0xD80] =	vst v63  }
0xe8: {  	_ =	swait.ge [sflag:s10], $0x80  }
0xe9: {  	[sflag:s10] =	ssyncset.done $0x0  }
0xea: {  	[sflag:s10] =	ssyncadd.s32 $0xFFFFFF80  }
0xeb: {  	[spmem:s2] =	stream.indirect.scatter.add.f32 [tilespmem:s15], [sflag:$0x3], $0x1, s17, s14, $0xb8;
	[tilespmem:$0xD80] =	vst v63  }
0xec: {  	_ =	swait.ge [sflag:s10], $0x80  }
0xed: {  	[sflag:s10] =	ssyncset.done $0x0  }
0xee: {  	[sflag:s10] =	ssyncadd.s32 $0xFFFFFF80  }
0xef: {  	[spmem:s2] =	stream.indirect.scatter.add.f32 [tilespmem:s15], [sflag:$0x3], $0x1, s18, s14, $0xb8;
	[tilespmem:$0xD80] =	vst v63  }
0xf0: {  	_ =	swait.ge [sflag:s10], $0x80  }
0xf1: {  	[sflag:s10] =	ssyncset.done $0x0  }
0xf2: {  	[sflag:s10] =	ssyncadd.s32 $0xFFFFFF80  }
0xf3: {  	[spmem:s2] =	stream.indirect.scatter.add.f32 [tilespmem:s15], [sflag:$0x3], $0x1, s19, s14, $0xb8;
	[tilespmem:$0xD80] =	vst v63  }
0xf4: {  	_ =	swait.ge [sflag:s10], $0x80  }
0xf5: {  	[sflag:s10] =	ssyncset.done $0x0  }
0xf6: {  	[sflag:s10] =	ssyncadd.s32 $0xFFFFFF80  }
0xf7: {  	[spmem:s2] =	stream.indirect.scatter.add.f32 [tilespmem:s15], [sflag:$0x3], $0x1, s20, s14, $0xb8;
	[tilespmem:$0xD80] =	vst v63  }
0xf8: {  	_ =	swait.ge [sflag:s10], $0x80  }
0xf9: {  	[sflag:s10] =	ssyncset.done $0x0  }
0xfa: {  	[sflag:s10] =	ssyncadd.s32 $0xFFFFFF80  }
0xfb: {  	[spmem:s2] =	stream.indirect.scatter.add.f32 [tilespmem:s15], [sflag:$0x3], $0x1, s21, s14, $0xb8;
	[tilespmem:$0xD80] =	vst v63  }
0xfc: {  	_ =	swait.ge [sflag:s10], $0x80  }
0xfd: {  	[sflag:s10] =	ssyncset.done $0x0  }
0xfe: {  	[sflag:s10] =	ssyncadd.s32 $0xFFFFFF80  }
0xff: {  	[spmem:s2] =	stream.indirect.scatter.add.f32 [tilespmem:s15], [sflag:$0x3], $0x1, s22, s14, $0xb8;
	[tilespmem:$0xD80] =	vst v63  }
0x100: {  	p0 =	seq.s32 s1, $0x400;
	_ =	swait.ge [sflag:s10], $0x80  }
0x101: {  	s1 =	sadd.s32 @!p0 s1, s7;
	[sflag:s10] =	ssyncset.done $0x0  }
0x102: {  	s5 =	simm.s32 @!p0 $0x280;
	s4 =	simm.s32 @!p0 $0x0;
	[sflag:s10] =	ssyncadd.s32 $0xFFFFFF80  }
0x103: {  	[tilespmem:s5], [sflag:$0x1] =	stream.linear.gather @!p0 [hbm4b:s1+s4], $0x400, $0x38;
	[tilespmem:$0xD80] =	vst v63  }
0x104: {  	_ =	swait.ge [sflag:s23], $0x400  }
0x105: {  	[sflag:s23] =	ssyncset.done $0x0  }
0x106: {  	[sflag:s23] =	ssyncadd.s32 $0xFFFFFC00  }
0x107: {  	[spmem:s2] =	stream.indirect.scatter.add.f32 [tilespmem:s15], [sflag:$0x3], $0x1, s12, s14, $0xb8;
	[tilespmem:$0xD80] =	vst v63  }
0x108: {  	_ =	swait.ge [sflag:s10], $0x80  }
0x109: {  	[sflag:s10] =	ssyncset.done $0x0  }
0x10a: {  	[sflag:s10] =	ssyncadd.s32 $0xFFFFFF80  }
0x10b: {  	[spmem:s2] =	stream.indirect.scatter.add.f32 [tilespmem:s15], [sflag:$0x3], $0x1, s25, s14, $0xb8;
	[tilespmem:$0xD80] =	vst v63  }
0x10c: {  	_ =	swait.ge [sflag:s10], $0x80  }
0x10d: {  	[sflag:s10] =	ssyncset.done $0x0  }
0x10e: {  	[sflag:s10] =	ssyncadd.s32 $0xFFFFFF80  }
0x10f: {  	[spmem:s2] =	stream.indirect.scatter.add.f32 [tilespmem:s15], [sflag:$0x3], $0x1, s26, s14, $0xb8;
	[tilespmem:$0xD80] =	vst v63  }
0x110: {  	_ =	swait.ge [sflag:s10], $0x80  }
0x111: {  	[sflag:s10] =	ssyncset.done $0x0  }
0x112: {  	[sflag:s10] =	ssyncadd.s32 $0xFFFFFF80  }
0x113: {  	[spmem:s2] =	stream.indirect.scatter.add.f32 [tilespmem:s15], [sflag:$0x3], $0x1, s28, s14, $0xb8;
	[tilespmem:$0xD80] =	vst v63  }
0x114: {  	_ =	swait.ge [sflag:s10], $0x80  }
0x115: {  	[sflag:s10] =	ssyncset.done $0x0  }
0x116: {  	[sflag:s10] =	ssyncadd.s32 $0xFFFFFF80  }
0x117: {  	[spmem:s2] =	stream.indirect.scatter.add.f32 [tilespmem:s15], [sflag:$0x3], $0x1, s29, s14, $0xb8;
	[tilespmem:$0xD80] =	vst v63  }
0x118: {  	_ =	swait.ge [sflag:s10], $0x80  }
0x119: {  	[sflag:s10] =	ssyncset.done $0x0  }
0x11a: {  	[sflag:s10] =	ssyncadd.s32 $0xFFFFFF80  }
0x11b: {  	[spmem:s2] =	stream.indirect.scatter.add.f32 [tilespmem:s15], [sflag:$0x3], $0x1, s30, s14, $0xb8;
	[tilespmem:$0xD80] =	vst v63  }
0x11c: {  	_ =	swait.ge [sflag:s10], $0x80  }
0x11d: {  	[sflag:s10] =	ssyncset.done $0x0  }
0x11e: {  	[sflag:s10] =	ssyncadd.s32 $0xFFFFFF80  }
0x11f: {  	[spmem:s2] =	stream.indirect.scatter.add.f32 [tilespmem:s15], [sflag:$0x3], $0x1, s31, s14, $0xb8;
	[tilespmem:$0xD80] =	vst v63  }
0x120: {  	_ =	swait.ge [sflag:s10], $0x80  }
0x121: {  	[sflag:s10] =	ssyncset.done $0x0  }
0x122: {  	[sflag:s10] =	ssyncadd.s32 $0xFFFFFF80  }
0x123: {  	[spmem:s2] =	stream.indirect.scatter.add.f32 [tilespmem:s15], [sflag:$0x3], $0x1, s0, s14, $0xb8;
	[tilespmem:$0xD80] =	vst v63  }
0x124: {  	_ =	swait.ge [sflag:s10], $0x80  }
0x125: {  	[sflag:s10] =	ssyncset.done $0x0  }
0x126: {  	[sflag:s10] =	ssyncadd.s32 $0xFFFFFF80  }
0x127: {  	s6 =	simm.s32 $0x20;
	s5 =	stileid.u32;
	[bflag:$0x0] =	sbarrier.arrive $0xFFFF  }
0x128: {  	s9 =	simm.s32 $0x10;
	s1 =	sshll.u32 s5, $0x6;
	s24 =	rddreg [dreg:$0x4]  }
0x129: {  	s1 =	sor.u32 $0x1C03, s1;
	s5 =	rddreg [dreg:$0x7];
	s4 =	sshrl.u32 s24, $0x3  }
0x12a: {  	[hbm:s5@s6], [sflag:s1] =	dma.strided [spmem:s4@s9], $0x50, s13, $0x10   }
0x12b: {  	_ =	swait.ge [sflag:s10], $0x50  }
0x12c: {  	s6 =	rddreg [dreg:$0x8]  }
0x12d: {  	s9 =	rddreg [dreg:$0x6];
	s4 =	sadd.s32 $0x1, s6  }
0x12e: {  	p0 =	sne.s32 s4, s9  }
.Ltmp1:
0x12f: {  	_ = 	snop;
	(pc) =	sbr.rel @p0 .LBB2_1-.Ltmp1, $3  }
0x130: {  	_ =	sdelay $0x1  }
0x131: {  	[sflag:s10] =	ssyncset.done $0x0  }
0x132: {  	[sflag:s10] =	ssyncadd.s32 $0xFFFFFFB0  }
0x133: {  	_ =	sfence.sel $0x180000  }
0x134: {  	[bflag:$0x0] =	sbarrier.arrive $0xFFFF  }
0x135: {  	_ =	strace $0x90000047  }
0x136: {  	s0 =	stileid.u32;
	[bflag:$0x2] =	sbarrier.arrive $0xFFFF  }
0x137: {  	p0 =	sne.s32 s0, $0x0;
	s0 =	rddreg [dreg:$0x3]  }
0x138: {  	s0 =	sadd.s32 @!p0 $0x100000, s0  }
0x139: {  	[sflag:s0] =	ssyncadd.tile.s32 @!p0 $0x1;
	_ =	shalt  }
.Lfunc_end2:
_tile_overlayer_lowered:
.L_overlay_start_2:
0x13a: {  	(tag) =	ssettag $0x2  }
0x13b: {  	s0 =	rddreg [dreg:$0x0];
	s2 =	stileid.u32  }
0x13c: {  	s1 =	rddreg [dreg:$0x1];
	p0 =	sne.s32 s2, $0x0  }
0x13d: {  	s3 =	rddreg [dreg:$0x2];
	[bflag:$0x3] =	sbarrier.arrive $0xFFFF;
	s2 =	simm.s32 @!p0 $0x1C03  }
0x13e: {  	[timem:s3], [sflag:s2] =	dma.local @!p0 [hbm:s0], s1  }
0x13f: {  	s0 =	simm.s32 @!p0 $0x3  }
0x140: {  	_ =	swait.ge @!p0 [sflag:s0], s1  }
0x141: {  	s1 =	ssub.s32 @!p0 $0x0, s1;
	[sflag:s0] =	ssyncset.done @!p0 $0x0  }
0x142: {  	[sflag:s0] =	ssyncadd.s32 @!p0 s1  }
0x143: {  	[bflag:$0x3] =	sbarrier.arrive $0xFFFF  }
0x144: {  	_ =	shalt  }

</sc_bundles>
